<compile_context>
chip_gen: v7x
topology: tpu7x:2x2x1
jax: 0.10.2.dev20260603
libtpu: 0.0.44.dev20260713+nightly
codegen_flags: <defaults>
</compile_context>

<pallas_src>
import functools

import jax
import jax.numpy as jnp
from jax import lax
from jax.experimental import pallas as pl
from jax.experimental.pallas import tpu as pltpu
from jax.experimental.pallas import tpu_sc as plsc

_CHUNK = 128
_NBUF = 4
_IDXBLK = 8


@functools.cache
def _build(n_rows: int, d: int, n_bins: int):
  info = plsc.get_sparse_core_info()
  nw = info.num_cores * info.num_subcores
  assert n_rows % (nw * _CHUNK * 2 * _IDXBLK) == 0
  assert n_bins % 8 == 0
  per_w = n_rows // nw
  n_chunks = per_w // _CHUNK
  n_blocks = n_chunks // _IDXBLK

  mesh = plsc.VectorSubcoreMesh(core_axis_name="c", subcore_axis_name="s")

  @functools.partial(
      pl.kernel,
      mesh=mesh,
      out_type=jax.ShapeDtypeStruct((n_rows, d), jnp.float32),
      scratch_types=[
          pltpu.VMEM((_IDXBLK, _CHUNK), jnp.int32),
          pltpu.VMEM((_IDXBLK, _CHUNK), jnp.int32),
          pltpu.VMEM((_NBUF * _CHUNK, d), jnp.float32),
          pltpu.VMEM_SHARED((info.num_subcores * n_bins, d), jnp.float32),
      ] + [pltpu.SemaphoreType.DMA] * (2 + 2 * _NBUF),
  )
  def emb(ids_hbm, table_hbm, out_hbm, idx0, idx1, rows, table_sh, *sems):
    sidx0, sidx1 = sems[0], sems[1]
    sg = sems[2:2 + _NBUF]
    ss = sems[2 + _NBUF:]

    sid = lax.axis_index("s")
    my_tbl = table_sh.at[pl.ds(sid * n_bins, n_bins)]
    pltpu.sync_copy(table_hbm, my_tbl)

    wid = lax.axis_index("s") * info.num_cores + lax.axis_index("c")
    out_base = wid * per_w
    id_base = wid * n_chunks
    last_id_row = id_base + n_chunks - _IDXBLK

    def rbuf(j):
      return rows.at[pl.ds(j * _CHUNK, _CHUNK)]

    def idx_start(dst, sem, id_row):
      r = jnp.minimum(id_row, last_id_row)
      pltpu.async_copy(ids_hbm.at[pl.ds(r, _IDXBLK)], dst, sem)

    def idx_wait(dst, sem):
      pltpu.make_async_copy(ids_hbm.at[pl.ds(id_base, _IDXBLK)], dst, sem).wait()

    def gather_start(idx, j, b):
      pltpu.async_copy(my_tbl.at[idx.at[j]], rbuf(b), sg[b])

    def gather_wait(idx, j, b):
      pltpu.make_async_copy(my_tbl.at[idx.at[j]], rbuf(b), sg[b]).wait()

    def scatter_start(j, off):
      pltpu.async_copy(rbuf(j), out_hbm.at[pl.ds(off, _CHUNK)], ss[j])

    def scatter_wait(j):
      pltpu.make_async_copy(rbuf(j), out_hbm.at[pl.ds(out_base, _CHUNK)],
                            ss[j]).wait()

    def block(u, idx_cur, idx_nxt, sem_nxt, first):
      base = out_base + u * (_IDXBLK * _CHUNK)
      idx_start(idx_nxt, sem_nxt, id_base + (u + 1) * _IDXBLK)
      for j in range(_IDXBLK):
        b = j % _NBUF
        if j >= _NBUF or not first:
          scatter_wait(b)
        gather_start(idx_cur, j, b)
        if j:
          gather_wait(idx_cur, j - 1, (j - 1) % _NBUF)
          scatter_start((j - 1) % _NBUF, base + (j - 1) * _CHUNK)
      gather_wait(idx_cur, _IDXBLK - 1, (_IDXBLK - 1) % _NBUF)
      scatter_start((_IDXBLK - 1) % _NBUF, base + (_IDXBLK - 1) * _CHUNK)
      idx_wait(idx_nxt, sem_nxt)

    def body(t, carry):
      block(2 * t, idx0, idx1, sidx1, first=False)
      block(2 * t + 1, idx1, idx0, sidx0, first=False)
      return carry

    pltpu.sync_copy(ids_hbm.at[pl.ds(id_base, _IDXBLK)], idx0)
    block(0, idx0, idx1, sidx1, first=True)
    block(1, idx1, idx0, sidx0, first=False)
    lax.fori_loop(1, n_blocks // 2, body, 0)
    for b in range(_NBUF):
      scatter_wait(b)

  return emb


def kernel(value_ids, value_floats, bin_emb_weight):
  del value_floats
  b, l = value_ids.shape
  n_bins, d = bin_emb_weight.shape
  n_rows = b * l
  n_pad = -(-n_bins // 8) * 8
  table_pad = jnp.pad(bin_emb_weight.astype(jnp.float32),
                      ((0, n_pad - n_bins), (0, 0)))
  ids2d = value_ids.reshape(n_rows // _CHUNK, _CHUNK).astype(jnp.int32)
  emb = _build(n_rows, d, n_pad)
  out = emb(ids2d, table_pad)
  return out.reshape(b, l, d)

# --- scband reference (transcript-rebuilt; emitter-appended) ---
"""Pipeline reference for scband-value-embedding-67456756351506 (READ-ONLY COPY).

The authoritative reference and input builder live on the scoring server;
editing this copy changes nothing except your own understanding.
"""

import jax, jax.numpy as jnp
import numpy as np

N_BINS = 51
D_MODEL = 128
B = 16384
L = 200

def setup_inputs(seed: int = 0) -> dict:
    key = jax.random.key(seed)
    k_ids, k_emb = jax.random.split(key, 2)
    value_ids = jax.random.randint(k_ids, (B, L), 0, N_BINS, dtype=jnp.int64 if jax.config.jax_enable_x64 else jnp.int32)
    value_floats = jnp.zeros((B, L), dtype=jnp.float32)
    bin_emb_weight = 0.02 * jax.random.normal(k_emb, (N_BINS, D_MODEL), dtype=jnp.float32)
    return {"value_ids": value_ids, "value_floats": value_floats, "bin_emb_weight": bin_emb_weight}

def reference(value_ids, value_floats, bin_emb_weight):
    # mode == 'bin': simple embedding lookup; value_floats is unused in this mode
    return jnp.take(bin_emb_weight, value_ids, axis=0)

if __name__ == "__main__":
    import jax
    _d = setup_inputs()
    print(jax.jit(kernel)(*tuple(_d.values())))

</pallas_src>

<mosaic_0001>
#map = affine_map<(d0, d1) -> (0, 0)>
module attributes {stable_mosaic.version = 14 : i64} {
  func.func @emb(%arg0: i32, %arg1: i32, %arg2: memref<25600x128xi32, #tpu.memory_space<hbm>>, %arg3: memref<56x128xf32, #tpu.memory_space<hbm>>, %arg4: memref<3276800x128xf32, #tpu.memory_space<hbm>>, %arg5: memref<8x128xi32, #tpu.memory_space<vmem>>, %arg6: memref<8x128xi32, #tpu.memory_space<vmem>>, %arg7: memref<512x128xf32, #tpu.memory_space<vmem>>, %arg8: memref<896x128xf32, #tpu.memory_space<vmem_shared>>, %arg9: memref<!tpu.dma_semaphore, #tpu.memory_space<semaphore_mem>>, %arg10: memref<!tpu.dma_semaphore, #tpu.memory_space<semaphore_mem>>, %arg11: memref<!tpu.dma_semaphore, #tpu.memory_space<semaphore_mem>>, %arg12: memref<!tpu.dma_semaphore, #tpu.memory_space<semaphore_mem>>, %arg13: memref<!tpu.dma_semaphore, #tpu.memory_space<semaphore_mem>>, %arg14: memref<!tpu.dma_semaphore, #tpu.memory_space<semaphore_mem>>, %arg15: memref<!tpu.dma_semaphore, #tpu.memory_space<semaphore_mem>>, %arg16: memref<!tpu.dma_semaphore, #tpu.memory_space<semaphore_mem>>, %arg17: memref<!tpu.dma_semaphore, #tpu.memory_space<semaphore_mem>>, %arg18: memref<!tpu.dma_semaphore, #tpu.memory_space<semaphore_mem>>) attributes {dimension_semantics = [#tpu.dimension_semantics<core_parallel>, #tpu.dimension_semantics<subcore_parallel>], iteration_bounds = array<i64: 2, 16>, scalar_prefetch = 0 : i64, scratch_operands = 14 : i64, tpu.core_type = #tpu.core_type<sc_vector_subcore>, window_params = [{transform_indices = #map}, {transform_indices = #map}, {transform_indices = #map}]} {
    %mul3A = arith.constant 56 : i32
    %mul3A_0 = arith.muli %arg1, %mul3A : i32
    "tpu.region"() ({
      %run_scoped3A = tpu.sem_alloc : memref<!tpu.dma_semaphore, #tpu.memory_space<semaphore_mem>>
      %dma_start3A_774 = arith.constant 0 : i32
      %dma_start3A_775 = tpu.memref_slice %arg8[%mul3A_0, %dma_start3A_774] : memref<896x128xf32, #tpu.memory_space<vmem_shared>> -> memref<56x128xf32, #tpu.memory_space<vmem_shared>>
      tpu.enqueue_dma source(%arg3 : memref<56x128xf32, #tpu.memory_space<hbm>>) target(%dma_start3A_775 : memref<56x128xf32, #tpu.memory_space<vmem_shared>>) target_semaphore(%run_scoped3A : memref<!tpu.dma_semaphore, #tpu.memory_space<semaphore_mem>>)
      %dma_wait3A_776 = arith.constant 0 : i32
      %dma_wait3A_777 = tpu.memref_slice %arg8[%mul3A_0, %dma_wait3A_776] : memref<896x128xf32, #tpu.memory_space<vmem_shared>> -> memref<56x128xf32, #tpu.memory_space<vmem_shared>>
      tpu.wait_dma2 semaphore(%run_scoped3A : memref<!tpu.dma_semaphore, #tpu.memory_space<semaphore_mem>>) src(%arg3 : memref<56x128xf32, #tpu.memory_space<hbm>>) dst(%dma_wait3A_777 : memref<56x128xf32, #tpu.memory_space<vmem_shared>>)
      tpu.yield
    }) : () -> ()
    %mul3A_1 = arith.constant 2 : i32
    %mul3A_2 = arith.muli %arg1, %mul3A_1 : i32
    %add3A = arith.addi %mul3A_2, %arg0 : i32
    %mul3A_3 = arith.constant 102400 : i32
    %mul3A_4 = arith.muli %add3A, %mul3A_3 : i32
    %mul3A_5 = arith.constant 800 : i32
    %mul3A_6 = arith.muli %add3A, %mul3A_5 : i32
    %add3A_7 = arith.constant 800 : i32
    %add3A_8 = arith.addi %mul3A_6, %add3A_7 : i32
    %sub3A = arith.constant 8 : i32
    %sub3A_9 = arith.subi %add3A_8, %sub3A : i32
    "tpu.region"() ({
      %run_scoped3A = tpu.sem_alloc : memref<!tpu.dma_semaphore, #tpu.memory_space<semaphore_mem>>
      %dma_start3A_774 = arith.constant 0 : i32
      %dma_start3A_775 = tpu.memref_slice %arg2[%mul3A_6, %dma_start3A_774] : memref<25600x128xi32, #tpu.memory_space<hbm>> -> memref<8x128xi32, #tpu.memory_space<hbm>>
      %dma_start3A_776 = arith.constant 0 : i32
      %dma_start3A_777 = tpu.memref_slice %arg2[%mul3A_6, %dma_start3A_776] : memref<25600x128xi32, #tpu.memory_space<hbm>> -> memref<8x128xi32, #tpu.memory_space<hbm>>
      tpu.enqueue_dma source(%dma_start3A_777 : memref<8x128xi32, #tpu.memory_space<hbm>>) target(%arg5 : memref<8x128xi32, #tpu.memory_space<vmem>>) target_semaphore(%run_scoped3A : memref<!tpu.dma_semaphore, #tpu.memory_space<semaphore_mem>>)
      %dma_wait3A_778 = arith.constant 0 : i32
      %dma_wait3A_779 = tpu.memref_slice %arg2[%mul3A_6, %dma_wait3A_778] : memref<25600x128xi32, #tpu.memory_space<hbm>> -> memref<8x128xi32, #tpu.memory_space<hbm>>
      %dma_wait3A_780 = arith.constant 0 : i32
      %dma_wait3A_781 = tpu.memref_slice %arg2[%mul3A_6, %dma_wait3A_780] : memref<25600x128xi32, #tpu.memory_space<hbm>> -> memref<8x128xi32, #tpu.memory_space<hbm>>
      tpu.wait_dma2 semaphore(%run_scoped3A : memref<!tpu.dma_semaphore, #tpu.memory_space<semaphore_mem>>) src(%dma_wait3A_781 : memref<8x128xi32, #tpu.memory_space<hbm>>) dst(%arg5 : memref<8x128xi32, #tpu.memory_space<vmem>>)
      tpu.yield
    }) : () -> ()
    %add3A_10 = arith.constant 0 : i32
    %add3A_11 = arith.addi %mul3A_4, %add3A_10 : i32
    %add3A_12 = arith.constant 8 : i32
    %add3A_13 = arith.addi %mul3A_6, %add3A_12 : i32
    %min3A = arith.minsi %add3A_13, %sub3A_9 : i32
    %dma_start3A = arith.constant 0 : i32
    %dma_start3A_14 = tpu.memref_slice %arg2[%min3A, %dma_start3A] : memref<25600x128xi32, #tpu.memory_space<hbm>> -> memref<8x128xi32, #tpu.memory_space<hbm>>
    %dma_start3A_15 = arith.constant 0 : i32
    %dma_start3A_16 = tpu.memref_slice %arg2[%min3A, %dma_start3A_15] : memref<25600x128xi32, #tpu.memory_space<hbm>> -> memref<8x128xi32, #tpu.memory_space<hbm>>
    tpu.enqueue_dma source(%dma_start3A_16 : memref<8x128xi32, #tpu.memory_space<hbm>>) target(%arg6 : memref<8x128xi32, #tpu.memory_space<vmem>>) target_semaphore(%arg10 : memref<!tpu.dma_semaphore, #tpu.memory_space<semaphore_mem>>)
    %dma_start3A_17 = arith.constant 0 : i32
    %dma_start3A_18 = arith.constant 0 : i32
    %dma_start3A_19 = arith.constant 0 : i32
    %dma_start3A_20 = tpu.memref_slice %arg7[%dma_start3A_18, %dma_start3A_19] : memref<512x128xf32, #tpu.memory_space<vmem>> -> memref<128x128xf32, #tpu.memory_space<vmem>>
    %dma_start3A_21 = arith.constant 0 : i32
    %dma_start3A_22 = tpu.memref_slice %arg5[%dma_start3A_17, %dma_start3A_21] : memref<8x128xi32, #tpu.memory_space<vmem>> -> memref<1x128xi32, #tpu.memory_space<vmem>>
    %dma_start3A_23 = tpu.memref_squeeze %dma_start3A_22 : memref<1x128xi32, #tpu.memory_space<vmem>> -> memref<128xi32, #tpu.memory_space<vmem>>
    %dma_start3A_24 = arith.constant 0 : i32
    %dma_start3A_25 = tpu.memref_slice %arg8[%mul3A_0, %dma_start3A_24] : memref<896x128xf32, #tpu.memory_space<vmem_shared>> -> memref<56x128xf32, #tpu.memory_space<vmem_shared>>
    %dma_start3A_26 = arith.constant 0 : i32
    %dma_start3A_27 = arith.constant 0 : i32
    %dma_start3A_28 = tpu.memref_slice %dma_start3A_25[%dma_start3A_26, %dma_start3A_27] : memref<56x128xf32, #tpu.memory_space<vmem_shared>> -> memref<56x128xf32, #tpu.memory_space<vmem_shared>>
    tpu.enqueue_indirect_dma source(%dma_start3A_28 : memref<56x128xf32, #tpu.memory_space<vmem_shared>>) target(%dma_start3A_20 : memref<128x128xf32, #tpu.memory_space<vmem>>) offsets(%dma_start3A_23 : memref<128xi32, #tpu.memory_space<vmem>>) semaphore(%arg11 : memref<!tpu.dma_semaphore, #tpu.memory_space<semaphore_mem>>)
    %dma_start3A_29 = arith.constant 1 : i32
    %dma_start3A_30 = arith.constant 128 : i32
    %dma_start3A_31 = arith.constant 0 : i32
    %dma_start3A_32 = tpu.memref_slice %arg7[%dma_start3A_30, %dma_start3A_31] : memref<512x128xf32, #tpu.memory_space<vmem>> -> memref<128x128xf32, #tpu.memory_space<vmem>>
    %dma_start3A_33 = arith.constant 0 : i32
    %dma_start3A_34 = tpu.memref_slice %arg5[%dma_start3A_29, %dma_start3A_33] : memref<8x128xi32, #tpu.memory_space<vmem>> -> memref<1x128xi32, #tpu.memory_space<vmem>>
    %dma_start3A_35 = tpu.memref_squeeze %dma_start3A_34 : memref<1x128xi32, #tpu.memory_space<vmem>> -> memref<128xi32, #tpu.memory_space<vmem>>
    %dma_start3A_36 = arith.constant 0 : i32
    %dma_start3A_37 = tpu.memref_slice %arg8[%mul3A_0, %dma_start3A_36] : memref<896x128xf32, #tpu.memory_space<vmem_shared>> -> memref<56x128xf32, #tpu.memory_space<vmem_shared>>
    %dma_start3A_38 = arith.constant 0 : i32
    %dma_start3A_39 = arith.constant 0 : i32
    %dma_start3A_40 = tpu.memref_slice %dma_start3A_37[%dma_start3A_38, %dma_start3A_39] : memref<56x128xf32, #tpu.memory_space<vmem_shared>> -> memref<56x128xf32, #tpu.memory_space<vmem_shared>>
    tpu.enqueue_indirect_dma source(%dma_start3A_40 : memref<56x128xf32, #tpu.memory_space<vmem_shared>>) target(%dma_start3A_32 : memref<128x128xf32, #tpu.memory_space<vmem>>) offsets(%dma_start3A_35 : memref<128xi32, #tpu.memory_space<vmem>>) semaphore(%arg12 : memref<!tpu.dma_semaphore, #tpu.memory_space<semaphore_mem>>)
    %dma_wait3A = arith.constant 0 : i32
    %dma_wait3A_41 = arith.constant 0 : i32
    %dma_wait3A_42 = arith.constant 0 : i32
    %dma_wait3A_43 = tpu.memref_slice %arg7[%dma_wait3A_41, %dma_wait3A_42] : memref<512x128xf32, #tpu.memory_space<vmem>> -> memref<128x128xf32, #tpu.memory_space<vmem>>
    %dma_wait3A_44 = arith.constant 0 : i32
    %dma_wait3A_45 = tpu.memref_slice %arg5[%dma_wait3A, %dma_wait3A_44] : memref<8x128xi32, #tpu.memory_space<vmem>> -> memref<1x128xi32, #tpu.memory_space<vmem>>
    %dma_wait3A_46 = tpu.memref_squeeze %dma_wait3A_45 : memref<1x128xi32, #tpu.memory_space<vmem>> -> memref<128xi32, #tpu.memory_space<vmem>>
    %dma_wait3A_47 = arith.constant 0 : i32
    %dma_wait3A_48 = tpu.memref_slice %arg8[%mul3A_0, %dma_wait3A_47] : memref<896x128xf32, #tpu.memory_space<vmem_shared>> -> memref<56x128xf32, #tpu.memory_space<vmem_shared>>
    %dma_wait3A_49 = arith.constant 0 : i32
    %dma_wait3A_50 = arith.constant 0 : i32
    %dma_wait3A_51 = tpu.memref_slice %dma_wait3A_48[%dma_wait3A_49, %dma_wait3A_50] : memref<56x128xf32, #tpu.memory_space<vmem_shared>> -> memref<56x128xf32, #tpu.memory_space<vmem_shared>>
    tpu.wait_indirect_dma semaphore(%arg11 : memref<!tpu.dma_semaphore, #tpu.memory_space<semaphore_mem>>) src(%dma_wait3A_51 : memref<56x128xf32, #tpu.memory_space<vmem_shared>>) dst(%dma_wait3A_43 : memref<128x128xf32, #tpu.memory_space<vmem>>)
    %add3A_52 = arith.constant 0 : i32
    %add3A_53 = arith.addi %add3A_11, %add3A_52 : i32
    %dma_start3A_54 = arith.constant 0 : i32
    %dma_start3A_55 = arith.constant 0 : i32
    %dma_start3A_56 = tpu.memref_slice %arg7[%dma_start3A_54, %dma_start3A_55] : memref<512x128xf32, #tpu.memory_space<vmem>> -> memref<128x128xf32, #tpu.memory_space<vmem>>
    %dma_start3A_57 = arith.constant 0 : i32
    %dma_start3A_58 = tpu.memref_slice %arg4[%add3A_53, %dma_start3A_57] : memref<3276800x128xf32, #tpu.memory_space<hbm>> -> memref<128x128xf32, #tpu.memory_space<hbm>>
    %dma_start3A_59 = arith.constant 0 : i32
    %dma_start3A_60 = tpu.memref_slice %arg4[%add3A_53, %dma_start3A_59] : memref<3276800x128xf32, #tpu.memory_space<hbm>> -> memref<128x128xf32, #tpu.memory_space<hbm>>
    %dma_start3A_61 = arith.constant 0 : i32
    %dma_start3A_62 = arith.constant 0 : i32
    %dma_start3A_63 = tpu.memref_slice %arg7[%dma_start3A_61, %dma_start3A_62] : memref<512x128xf32, #tpu.memory_space<vmem>> -> memref<128x128xf32, #tpu.memory_space<vmem>>
    tpu.enqueue_dma source(%dma_start3A_63 : memref<128x128xf32, #tpu.memory_space<vmem>>) target(%dma_start3A_60 : memref<128x128xf32, #tpu.memory_space<hbm>>) target_semaphore(%arg15 : memref<!tpu.dma_semaphore, #tpu.memory_space<semaphore_mem>>)
    %dma_start3A_64 = arith.constant 2 : i32
    %dma_start3A_65 = arith.constant 256 : i32
    %dma_start3A_66 = arith.constant 0 : i32
    %dma_start3A_67 = tpu.memref_slice %arg7[%dma_start3A_65, %dma_start3A_66] : memref<512x128xf32, #tpu.memory_space<vmem>> -> memref<128x128xf32, #tpu.memory_space<vmem>>
    %dma_start3A_68 = arith.constant 0 : i32
    %dma_start3A_69 = tpu.memref_slice %arg5[%dma_start3A_64, %dma_start3A_68] : memref<8x128xi32, #tpu.memory_space<vmem>> -> memref<1x128xi32, #tpu.memory_space<vmem>>
    %dma_start3A_70 = tpu.memref_squeeze %dma_start3A_69 : memref<1x128xi32, #tpu.memory_space<vmem>> -> memref<128xi32, #tpu.memory_space<vmem>>
    %dma_start3A_71 = arith.constant 0 : i32
    %dma_start3A_72 = tpu.memref_slice %arg8[%mul3A_0, %dma_start3A_71] : memref<896x128xf32, #tpu.memory_space<vmem_shared>> -> memref<56x128xf32, #tpu.memory_space<vmem_shared>>
    %dma_start3A_73 = arith.constant 0 : i32
    %dma_start3A_74 = arith.constant 0 : i32
    %dma_start3A_75 = tpu.memref_slice %dma_start3A_72[%dma_start3A_73, %dma_start3A_74] : memref<56x128xf32, #tpu.memory_space<vmem_shared>> -> memref<56x128xf32, #tpu.memory_space<vmem_shared>>
    tpu.enqueue_indirect_dma source(%dma_start3A_75 : memref<56x128xf32, #tpu.memory_space<vmem_shared>>) target(%dma_start3A_67 : memref<128x128xf32, #tpu.memory_space<vmem>>) offsets(%dma_start3A_70 : memref<128xi32, #tpu.memory_space<vmem>>) semaphore(%arg13 : memref<!tpu.dma_semaphore, #tpu.memory_space<semaphore_mem>>)
    %dma_wait3A_76 = arith.constant 1 : i32
    %dma_wait3A_77 = arith.constant 128 : i32
    %dma_wait3A_78 = arith.constant 0 : i32
    %dma_wait3A_79 = tpu.memref_slice %arg7[%dma_wait3A_77, %dma_wait3A_78] : memref<512x128xf32, #tpu.memory_space<vmem>> -> memref<128x128xf32, #tpu.memory_space<vmem>>
    %dma_wait3A_80 = arith.constant 0 : i32
    %dma_wait3A_81 = tpu.memref_slice %arg5[%dma_wait3A_76, %dma_wait3A_80] : memref<8x128xi32, #tpu.memory_space<vmem>> -> memref<1x128xi32, #tpu.memory_space<vmem>>
    %dma_wait3A_82 = tpu.memref_squeeze %dma_wait3A_81 : memref<1x128xi32, #tpu.memory_space<vmem>> -> memref<128xi32, #tpu.memory_space<vmem>>
    %dma_wait3A_83 = arith.constant 0 : i32
    %dma_wait3A_84 = tpu.memref_slice %arg8[%mul3A_0, %dma_wait3A_83] : memref<896x128xf32, #tpu.memory_space<vmem_shared>> -> memref<56x128xf32, #tpu.memory_space<vmem_shared>>
    %dma_wait3A_85 = arith.constant 0 : i32
    %dma_wait3A_86 = arith.constant 0 : i32
    %dma_wait3A_87 = tpu.memref_slice %dma_wait3A_84[%dma_wait3A_85, %dma_wait3A_86] : memref<56x128xf32, #tpu.memory_space<vmem_shared>> -> memref<56x128xf32, #tpu.memory_space<vmem_shared>>
    tpu.wait_indirect_dma semaphore(%arg12 : memref<!tpu.dma_semaphore, #tpu.memory_space<semaphore_mem>>) src(%dma_wait3A_87 : memref<56x128xf32, #tpu.memory_space<vmem_shared>>) dst(%dma_wait3A_79 : memref<128x128xf32, #tpu.memory_space<vmem>>)
    %add3A_88 = arith.constant 128 : i32
    %add3A_89 = arith.addi %add3A_11, %add3A_88 : i32
    %dma_start3A_90 = arith.constant 128 : i32
    %dma_start3A_91 = arith.constant 0 : i32
    %dma_start3A_92 = tpu.memref_slice %arg7[%dma_start3A_90, %dma_start3A_91] : memref<512x128xf32, #tpu.memory_space<vmem>> -> memref<128x128xf32, #tpu.memory_space<vmem>>
    %dma_start3A_93 = arith.constant 0 : i32
    %dma_start3A_94 = tpu.memref_slice %arg4[%add3A_89, %dma_start3A_93] : memref<3276800x128xf32, #tpu.memory_space<hbm>> -> memref<128x128xf32, #tpu.memory_space<hbm>>
    %dma_start3A_95 = arith.constant 0 : i32
    %dma_start3A_96 = tpu.memref_slice %arg4[%add3A_89, %dma_start3A_95] : memref<3276800x128xf32, #tpu.memory_space<hbm>> -> memref<128x128xf32, #tpu.memory_space<hbm>>
    %dma_start3A_97 = arith.constant 128 : i32
    %dma_start3A_98 = arith.constant 0 : i32
    %dma_start3A_99 = tpu.memref_slice %arg7[%dma_start3A_97, %dma_start3A_98] : memref<512x128xf32, #tpu.memory_space<vmem>> -> memref<128x128xf32, #tpu.memory_space<vmem>>
    tpu.enqueue_dma source(%dma_start3A_99 : memref<128x128xf32, #tpu.memory_space<vmem>>) target(%dma_start3A_96 : memref<128x128xf32, #tpu.memory_space<hbm>>) target_semaphore(%arg16 : memref<!tpu.dma_semaphore, #tpu.memory_space<semaphore_mem>>)
    %dma_start3A_100 = arith.constant 3 : i32
    %dma_start3A_101 = arith.constant 384 : i32
    %dma_start3A_102 = arith.constant 0 : i32
    %dma_start3A_103 = tpu.memref_slice %arg7[%dma_start3A_101, %dma_start3A_102] : memref<512x128xf32, #tpu.memory_space<vmem>> -> memref<128x128xf32, #tpu.memory_space<vmem>>
    %dma_start3A_104 = arith.constant 0 : i32
    %dma_start3A_105 = tpu.memref_slice %arg5[%dma_start3A_100, %dma_start3A_104] : memref<8x128xi32, #tpu.memory_space<vmem>> -> memref<1x128xi32, #tpu.memory_space<vmem>>
    %dma_start3A_106 = tpu.memref_squeeze %dma_start3A_105 : memref<1x128xi32, #tpu.memory_space<vmem>> -> memref<128xi32, #tpu.memory_space<vmem>>
    %dma_start3A_107 = arith.constant 0 : i32
    %dma_start3A_108 = tpu.memref_slice %arg8[%mul3A_0, %dma_start3A_107] : memref<896x128xf32, #tpu.memory_space<vmem_shared>> -> memref<56x128xf32, #tpu.memory_space<vmem_shared>>
    %dma_start3A_109 = arith.constant 0 : i32
    %dma_start3A_110 = arith.constant 0 : i32
    %dma_start3A_111 = tpu.memref_slice %dma_start3A_108[%dma_start3A_109, %dma_start3A_110] : memref<56x128xf32, #tpu.memory_space<vmem_shared>> -> memref<56x128xf32, #tpu.memory_space<vmem_shared>>
    tpu.enqueue_indirect_dma source(%dma_start3A_111 : memref<56x128xf32, #tpu.memory_space<vmem_shared>>) target(%dma_start3A_103 : memref<128x128xf32, #tpu.memory_space<vmem>>) offsets(%dma_start3A_106 : memref<128xi32, #tpu.memory_space<vmem>>) semaphore(%arg14 : memref<!tpu.dma_semaphore, #tpu.memory_space<semaphore_mem>>)
    %dma_wait3A_112 = arith.constant 2 : i32
    %dma_wait3A_113 = arith.constant 256 : i32
    %dma_wait3A_114 = arith.constant 0 : i32
    %dma_wait3A_115 = tpu.memref_slice %arg7[%dma_wait3A_113, %dma_wait3A_114] : memref<512x128xf32, #tpu.memory_space<vmem>> -> memref<128x128xf32, #tpu.memory_space<vmem>>
    %dma_wait3A_116 = arith.constant 0 : i32
    %dma_wait3A_117 = tpu.memref_slice %arg5[%dma_wait3A_112, %dma_wait3A_116] : memref<8x128xi32, #tpu.memory_space<vmem>> -> memref<1x128xi32, #tpu.memory_space<vmem>>
    %dma_wait3A_118 = tpu.memref_squeeze %dma_wait3A_117 : memref<1x128xi32, #tpu.memory_space<vmem>> -> memref<128xi32, #tpu.memory_space<vmem>>
    %dma_wait3A_119 = arith.constant 0 : i32
    %dma_wait3A_120 = tpu.memref_slice %arg8[%mul3A_0, %dma_wait3A_119] : memref<896x128xf32, #tpu.memory_space<vmem_shared>> -> memref<56x128xf32, #tpu.memory_space<vmem_shared>>
    %dma_wait3A_121 = arith.constant 0 : i32
    %dma_wait3A_122 = arith.constant 0 : i32
    %dma_wait3A_123 = tpu.memref_slice %dma_wait3A_120[%dma_wait3A_121, %dma_wait3A_122] : memref<56x128xf32, #tpu.memory_space<vmem_shared>> -> memref<56x128xf32, #tpu.memory_space<vmem_shared>>
    tpu.wait_indirect_dma semaphore(%arg13 : memref<!tpu.dma_semaphore, #tpu.memory_space<semaphore_mem>>) src(%dma_wait3A_123 : memref<56x128xf32, #tpu.memory_space<vmem_shared>>) dst(%dma_wait3A_115 : memref<128x128xf32, #tpu.memory_space<vmem>>)
    %add3A_124 = arith.constant 256 : i32
    %add3A_125 = arith.addi %add3A_11, %add3A_124 : i32
    %dma_start3A_126 = arith.constant 256 : i32
    %dma_start3A_127 = arith.constant 0 : i32
    %dma_start3A_128 = tpu.memref_slice %arg7[%dma_start3A_126, %dma_start3A_127] : memref<512x128xf32, #tpu.memory_space<vmem>> -> memref<128x128xf32, #tpu.memory_space<vmem>>
    %dma_start3A_129 = arith.constant 0 : i32
    %dma_start3A_130 = tpu.memref_slice %arg4[%add3A_125, %dma_start3A_129] : memref<3276800x128xf32, #tpu.memory_space<hbm>> -> memref<128x128xf32, #tpu.memory_space<hbm>>
    %dma_start3A_131 = arith.constant 0 : i32
    %dma_start3A_132 = tpu.memref_slice %arg4[%add3A_125, %dma_start3A_131] : memref<3276800x128xf32, #tpu.memory_space<hbm>> -> memref<128x128xf32, #tpu.memory_space<hbm>>
    %dma_start3A_133 = arith.constant 256 : i32
    %dma_start3A_134 = arith.constant 0 : i32
    %dma_start3A_135 = tpu.memref_slice %arg7[%dma_start3A_133, %dma_start3A_134] : memref<512x128xf32, #tpu.memory_space<vmem>> -> memref<128x128xf32, #tpu.memory_space<vmem>>
    tpu.enqueue_dma source(%dma_start3A_135 : memref<128x128xf32, #tpu.memory_space<vmem>>) target(%dma_start3A_132 : memref<128x128xf32, #tpu.memory_space<hbm>>) target_semaphore(%arg17 : memref<!tpu.dma_semaphore, #tpu.memory_space<semaphore_mem>>)
    %dma_wait3A_136 = arith.constant 0 : i32
    %dma_wait3A_137 = arith.constant 0 : i32
    %dma_wait3A_138 = tpu.memref_slice %arg7[%dma_wait3A_136, %dma_wait3A_137] : memref<512x128xf32, #tpu.memory_space<vmem>> -> memref<128x128xf32, #tpu.memory_space<vmem>>
    %dma_wait3A_139 = arith.constant 0 : i32
    %dma_wait3A_140 = tpu.memref_slice %arg4[%mul3A_4, %dma_wait3A_139] : memref<3276800x128xf32, #tpu.memory_space<hbm>> -> memref<128x128xf32, #tpu.memory_space<hbm>>
    %dma_wait3A_141 = arith.constant 0 : i32
    %dma_wait3A_142 = tpu.memref_slice %arg4[%mul3A_4, %dma_wait3A_141] : memref<3276800x128xf32, #tpu.memory_space<hbm>> -> memref<128x128xf32, #tpu.memory_space<hbm>>
    %dma_wait3A_143 = arith.constant 0 : i32
    %dma_wait3A_144 = arith.constant 0 : i32
    %dma_wait3A_145 = tpu.memref_slice %arg7[%dma_wait3A_143, %dma_wait3A_144] : memref<512x128xf32, #tpu.memory_space<vmem>> -> memref<128x128xf32, #tpu.memory_space<vmem>>
    tpu.wait_dma2 semaphore(%arg15 : memref<!tpu.dma_semaphore, #tpu.memory_space<semaphore_mem>>) src(%dma_wait3A_145 : memref<128x128xf32, #tpu.memory_space<vmem>>) dst(%dma_wait3A_142 : memref<128x128xf32, #tpu.memory_space<hbm>>)
    %dma_start3A_146 = arith.constant 4 : i32
    %dma_start3A_147 = arith.constant 0 : i32
    %dma_start3A_148 = arith.constant 0 : i32
    %dma_start3A_149 = tpu.memref_slice %arg7[%dma_start3A_147, %dma_start3A_148] : memref<512x128xf32, #tpu.memory_space<vmem>> -> memref<128x128xf32, #tpu.memory_space<vmem>>
    %dma_start3A_150 = arith.constant 0 : i32
    %dma_start3A_151 = tpu.memref_slice %arg5[%dma_start3A_146, %dma_start3A_150] : memref<8x128xi32, #tpu.memory_space<vmem>> -> memref<1x128xi32, #tpu.memory_space<vmem>>
    %dma_start3A_152 = tpu.memref_squeeze %dma_start3A_151 : memref<1x128xi32, #tpu.memory_space<vmem>> -> memref<128xi32, #tpu.memory_space<vmem>>
    %dma_start3A_153 = arith.constant 0 : i32
    %dma_start3A_154 = tpu.memref_slice %arg8[%mul3A_0, %dma_start3A_153] : memref<896x128xf32, #tpu.memory_space<vmem_shared>> -> memref<56x128xf32, #tpu.memory_space<vmem_shared>>
    %dma_start3A_155 = arith.constant 0 : i32
    %dma_start3A_156 = arith.constant 0 : i32
    %dma_start3A_157 = tpu.memref_slice %dma_start3A_154[%dma_start3A_155, %dma_start3A_156] : memref<56x128xf32, #tpu.memory_space<vmem_shared>> -> memref<56x128xf32, #tpu.memory_space<vmem_shared>>
    tpu.enqueue_indirect_dma source(%dma_start3A_157 : memref<56x128xf32, #tpu.memory_space<vmem_shared>>) target(%dma_start3A_149 : memref<128x128xf32, #tpu.memory_space<vmem>>) offsets(%dma_start3A_152 : memref<128xi32, #tpu.memory_space<vmem>>) semaphore(%arg11 : memref<!tpu.dma_semaphore, #tpu.memory_space<semaphore_mem>>)
    %dma_wait3A_158 = arith.constant 3 : i32
    %dma_wait3A_159 = arith.constant 384 : i32
    %dma_wait3A_160 = arith.constant 0 : i32
    %dma_wait3A_161 = tpu.memref_slice %arg7[%dma_wait3A_159, %dma_wait3A_160] : memref<512x128xf32, #tpu.memory_space<vmem>> -> memref<128x128xf32, #tpu.memory_space<vmem>>
    %dma_wait3A_162 = arith.constant 0 : i32
    %dma_wait3A_163 = tpu.memref_slice %arg5[%dma_wait3A_158, %dma_wait3A_162] : memref<8x128xi32, #tpu.memory_space<vmem>> -> memref<1x128xi32, #tpu.memory_space<vmem>>
    %dma_wait3A_164 = tpu.memref_squeeze %dma_wait3A_163 : memref<1x128xi32, #tpu.memory_space<vmem>> -> memref<128xi32, #tpu.memory_space<vmem>>
    %dma_wait3A_165 = arith.constant 0 : i32
    %dma_wait3A_166 = tpu.memref_slice %arg8[%mul3A_0, %dma_wait3A_165] : memref<896x128xf32, #tpu.memory_space<vmem_shared>> -> memref<56x128xf32, #tpu.memory_space<vmem_shared>>
    %dma_wait3A_167 = arith.constant 0 : i32
    %dma_wait3A_168 = arith.constant 0 : i32
    %dma_wait3A_169 = tpu.memref_slice %dma_wait3A_166[%dma_wait3A_167, %dma_wait3A_168] : memref<56x128xf32, #tpu.memory_space<vmem_shared>> -> memref<56x128xf32, #tpu.memory_space<vmem_shared>>
    tpu.wait_indirect_dma semaphore(%arg14 : memref<!tpu.dma_semaphore, #tpu.memory_space<semaphore_mem>>) src(%dma_wait3A_169 : memref<56x128xf32, #tpu.memory_space<vmem_shared>>) dst(%dma_wait3A_161 : memref<128x128xf32, #tpu.memory_space<vmem>>)
    %add3A_170 = arith.constant 384 : i32
    %add3A_171 = arith.addi %add3A_11, %add3A_170 : i32
    %dma_start3A_172 = arith.constant 384 : i32
    %dma_start3A_173 = arith.constant 0 : i32
    %dma_start3A_174 = tpu.memref_slice %arg7[%dma_start3A_172, %dma_start3A_173] : memref<512x128xf32, #tpu.memory_space<vmem>> -> memref<128x128xf32, #tpu.memory_space<vmem>>
    %dma_start3A_175 = arith.constant 0 : i32
    %dma_start3A_176 = tpu.memref_slice %arg4[%add3A_171, %dma_start3A_175] : memref<3276800x128xf32, #tpu.memory_space<hbm>> -> memref<128x128xf32, #tpu.memory_space<hbm>>
    %dma_start3A_177 = arith.constant 0 : i32
    %dma_start3A_178 = tpu.memref_slice %arg4[%add3A_171, %dma_start3A_177] : memref<3276800x128xf32, #tpu.memory_space<hbm>> -> memref<128x128xf32, #tpu.memory_space<hbm>>
    %dma_start3A_179 = arith.constant 384 : i32
    %dma_start3A_180 = arith.constant 0 : i32
    %dma_start3A_181 = tpu.memref_slice %arg7[%dma_start3A_179, %dma_start3A_180] : memref<512x128xf32, #tpu.memory_space<vmem>> -> memref<128x128xf32, #tpu.memory_space<vmem>>
    tpu.enqueue_dma source(%dma_start3A_181 : memref<128x128xf32, #tpu.memory_space<vmem>>) target(%dma_start3A_178 : memref<128x128xf32, #tpu.memory_space<hbm>>) target_semaphore(%arg18 : memref<!tpu.dma_semaphore, #tpu.memory_space<semaphore_mem>>)
    %dma_wait3A_182 = arith.constant 128 : i32
    %dma_wait3A_183 = arith.constant 0 : i32
    %dma_wait3A_184 = tpu.memref_slice %arg7[%dma_wait3A_182, %dma_wait3A_183] : memref<512x128xf32, #tpu.memory_space<vmem>> -> memref<128x128xf32, #tpu.memory_space<vmem>>
    %dma_wait3A_185 = arith.constant 0 : i32
    %dma_wait3A_186 = tpu.memref_slice %arg4[%mul3A_4, %dma_wait3A_185] : memref<3276800x128xf32, #tpu.memory_space<hbm>> -> memref<128x128xf32, #tpu.memory_space<hbm>>
    %dma_wait3A_187 = arith.constant 0 : i32
    %dma_wait3A_188 = tpu.memref_slice %arg4[%mul3A_4, %dma_wait3A_187] : memref<3276800x128xf32, #tpu.memory_space<hbm>> -> memref<128x128xf32, #tpu.memory_space<hbm>>
    %dma_wait3A_189 = arith.constant 128 : i32
    %dma_wait3A_190 = arith.constant 0 : i32
    %dma_wait3A_191 = tpu.memref_slice %arg7[%dma_wait3A_189, %dma_wait3A_190] : memref<512x128xf32, #tpu.memory_space<vmem>> -> memref<128x128xf32, #tpu.memory_space<vmem>>
    tpu.wait_dma2 semaphore(%arg16 : memref<!tpu.dma_semaphore, #tpu.memory_space<semaphore_mem>>) src(%dma_wait3A_191 : memref<128x128xf32, #tpu.memory_space<vmem>>) dst(%dma_wait3A_188 : memref<128x128xf32, #tpu.memory_space<hbm>>)
    %dma_start3A_192 = arith.constant 5 : i32
    %dma_start3A_193 = arith.constant 128 : i32
    %dma_start3A_194 = arith.constant 0 : i32
    %dma_start3A_195 = tpu.memref_slice %arg7[%dma_start3A_193, %dma_start3A_194] : memref<512x128xf32, #tpu.memory_space<vmem>> -> memref<128x128xf32, #tpu.memory_space<vmem>>
    %dma_start3A_196 = arith.constant 0 : i32
    %dma_start3A_197 = tpu.memref_slice %arg5[%dma_start3A_192, %dma_start3A_196] : memref<8x128xi32, #tpu.memory_space<vmem>> -> memref<1x128xi32, #tpu.memory_space<vmem>>
    %dma_start3A_198 = tpu.memref_squeeze %dma_start3A_197 : memref<1x128xi32, #tpu.memory_space<vmem>> -> memref<128xi32, #tpu.memory_space<vmem>>
    %dma_start3A_199 = arith.constant 0 : i32
    %dma_start3A_200 = tpu.memref_slice %arg8[%mul3A_0, %dma_start3A_199] : memref<896x128xf32, #tpu.memory_space<vmem_shared>> -> memref<56x128xf32, #tpu.memory_space<vmem_shared>>
    %dma_start3A_201 = arith.constant 0 : i32
    %dma_start3A_202 = arith.constant 0 : i32
    %dma_start3A_203 = tpu.memref_slice %dma_start3A_200[%dma_start3A_201, %dma_start3A_202] : memref<56x128xf32, #tpu.memory_space<vmem_shared>> -> memref<56x128xf32, #tpu.memory_space<vmem_shared>>
    tpu.enqueue_indirect_dma source(%dma_start3A_203 : memref<56x128xf32, #tpu.memory_space<vmem_shared>>) target(%dma_start3A_195 : memref<128x128xf32, #tpu.memory_space<vmem>>) offsets(%dma_start3A_198 : memref<128xi32, #tpu.memory_space<vmem>>) semaphore(%arg12 : memref<!tpu.dma_semaphore, #tpu.memory_space<semaphore_mem>>)
    %dma_wait3A_204 = arith.constant 4 : i32
    %dma_wait3A_205 = arith.constant 0 : i32
    %dma_wait3A_206 = arith.constant 0 : i32
    %dma_wait3A_207 = tpu.memref_slice %arg7[%dma_wait3A_205, %dma_wait3A_206] : memref<512x128xf32, #tpu.memory_space<vmem>> -> memref<128x128xf32, #tpu.memory_space<vmem>>
    %dma_wait3A_208 = arith.constant 0 : i32
    %dma_wait3A_209 = tpu.memref_slice %arg5[%dma_wait3A_204, %dma_wait3A_208] : memref<8x128xi32, #tpu.memory_space<vmem>> -> memref<1x128xi32, #tpu.memory_space<vmem>>
    %dma_wait3A_210 = tpu.memref_squeeze %dma_wait3A_209 : memref<1x128xi32, #tpu.memory_space<vmem>> -> memref<128xi32, #tpu.memory_space<vmem>>
    %dma_wait3A_211 = arith.constant 0 : i32
    %dma_wait3A_212 = tpu.memref_slice %arg8[%mul3A_0, %dma_wait3A_211] : memref<896x128xf32, #tpu.memory_space<vmem_shared>> -> memref<56x128xf32, #tpu.memory_space<vmem_shared>>
    %dma_wait3A_213 = arith.constant 0 : i32
    %dma_wait3A_214 = arith.constant 0 : i32
    %dma_wait3A_215 = tpu.memref_slice %dma_wait3A_212[%dma_wait3A_213, %dma_wait3A_214] : memref<56x128xf32, #tpu.memory_space<vmem_shared>> -> memref<56x128xf32, #tpu.memory_space<vmem_shared>>
    tpu.wait_indirect_dma semaphore(%arg11 : memref<!tpu.dma_semaphore, #tpu.memory_space<semaphore_mem>>) src(%dma_wait3A_215 : memref<56x128xf32, #tpu.memory_space<vmem_shared>>) dst(%dma_wait3A_207 : memref<128x128xf32, #tpu.memory_space<vmem>>)
    %add3A_216 = arith.constant 512 : i32
    %add3A_217 = arith.addi %add3A_11, %add3A_216 : i32
    %dma_start3A_218 = arith.constant 0 : i32
    %dma_start3A_219 = arith.constant 0 : i32
    %dma_start3A_220 = tpu.memref_slice %arg7[%dma_start3A_218, %dma_start3A_219] : memref<512x128xf32, #tpu.memory_space<vmem>> -> memref<128x128xf32, #tpu.memory_space<vmem>>
    %dma_start3A_221 = arith.constant 0 : i32
    %dma_start3A_222 = tpu.memref_slice %arg4[%add3A_217, %dma_start3A_221] : memref<3276800x128xf32, #tpu.memory_space<hbm>> -> memref<128x128xf32, #tpu.memory_space<hbm>>
    %dma_start3A_223 = arith.constant 0 : i32
    %dma_start3A_224 = tpu.memref_slice %arg4[%add3A_217, %dma_start3A_223] : memref<3276800x128xf32, #tpu.memory_space<hbm>> -> memref<128x128xf32, #tpu.memory_space<hbm>>
    %dma_start3A_225 = arith.constant 0 : i32
    %dma_start3A_226 = arith.constant 0 : i32
    %dma_start3A_227 = tpu.memref_slice %arg7[%dma_start3A_225, %dma_start3A_226] : memref<512x128xf32, #tpu.memory_space<vmem>> -> memref<128x128xf32, #tpu.memory_space<vmem>>
    tpu.enqueue_dma source(%dma_start3A_227 : memref<128x128xf32, #tpu.memory_space<vmem>>) target(%dma_start3A_224 : memref<128x128xf32, #tpu.memory_space<hbm>>) target_semaphore(%arg15 : memref<!tpu.dma_semaphore, #tpu.memory_space<semaphore_mem>>)
    %dma_wait3A_228 = arith.constant 256 : i32
    %dma_wait3A_229 = arith.constant 0 : i32
    %dma_wait3A_230 = tpu.memref_slice %arg7[%dma_wait3A_228, %dma_wait3A_229] : memref<512x128xf32, #tpu.memory_space<vmem>> -> memref<128x128xf32, #tpu.memory_space<vmem>>
    %dma_wait3A_231 = arith.constant 0 : i32
    %dma_wait3A_232 = tpu.memref_slice %arg4[%mul3A_4, %dma_wait3A_231] : memref<3276800x128xf32, #tpu.memory_space<hbm>> -> memref<128x128xf32, #tpu.memory_space<hbm>>
    %dma_wait3A_233 = arith.constant 0 : i32
    %dma_wait3A_234 = tpu.memref_slice %arg4[%mul3A_4, %dma_wait3A_233] : memref<3276800x128xf32, #tpu.memory_space<hbm>> -> memref<128x128xf32, #tpu.memory_space<hbm>>
    %dma_wait3A_235 = arith.constant 256 : i32
    %dma_wait3A_236 = arith.constant 0 : i32
    %dma_wait3A_237 = tpu.memref_slice %arg7[%dma_wait3A_235, %dma_wait3A_236] : memref<512x128xf32, #tpu.memory_space<vmem>> -> memref<128x128xf32, #tpu.memory_space<vmem>>
    tpu.wait_dma2 semaphore(%arg17 : memref<!tpu.dma_semaphore, #tpu.memory_space<semaphore_mem>>) src(%dma_wait3A_237 : memref<128x128xf32, #tpu.memory_space<vmem>>) dst(%dma_wait3A_234 : memref<128x128xf32, #tpu.memory_space<hbm>>)
    %dma_start3A_238 = arith.constant 6 : i32
    %dma_start3A_239 = arith.constant 256 : i32
    %dma_start3A_240 = arith.constant 0 : i32
    %dma_start3A_241 = tpu.memref_slice %arg7[%dma_start3A_239, %dma_start3A_240] : memref<512x128xf32, #tpu.memory_space<vmem>> -> memref<128x128xf32, #tpu.memory_space<vmem>>
    %dma_start3A_242 = arith.constant 0 : i32
    %dma_start3A_243 = tpu.memref_slice %arg5[%dma_start3A_238, %dma_start3A_242] : memref<8x128xi32, #tpu.memory_space<vmem>> -> memref<1x128xi32, #tpu.memory_space<vmem>>
    %dma_start3A_244 = tpu.memref_squeeze %dma_start3A_243 : memref<1x128xi32, #tpu.memory_space<vmem>> -> memref<128xi32, #tpu.memory_space<vmem>>
    %dma_start3A_245 = arith.constant 0 : i32
    %dma_start3A_246 = tpu.memref_slice %arg8[%mul3A_0, %dma_start3A_245] : memref<896x128xf32, #tpu.memory_space<vmem_shared>> -> memref<56x128xf32, #tpu.memory_space<vmem_shared>>
    %dma_start3A_247 = arith.constant 0 : i32
    %dma_start3A_248 = arith.constant 0 : i32
    %dma_start3A_249 = tpu.memref_slice %dma_start3A_246[%dma_start3A_247, %dma_start3A_248] : memref<56x128xf32, #tpu.memory_space<vmem_shared>> -> memref<56x128xf32, #tpu.memory_space<vmem_shared>>
    tpu.enqueue_indirect_dma source(%dma_start3A_249 : memref<56x128xf32, #tpu.memory_space<vmem_shared>>) target(%dma_start3A_241 : memref<128x128xf32, #tpu.memory_space<vmem>>) offsets(%dma_start3A_244 : memref<128xi32, #tpu.memory_space<vmem>>) semaphore(%arg13 : memref<!tpu.dma_semaphore, #tpu.memory_space<semaphore_mem>>)
    %dma_wait3A_250 = arith.constant 5 : i32
    %dma_wait3A_251 = arith.constant 128 : i32
    %dma_wait3A_252 = arith.constant 0 : i32
    %dma_wait3A_253 = tpu.memref_slice %arg7[%dma_wait3A_251, %dma_wait3A_252] : memref<512x128xf32, #tpu.memory_space<vmem>> -> memref<128x128xf32, #tpu.memory_space<vmem>>
    %dma_wait3A_254 = arith.constant 0 : i32
    %dma_wait3A_255 = tpu.memref_slice %arg5[%dma_wait3A_250, %dma_wait3A_254] : memref<8x128xi32, #tpu.memory_space<vmem>> -> memref<1x128xi32, #tpu.memory_space<vmem>>
    %dma_wait3A_256 = tpu.memref_squeeze %dma_wait3A_255 : memref<1x128xi32, #tpu.memory_space<vmem>> -> memref<128xi32, #tpu.memory_space<vmem>>
    %dma_wait3A_257 = arith.constant 0 : i32
    %dma_wait3A_258 = tpu.memref_slice %arg8[%mul3A_0, %dma_wait3A_257] : memref<896x128xf32, #tpu.memory_space<vmem_shared>> -> memref<56x128xf32, #tpu.memory_space<vmem_shared>>
    %dma_wait3A_259 = arith.constant 0 : i32
    %dma_wait3A_260 = arith.constant 0 : i32
    %dma_wait3A_261 = tpu.memref_slice %dma_wait3A_258[%dma_wait3A_259, %dma_wait3A_260] : memref<56x128xf32, #tpu.memory_space<vmem_shared>> -> memref<56x128xf32, #tpu.memory_space<vmem_shared>>
    tpu.wait_indirect_dma semaphore(%arg12 : memref<!tpu.dma_semaphore, #tpu.memory_space<semaphore_mem>>) src(%dma_wait3A_261 : memref<56x128xf32, #tpu.memory_space<vmem_shared>>) dst(%dma_wait3A_253 : memref<128x128xf32, #tpu.memory_space<vmem>>)
    %add3A_262 = arith.constant 640 : i32
    %add3A_263 = arith.addi %add3A_11, %add3A_262 : i32
    %dma_start3A_264 = arith.constant 128 : i32
    %dma_start3A_265 = arith.constant 0 : i32
    %dma_start3A_266 = tpu.memref_slice %arg7[%dma_start3A_264, %dma_start3A_265] : memref<512x128xf32, #tpu.memory_space<vmem>> -> memref<128x128xf32, #tpu.memory_space<vmem>>
    %dma_start3A_267 = arith.constant 0 : i32
    %dma_start3A_268 = tpu.memref_slice %arg4[%add3A_263, %dma_start3A_267] : memref<3276800x128xf32, #tpu.memory_space<hbm>> -> memref<128x128xf32, #tpu.memory_space<hbm>>
    %dma_start3A_269 = arith.constant 0 : i32
    %dma_start3A_270 = tpu.memref_slice %arg4[%add3A_263, %dma_start3A_269] : memref<3276800x128xf32, #tpu.memory_space<hbm>> -> memref<128x128xf32, #tpu.memory_space<hbm>>
    %dma_start3A_271 = arith.constant 128 : i32
    %dma_start3A_272 = arith.constant 0 : i32
    %dma_start3A_273 = tpu.memref_slice %arg7[%dma_start3A_271, %dma_start3A_272] : memref<512x128xf32, #tpu.memory_space<vmem>> -> memref<128x128xf32, #tpu.memory_space<vmem>>
    tpu.enqueue_dma source(%dma_start3A_273 : memref<128x128xf32, #tpu.memory_space<vmem>>) target(%dma_start3A_270 : memref<128x128xf32, #tpu.memory_space<hbm>>) target_semaphore(%arg16 : memref<!tpu.dma_semaphore, #tpu.memory_space<semaphore_mem>>)
    %dma_wait3A_274 = arith.constant 384 : i32
    %dma_wait3A_275 = arith.constant 0 : i32
    %dma_wait3A_276 = tpu.memref_slice %arg7[%dma_wait3A_274, %dma_wait3A_275] : memref<512x128xf32, #tpu.memory_space<vmem>> -> memref<128x128xf32, #tpu.memory_space<vmem>>
    %dma_wait3A_277 = arith.constant 0 : i32
    %dma_wait3A_278 = tpu.memref_slice %arg4[%mul3A_4, %dma_wait3A_277] : memref<3276800x128xf32, #tpu.memory_space<hbm>> -> memref<128x128xf32, #tpu.memory_space<hbm>>
    %dma_wait3A_279 = arith.constant 0 : i32
    %dma_wait3A_280 = tpu.memref_slice %arg4[%mul3A_4, %dma_wait3A_279] : memref<3276800x128xf32, #tpu.memory_space<hbm>> -> memref<128x128xf32, #tpu.memory_space<hbm>>
    %dma_wait3A_281 = arith.constant 384 : i32
    %dma_wait3A_282 = arith.constant 0 : i32
    %dma_wait3A_283 = tpu.memref_slice %arg7[%dma_wait3A_281, %dma_wait3A_282] : memref<512x128xf32, #tpu.memory_space<vmem>> -> memref<128x128xf32, #tpu.memory_space<vmem>>
    tpu.wait_dma2 semaphore(%arg18 : memref<!tpu.dma_semaphore, #tpu.memory_space<semaphore_mem>>) src(%dma_wait3A_283 : memref<128x128xf32, #tpu.memory_space<vmem>>) dst(%dma_wait3A_280 : memref<128x128xf32, #tpu.memory_space<hbm>>)
    %dma_start3A_284 = arith.constant 7 : i32
    %dma_start3A_285 = arith.constant 384 : i32
    %dma_start3A_286 = arith.constant 0 : i32
    %dma_start3A_287 = tpu.memref_slice %arg7[%dma_start3A_285, %dma_start3A_286] : memref<512x128xf32, #tpu.memory_space<vmem>> -> memref<128x128xf32, #tpu.memory_space<vmem>>
    %dma_start3A_288 = arith.constant 0 : i32
    %dma_start3A_289 = tpu.memref_slice %arg5[%dma_start3A_284, %dma_start3A_288] : memref<8x128xi32, #tpu.memory_space<vmem>> -> memref<1x128xi32, #tpu.memory_space<vmem>>
    %dma_start3A_290 = tpu.memref_squeeze %dma_start3A_289 : memref<1x128xi32, #tpu.memory_space<vmem>> -> memref<128xi32, #tpu.memory_space<vmem>>
    %dma_start3A_291 = arith.constant 0 : i32
    %dma_start3A_292 = tpu.memref_slice %arg8[%mul3A_0, %dma_start3A_291] : memref<896x128xf32, #tpu.memory_space<vmem_shared>> -> memref<56x128xf32, #tpu.memory_space<vmem_shared>>
    %dma_start3A_293 = arith.constant 0 : i32
    %dma_start3A_294 = arith.constant 0 : i32
    %dma_start3A_295 = tpu.memref_slice %dma_start3A_292[%dma_start3A_293, %dma_start3A_294] : memref<56x128xf32, #tpu.memory_space<vmem_shared>> -> memref<56x128xf32, #tpu.memory_space<vmem_shared>>
    tpu.enqueue_indirect_dma source(%dma_start3A_295 : memref<56x128xf32, #tpu.memory_space<vmem_shared>>) target(%dma_start3A_287 : memref<128x128xf32, #tpu.memory_space<vmem>>) offsets(%dma_start3A_290 : memref<128xi32, #tpu.memory_space<vmem>>) semaphore(%arg14 : memref<!tpu.dma_semaphore, #tpu.memory_space<semaphore_mem>>)
    %dma_wait3A_296 = arith.constant 6 : i32
    %dma_wait3A_297 = arith.constant 256 : i32
    %dma_wait3A_298 = arith.constant 0 : i32
    %dma_wait3A_299 = tpu.memref_slice %arg7[%dma_wait3A_297, %dma_wait3A_298] : memref<512x128xf32, #tpu.memory_space<vmem>> -> memref<128x128xf32, #tpu.memory_space<vmem>>
    %dma_wait3A_300 = arith.constant 0 : i32
    %dma_wait3A_301 = tpu.memref_slice %arg5[%dma_wait3A_296, %dma_wait3A_300] : memref<8x128xi32, #tpu.memory_space<vmem>> -> memref<1x128xi32, #tpu.memory_space<vmem>>
    %dma_wait3A_302 = tpu.memref_squeeze %dma_wait3A_301 : memref<1x128xi32, #tpu.memory_space<vmem>> -> memref<128xi32, #tpu.memory_space<vmem>>
    %dma_wait3A_303 = arith.constant 0 : i32
    %dma_wait3A_304 = tpu.memref_slice %arg8[%mul3A_0, %dma_wait3A_303] : memref<896x128xf32, #tpu.memory_space<vmem_shared>> -> memref<56x128xf32, #tpu.memory_space<vmem_shared>>
    %dma_wait3A_305 = arith.constant 0 : i32
    %dma_wait3A_306 = arith.constant 0 : i32
    %dma_wait3A_307 = tpu.memref_slice %dma_wait3A_304[%dma_wait3A_305, %dma_wait3A_306] : memref<56x128xf32, #tpu.memory_space<vmem_shared>> -> memref<56x128xf32, #tpu.memory_space<vmem_shared>>
    tpu.wait_indirect_dma semaphore(%arg13 : memref<!tpu.dma_semaphore, #tpu.memory_space<semaphore_mem>>) src(%dma_wait3A_307 : memref<56x128xf32, #tpu.memory_space<vmem_shared>>) dst(%dma_wait3A_299 : memref<128x128xf32, #tpu.memory_space<vmem>>)
    %add3A_308 = arith.constant 768 : i32
    %add3A_309 = arith.addi %add3A_11, %add3A_308 : i32
    %dma_start3A_310 = arith.constant 256 : i32
    %dma_start3A_311 = arith.constant 0 : i32
    %dma_start3A_312 = tpu.memref_slice %arg7[%dma_start3A_310, %dma_start3A_311] : memref<512x128xf32, #tpu.memory_space<vmem>> -> memref<128x128xf32, #tpu.memory_space<vmem>>
    %dma_start3A_313 = arith.constant 0 : i32
    %dma_start3A_314 = tpu.memref_slice %arg4[%add3A_309, %dma_start3A_313] : memref<3276800x128xf32, #tpu.memory_space<hbm>> -> memref<128x128xf32, #tpu.memory_space<hbm>>
    %dma_start3A_315 = arith.constant 0 : i32
    %dma_start3A_316 = tpu.memref_slice %arg4[%add3A_309, %dma_start3A_315] : memref<3276800x128xf32, #tpu.memory_space<hbm>> -> memref<128x128xf32, #tpu.memory_space<hbm>>
    %dma_start3A_317 = arith.constant 256 : i32
    %dma_start3A_318 = arith.constant 0 : i32
    %dma_start3A_319 = tpu.memref_slice %arg7[%dma_start3A_317, %dma_start3A_318] : memref<512x128xf32, #tpu.memory_space<vmem>> -> memref<128x128xf32, #tpu.memory_space<vmem>>
    tpu.enqueue_dma source(%dma_start3A_319 : memref<128x128xf32, #tpu.memory_space<vmem>>) target(%dma_start3A_316 : memref<128x128xf32, #tpu.memory_space<hbm>>) target_semaphore(%arg17 : memref<!tpu.dma_semaphore, #tpu.memory_space<semaphore_mem>>)
    %dma_wait3A_320 = arith.constant 7 : i32
    %dma_wait3A_321 = arith.constant 384 : i32
    %dma_wait3A_322 = arith.constant 0 : i32
    %dma_wait3A_323 = tpu.memref_slice %arg7[%dma_wait3A_321, %dma_wait3A_322] : memref<512x128xf32, #tpu.memory_space<vmem>> -> memref<128x128xf32, #tpu.memory_space<vmem>>
    %dma_wait3A_324 = arith.constant 0 : i32
    %dma_wait3A_325 = tpu.memref_slice %arg5[%dma_wait3A_320, %dma_wait3A_324] : memref<8x128xi32, #tpu.memory_space<vmem>> -> memref<1x128xi32, #tpu.memory_space<vmem>>
    %dma_wait3A_326 = tpu.memref_squeeze %dma_wait3A_325 : memref<1x128xi32, #tpu.memory_space<vmem>> -> memref<128xi32, #tpu.memory_space<vmem>>
    %dma_wait3A_327 = arith.constant 0 : i32
    %dma_wait3A_328 = tpu.memref_slice %arg8[%mul3A_0, %dma_wait3A_327] : memref<896x128xf32, #tpu.memory_space<vmem_shared>> -> memref<56x128xf32, #tpu.memory_space<vmem_shared>>
    %dma_wait3A_329 = arith.constant 0 : i32
    %dma_wait3A_330 = arith.constant 0 : i32
    %dma_wait3A_331 = tpu.memref_slice %dma_wait3A_328[%dma_wait3A_329, %dma_wait3A_330] : memref<56x128xf32, #tpu.memory_space<vmem_shared>> -> memref<56x128xf32, #tpu.memory_space<vmem_shared>>
    tpu.wait_indirect_dma semaphore(%arg14 : memref<!tpu.dma_semaphore, #tpu.memory_space<semaphore_mem>>) src(%dma_wait3A_331 : memref<56x128xf32, #tpu.memory_space<vmem_shared>>) dst(%dma_wait3A_323 : memref<128x128xf32, #tpu.memory_space<vmem>>)
    %add3A_332 = arith.constant 896 : i32
    %add3A_333 = arith.addi %add3A_11, %add3A_332 : i32
    %dma_start3A_334 = arith.constant 384 : i32
    %dma_start3A_335 = arith.constant 0 : i32
    %dma_start3A_336 = tpu.memref_slice %arg7[%dma_start3A_334, %dma_start3A_335] : memref<512x128xf32, #tpu.memory_space<vmem>> -> memref<128x128xf32, #tpu.memory_space<vmem>>
    %dma_start3A_337 = arith.constant 0 : i32
    %dma_start3A_338 = tpu.memref_slice %arg4[%add3A_333, %dma_start3A_337] : memref<3276800x128xf32, #tpu.memory_space<hbm>> -> memref<128x128xf32, #tpu.memory_space<hbm>>
    %dma_start3A_339 = arith.constant 0 : i32
    %dma_start3A_340 = tpu.memref_slice %arg4[%add3A_333, %dma_start3A_339] : memref<3276800x128xf32, #tpu.memory_space<hbm>> -> memref<128x128xf32, #tpu.memory_space<hbm>>
    %dma_start3A_341 = arith.constant 384 : i32
    %dma_start3A_342 = arith.constant 0 : i32
    %dma_start3A_343 = tpu.memref_slice %arg7[%dma_start3A_341, %dma_start3A_342] : memref<512x128xf32, #tpu.memory_space<vmem>> -> memref<128x128xf32, #tpu.memory_space<vmem>>
    tpu.enqueue_dma source(%dma_start3A_343 : memref<128x128xf32, #tpu.memory_space<vmem>>) target(%dma_start3A_340 : memref<128x128xf32, #tpu.memory_space<hbm>>) target_semaphore(%arg18 : memref<!tpu.dma_semaphore, #tpu.memory_space<semaphore_mem>>)
    %dma_wait3A_344 = arith.constant 0 : i32
    %dma_wait3A_345 = tpu.memref_slice %arg2[%mul3A_6, %dma_wait3A_344] : memref<25600x128xi32, #tpu.memory_space<hbm>> -> memref<8x128xi32, #tpu.memory_space<hbm>>
    %dma_wait3A_346 = arith.constant 0 : i32
    %dma_wait3A_347 = tpu.memref_slice %arg2[%mul3A_6, %dma_wait3A_346] : memref<25600x128xi32, #tpu.memory_space<hbm>> -> memref<8x128xi32, #tpu.memory_space<hbm>>
    tpu.wait_dma2 semaphore(%arg10 : memref<!tpu.dma_semaphore, #tpu.memory_space<semaphore_mem>>) src(%dma_wait3A_347 : memref<8x128xi32, #tpu.memory_space<hbm>>) dst(%arg6 : memref<8x128xi32, #tpu.memory_space<vmem>>)
    %add3A_348 = arith.constant 1024 : i32
    %add3A_349 = arith.addi %mul3A_4, %add3A_348 : i32
    %add3A_350 = arith.constant 16 : i32
    %add3A_351 = arith.addi %mul3A_6, %add3A_350 : i32
    %min3A_352 = arith.minsi %add3A_351, %sub3A_9 : i32
    %dma_start3A_353 = arith.constant 0 : i32
    %dma_start3A_354 = tpu.memref_slice %arg2[%min3A_352, %dma_start3A_353] : memref<25600x128xi32, #tpu.memory_space<hbm>> -> memref<8x128xi32, #tpu.memory_space<hbm>>
    %dma_start3A_355 = arith.constant 0 : i32
    %dma_start3A_356 = tpu.memref_slice %arg2[%min3A_352, %dma_start3A_355] : memref<25600x128xi32, #tpu.memory_space<hbm>> -> memref<8x128xi32, #tpu.memory_space<hbm>>
    tpu.enqueue_dma source(%dma_start3A_356 : memref<8x128xi32, #tpu.memory_space<hbm>>) target(%arg5 : memref<8x128xi32, #tpu.memory_space<vmem>>) target_semaphore(%arg9 : memref<!tpu.dma_semaphore, #tpu.memory_space<semaphore_mem>>)
    %dma_wait3A_357 = arith.constant 0 : i32
    %dma_wait3A_358 = arith.constant 0 : i32
    %dma_wait3A_359 = tpu.memref_slice %arg7[%dma_wait3A_357, %dma_wait3A_358] : memref<512x128xf32, #tpu.memory_space<vmem>> -> memref<128x128xf32, #tpu.memory_space<vmem>>
    %dma_wait3A_360 = arith.constant 0 : i32
    %dma_wait3A_361 = tpu.memref_slice %arg4[%mul3A_4, %dma_wait3A_360] : memref<3276800x128xf32, #tpu.memory_space<hbm>> -> memref<128x128xf32, #tpu.memory_space<hbm>>
    %dma_wait3A_362 = arith.constant 0 : i32
    %dma_wait3A_363 = tpu.memref_slice %arg4[%mul3A_4, %dma_wait3A_362] : memref<3276800x128xf32, #tpu.memory_space<hbm>> -> memref<128x128xf32, #tpu.memory_space<hbm>>
    %dma_wait3A_364 = arith.constant 0 : i32
    %dma_wait3A_365 = arith.constant 0 : i32
    %dma_wait3A_366 = tpu.memref_slice %arg7[%dma_wait3A_364, %dma_wait3A_365] : memref<512x128xf32, #tpu.memory_space<vmem>> -> memref<128x128xf32, #tpu.memory_space<vmem>>
    tpu.wait_dma2 semaphore(%arg15 : memref<!tpu.dma_semaphore, #tpu.memory_space<semaphore_mem>>) src(%dma_wait3A_366 : memref<128x128xf32, #tpu.memory_space<vmem>>) dst(%dma_wait3A_363 : memref<128x128xf32, #tpu.memory_space<hbm>>)
    %dma_start3A_367 = arith.constant 0 : i32
    %dma_start3A_368 = arith.constant 0 : i32
    %dma_start3A_369 = arith.constant 0 : i32
    %dma_start3A_370 = tpu.memref_slice %arg7[%dma_start3A_368, %dma_start3A_369] : memref<512x128xf32, #tpu.memory_space<vmem>> -> memref<128x128xf32, #tpu.memory_space<vmem>>
    %dma_start3A_371 = arith.constant 0 : i32
    %dma_start3A_372 = tpu.memref_slice %arg6[%dma_start3A_367, %dma_start3A_371] : memref<8x128xi32, #tpu.memory_space<vmem>> -> memref<1x128xi32, #tpu.memory_space<vmem>>
    %dma_start3A_373 = tpu.memref_squeeze %dma_start3A_372 : memref<1x128xi32, #tpu.memory_space<vmem>> -> memref<128xi32, #tpu.memory_space<vmem>>
    %dma_start3A_374 = arith.constant 0 : i32
    %dma_start3A_375 = tpu.memref_slice %arg8[%mul3A_0, %dma_start3A_374] : memref<896x128xf32, #tpu.memory_space<vmem_shared>> -> memref<56x128xf32, #tpu.memory_space<vmem_shared>>
    %dma_start3A_376 = arith.constant 0 : i32
    %dma_start3A_377 = arith.constant 0 : i32
    %dma_start3A_378 = tpu.memref_slice %dma_start3A_375[%dma_start3A_376, %dma_start3A_377] : memref<56x128xf32, #tpu.memory_space<vmem_shared>> -> memref<56x128xf32, #tpu.memory_space<vmem_shared>>
    tpu.enqueue_indirect_dma source(%dma_start3A_378 : memref<56x128xf32, #tpu.memory_space<vmem_shared>>) target(%dma_start3A_370 : memref<128x128xf32, #tpu.memory_space<vmem>>) offsets(%dma_start3A_373 : memref<128xi32, #tpu.memory_space<vmem>>) semaphore(%arg11 : memref<!tpu.dma_semaphore, #tpu.memory_space<semaphore_mem>>)
    %dma_wait3A_379 = arith.constant 128 : i32
    %dma_wait3A_380 = arith.constant 0 : i32
    %dma_wait3A_381 = tpu.memref_slice %arg7[%dma_wait3A_379, %dma_wait3A_380] : memref<512x128xf32, #tpu.memory_space<vmem>> -> memref<128x128xf32, #tpu.memory_space<vmem>>
    %dma_wait3A_382 = arith.constant 0 : i32
    %dma_wait3A_383 = tpu.memref_slice %arg4[%mul3A_4, %dma_wait3A_382] : memref<3276800x128xf32, #tpu.memory_space<hbm>> -> memref<128x128xf32, #tpu.memory_space<hbm>>
    %dma_wait3A_384 = arith.constant 0 : i32
    %dma_wait3A_385 = tpu.memref_slice %arg4[%mul3A_4, %dma_wait3A_384] : memref<3276800x128xf32, #tpu.memory_space<hbm>> -> memref<128x128xf32, #tpu.memory_space<hbm>>
    %dma_wait3A_386 = arith.constant 128 : i32
    %dma_wait3A_387 = arith.constant 0 : i32
    %dma_wait3A_388 = tpu.memref_slice %arg7[%dma_wait3A_386, %dma_wait3A_387] : memref<512x128xf32, #tpu.memory_space<vmem>> -> memref<128x128xf32, #tpu.memory_space<vmem>>
    tpu.wait_dma2 semaphore(%arg16 : memref<!tpu.dma_semaphore, #tpu.memory_space<semaphore_mem>>) src(%dma_wait3A_388 : memref<128x128xf32, #tpu.memory_space<vmem>>) dst(%dma_wait3A_385 : memref<128x128xf32, #tpu.memory_space<hbm>>)
    %dma_start3A_389 = arith.constant 1 : i32
    %dma_start3A_390 = arith.constant 128 : i32
    %dma_start3A_391 = arith.constant 0 : i32
    %dma_start3A_392 = tpu.memref_slice %arg7[%dma_start3A_390, %dma_start3A_391] : memref<512x128xf32, #tpu.memory_space<vmem>> -> memref<128x128xf32, #tpu.memory_space<vmem>>
    %dma_start3A_393 = arith.constant 0 : i32
    %dma_start3A_394 = tpu.memref_slice %arg6[%dma_start3A_389, %dma_start3A_393] : memref<8x128xi32, #tpu.memory_space<vmem>> -> memref<1x128xi32, #tpu.memory_space<vmem>>
    %dma_start3A_395 = tpu.memref_squeeze %dma_start3A_394 : memref<1x128xi32, #tpu.memory_space<vmem>> -> memref<128xi32, #tpu.memory_space<vmem>>
    %dma_start3A_396 = arith.constant 0 : i32
    %dma_start3A_397 = tpu.memref_slice %arg8[%mul3A_0, %dma_start3A_396] : memref<896x128xf32, #tpu.memory_space<vmem_shared>> -> memref<56x128xf32, #tpu.memory_space<vmem_shared>>
    %dma_start3A_398 = arith.constant 0 : i32
    %dma_start3A_399 = arith.constant 0 : i32
    %dma_start3A_400 = tpu.memref_slice %dma_start3A_397[%dma_start3A_398, %dma_start3A_399] : memref<56x128xf32, #tpu.memory_space<vmem_shared>> -> memref<56x128xf32, #tpu.memory_space<vmem_shared>>
    tpu.enqueue_indirect_dma source(%dma_start3A_400 : memref<56x128xf32, #tpu.memory_space<vmem_shared>>) target(%dma_start3A_392 : memref<128x128xf32, #tpu.memory_space<vmem>>) offsets(%dma_start3A_395 : memref<128xi32, #tpu.memory_space<vmem>>) semaphore(%arg12 : memref<!tpu.dma_semaphore, #tpu.memory_space<semaphore_mem>>)
    %dma_wait3A_401 = arith.constant 0 : i32
    %dma_wait3A_402 = arith.constant 0 : i32
    %dma_wait3A_403 = arith.constant 0 : i32
    %dma_wait3A_404 = tpu.memref_slice %arg7[%dma_wait3A_402, %dma_wait3A_403] : memref<512x128xf32, #tpu.memory_space<vmem>> -> memref<128x128xf32, #tpu.memory_space<vmem>>
    %dma_wait3A_405 = arith.constant 0 : i32
    %dma_wait3A_406 = tpu.memref_slice %arg6[%dma_wait3A_401, %dma_wait3A_405] : memref<8x128xi32, #tpu.memory_space<vmem>> -> memref<1x128xi32, #tpu.memory_space<vmem>>
    %dma_wait3A_407 = tpu.memref_squeeze %dma_wait3A_406 : memref<1x128xi32, #tpu.memory_space<vmem>> -> memref<128xi32, #tpu.memory_space<vmem>>
    %dma_wait3A_408 = arith.constant 0 : i32
    %dma_wait3A_409 = tpu.memref_slice %arg8[%mul3A_0, %dma_wait3A_408] : memref<896x128xf32, #tpu.memory_space<vmem_shared>> -> memref<56x128xf32, #tpu.memory_space<vmem_shared>>
    %dma_wait3A_410 = arith.constant 0 : i32
    %dma_wait3A_411 = arith.constant 0 : i32
    %dma_wait3A_412 = tpu.memref_slice %dma_wait3A_409[%dma_wait3A_410, %dma_wait3A_411] : memref<56x128xf32, #tpu.memory_space<vmem_shared>> -> memref<56x128xf32, #tpu.memory_space<vmem_shared>>
    tpu.wait_indirect_dma semaphore(%arg11 : memref<!tpu.dma_semaphore, #tpu.memory_space<semaphore_mem>>) src(%dma_wait3A_412 : memref<56x128xf32, #tpu.memory_space<vmem_shared>>) dst(%dma_wait3A_404 : memref<128x128xf32, #tpu.memory_space<vmem>>)
    %add3A_413 = arith.constant 0 : i32
    %add3A_414 = arith.addi %add3A_349, %add3A_413 : i32
    %dma_start3A_415 = arith.constant 0 : i32
    %dma_start3A_416 = arith.constant 0 : i32
    %dma_start3A_417 = tpu.memref_slice %arg7[%dma_start3A_415, %dma_start3A_416] : memref<512x128xf32, #tpu.memory_space<vmem>> -> memref<128x128xf32, #tpu.memory_space<vmem>>
    %dma_start3A_418 = arith.constant 0 : i32
    %dma_start3A_419 = tpu.memref_slice %arg4[%add3A_414, %dma_start3A_418] : memref<3276800x128xf32, #tpu.memory_space<hbm>> -> memref<128x128xf32, #tpu.memory_space<hbm>>
    %dma_start3A_420 = arith.constant 0 : i32
    %dma_start3A_421 = tpu.memref_slice %arg4[%add3A_414, %dma_start3A_420] : memref<3276800x128xf32, #tpu.memory_space<hbm>> -> memref<128x128xf32, #tpu.memory_space<hbm>>
    %dma_start3A_422 = arith.constant 0 : i32
    %dma_start3A_423 = arith.constant 0 : i32
    %dma_start3A_424 = tpu.memref_slice %arg7[%dma_start3A_422, %dma_start3A_423] : memref<512x128xf32, #tpu.memory_space<vmem>> -> memref<128x128xf32, #tpu.memory_space<vmem>>
    tpu.enqueue_dma source(%dma_start3A_424 : memref<128x128xf32, #tpu.memory_space<vmem>>) target(%dma_start3A_421 : memref<128x128xf32, #tpu.memory_space<hbm>>) target_semaphore(%arg15 : memref<!tpu.dma_semaphore, #tpu.memory_space<semaphore_mem>>)
    %dma_wait3A_425 = arith.constant 256 : i32
    %dma_wait3A_426 = arith.constant 0 : i32
    %dma_wait3A_427 = tpu.memref_slice %arg7[%dma_wait3A_425, %dma_wait3A_426] : memref<512x128xf32, #tpu.memory_space<vmem>> -> memref<128x128xf32, #tpu.memory_space<vmem>>
    %dma_wait3A_428 = arith.constant 0 : i32
    %dma_wait3A_429 = tpu.memref_slice %arg4[%mul3A_4, %dma_wait3A_428] : memref<3276800x128xf32, #tpu.memory_space<hbm>> -> memref<128x128xf32, #tpu.memory_space<hbm>>
    %dma_wait3A_430 = arith.constant 0 : i32
    %dma_wait3A_431 = tpu.memref_slice %arg4[%mul3A_4, %dma_wait3A_430] : memref<3276800x128xf32, #tpu.memory_space<hbm>> -> memref<128x128xf32, #tpu.memory_space<hbm>>
    %dma_wait3A_432 = arith.constant 256 : i32
    %dma_wait3A_433 = arith.constant 0 : i32
    %dma_wait3A_434 = tpu.memref_slice %arg7[%dma_wait3A_432, %dma_wait3A_433] : memref<512x128xf32, #tpu.memory_space<vmem>> -> memref<128x128xf32, #tpu.memory_space<vmem>>
    tpu.wait_dma2 semaphore(%arg17 : memref<!tpu.dma_semaphore, #tpu.memory_space<semaphore_mem>>) src(%dma_wait3A_434 : memref<128x128xf32, #tpu.memory_space<vmem>>) dst(%dma_wait3A_431 : memref<128x128xf32, #tpu.memory_space<hbm>>)
    %dma_start3A_435 = arith.constant 2 : i32
    %dma_start3A_436 = arith.constant 256 : i32
    %dma_start3A_437 = arith.constant 0 : i32
    %dma_start3A_438 = tpu.memref_slice %arg7[%dma_start3A_436, %dma_start3A_437] : memref<512x128xf32, #tpu.memory_space<vmem>> -> memref<128x128xf32, #tpu.memory_space<vmem>>
    %dma_start3A_439 = arith.constant 0 : i32
    %dma_start3A_440 = tpu.memref_slice %arg6[%dma_start3A_435, %dma_start3A_439] : memref<8x128xi32, #tpu.memory_space<vmem>> -> memref<1x128xi32, #tpu.memory_space<vmem>>
    %dma_start3A_441 = tpu.memref_squeeze %dma_start3A_440 : memref<1x128xi32, #tpu.memory_space<vmem>> -> memref<128xi32, #tpu.memory_space<vmem>>
    %dma_start3A_442 = arith.constant 0 : i32
    %dma_start3A_443 = tpu.memref_slice %arg8[%mul3A_0, %dma_start3A_442] : memref<896x128xf32, #tpu.memory_space<vmem_shared>> -> memref<56x128xf32, #tpu.memory_space<vmem_shared>>
    %dma_start3A_444 = arith.constant 0 : i32
    %dma_start3A_445 = arith.constant 0 : i32
    %dma_start3A_446 = tpu.memref_slice %dma_start3A_443[%dma_start3A_444, %dma_start3A_445] : memref<56x128xf32, #tpu.memory_space<vmem_shared>> -> memref<56x128xf32, #tpu.memory_space<vmem_shared>>
    tpu.enqueue_indirect_dma source(%dma_start3A_446 : memref<56x128xf32, #tpu.memory_space<vmem_shared>>) target(%dma_start3A_438 : memref<128x128xf32, #tpu.memory_space<vmem>>) offsets(%dma_start3A_441 : memref<128xi32, #tpu.memory_space<vmem>>) semaphore(%arg13 : memref<!tpu.dma_semaphore, #tpu.memory_space<semaphore_mem>>)
    %dma_wait3A_447 = arith.constant 1 : i32
    %dma_wait3A_448 = arith.constant 128 : i32
    %dma_wait3A_449 = arith.constant 0 : i32
    %dma_wait3A_450 = tpu.memref_slice %arg7[%dma_wait3A_448, %dma_wait3A_449] : memref<512x128xf32, #tpu.memory_space<vmem>> -> memref<128x128xf32, #tpu.memory_space<vmem>>
    %dma_wait3A_451 = arith.constant 0 : i32
    %dma_wait3A_452 = tpu.memref_slice %arg6[%dma_wait3A_447, %dma_wait3A_451] : memref<8x128xi32, #tpu.memory_space<vmem>> -> memref<1x128xi32, #tpu.memory_space<vmem>>
    %dma_wait3A_453 = tpu.memref_squeeze %dma_wait3A_452 : memref<1x128xi32, #tpu.memory_space<vmem>> -> memref<128xi32, #tpu.memory_space<vmem>>
    %dma_wait3A_454 = arith.constant 0 : i32
    %dma_wait3A_455 = tpu.memref_slice %arg8[%mul3A_0, %dma_wait3A_454] : memref<896x128xf32, #tpu.memory_space<vmem_shared>> -> memref<56x128xf32, #tpu.memory_space<vmem_shared>>
    %dma_wait3A_456 = arith.constant 0 : i32
    %dma_wait3A_457 = arith.constant 0 : i32
    %dma_wait3A_458 = tpu.memref_slice %dma_wait3A_455[%dma_wait3A_456, %dma_wait3A_457] : memref<56x128xf32, #tpu.memory_space<vmem_shared>> -> memref<56x128xf32, #tpu.memory_space<vmem_shared>>
    tpu.wait_indirect_dma semaphore(%arg12 : memref<!tpu.dma_semaphore, #tpu.memory_space<semaphore_mem>>) src(%dma_wait3A_458 : memref<56x128xf32, #tpu.memory_space<vmem_shared>>) dst(%dma_wait3A_450 : memref<128x128xf32, #tpu.memory_space<vmem>>)
    %add3A_459 = arith.constant 128 : i32
    %add3A_460 = arith.addi %add3A_349, %add3A_459 : i32
    %dma_start3A_461 = arith.constant 128 : i32
    %dma_start3A_462 = arith.constant 0 : i32
    %dma_start3A_463 = tpu.memref_slice %arg7[%dma_start3A_461, %dma_start3A_462] : memref<512x128xf32, #tpu.memory_space<vmem>> -> memref<128x128xf32, #tpu.memory_space<vmem>>
    %dma_start3A_464 = arith.constant 0 : i32
    %dma_start3A_465 = tpu.memref_slice %arg4[%add3A_460, %dma_start3A_464] : memref<3276800x128xf32, #tpu.memory_space<hbm>> -> memref<128x128xf32, #tpu.memory_space<hbm>>
    %dma_start3A_466 = arith.constant 0 : i32
    %dma_start3A_467 = tpu.memref_slice %arg4[%add3A_460, %dma_start3A_466] : memref<3276800x128xf32, #tpu.memory_space<hbm>> -> memref<128x128xf32, #tpu.memory_space<hbm>>
    %dma_start3A_468 = arith.constant 128 : i32
    %dma_start3A_469 = arith.constant 0 : i32
    %dma_start3A_470 = tpu.memref_slice %arg7[%dma_start3A_468, %dma_start3A_469] : memref<512x128xf32, #tpu.memory_space<vmem>> -> memref<128x128xf32, #tpu.memory_space<vmem>>
    tpu.enqueue_dma source(%dma_start3A_470 : memref<128x128xf32, #tpu.memory_space<vmem>>) target(%dma_start3A_467 : memref<128x128xf32, #tpu.memory_space<hbm>>) target_semaphore(%arg16 : memref<!tpu.dma_semaphore, #tpu.memory_space<semaphore_mem>>)
    %dma_wait3A_471 = arith.constant 384 : i32
    %dma_wait3A_472 = arith.constant 0 : i32
    %dma_wait3A_473 = tpu.memref_slice %arg7[%dma_wait3A_471, %dma_wait3A_472] : memref<512x128xf32, #tpu.memory_space<vmem>> -> memref<128x128xf32, #tpu.memory_space<vmem>>
    %dma_wait3A_474 = arith.constant 0 : i32
    %dma_wait3A_475 = tpu.memref_slice %arg4[%mul3A_4, %dma_wait3A_474] : memref<3276800x128xf32, #tpu.memory_space<hbm>> -> memref<128x128xf32, #tpu.memory_space<hbm>>
    %dma_wait3A_476 = arith.constant 0 : i32
    %dma_wait3A_477 = tpu.memref_slice %arg4[%mul3A_4, %dma_wait3A_476] : memref<3276800x128xf32, #tpu.memory_space<hbm>> -> memref<128x128xf32, #tpu.memory_space<hbm>>
    %dma_wait3A_478 = arith.constant 384 : i32
    %dma_wait3A_479 = arith.constant 0 : i32
    %dma_wait3A_480 = tpu.memref_slice %arg7[%dma_wait3A_478, %dma_wait3A_479] : memref<512x128xf32, #tpu.memory_space<vmem>> -> memref<128x128xf32, #tpu.memory_space<vmem>>
    tpu.wait_dma2 semaphore(%arg18 : memref<!tpu.dma_semaphore, #tpu.memory_space<semaphore_mem>>) src(%dma_wait3A_480 : memref<128x128xf32, #tpu.memory_space<vmem>>) dst(%dma_wait3A_477 : memref<128x128xf32, #tpu.memory_space<hbm>>)
    %dma_start3A_481 = arith.constant 3 : i32
    %dma_start3A_482 = arith.constant 384 : i32
    %dma_start3A_483 = arith.constant 0 : i32
    %dma_start3A_484 = tpu.memref_slice %arg7[%dma_start3A_482, %dma_start3A_483] : memref<512x128xf32, #tpu.memory_space<vmem>> -> memref<128x128xf32, #tpu.memory_space<vmem>>
    %dma_start3A_485 = arith.constant 0 : i32
    %dma_start3A_486 = tpu.memref_slice %arg6[%dma_start3A_481, %dma_start3A_485] : memref<8x128xi32, #tpu.memory_space<vmem>> -> memref<1x128xi32, #tpu.memory_space<vmem>>
    %dma_start3A_487 = tpu.memref_squeeze %dma_start3A_486 : memref<1x128xi32, #tpu.memory_space<vmem>> -> memref<128xi32, #tpu.memory_space<vmem>>
    %dma_start3A_488 = arith.constant 0 : i32
    %dma_start3A_489 = tpu.memref_slice %arg8[%mul3A_0, %dma_start3A_488] : memref<896x128xf32, #tpu.memory_space<vmem_shared>> -> memref<56x128xf32, #tpu.memory_space<vmem_shared>>
    %dma_start3A_490 = arith.constant 0 : i32
    %dma_start3A_491 = arith.constant 0 : i32
    %dma_start3A_492 = tpu.memref_slice %dma_start3A_489[%dma_start3A_490, %dma_start3A_491] : memref<56x128xf32, #tpu.memory_space<vmem_shared>> -> memref<56x128xf32, #tpu.memory_space<vmem_shared>>
    tpu.enqueue_indirect_dma source(%dma_start3A_492 : memref<56x128xf32, #tpu.memory_space<vmem_shared>>) target(%dma_start3A_484 : memref<128x128xf32, #tpu.memory_space<vmem>>) offsets(%dma_start3A_487 : memref<128xi32, #tpu.memory_space<vmem>>) semaphore(%arg14 : memref<!tpu.dma_semaphore, #tpu.memory_space<semaphore_mem>>)
    %dma_wait3A_493 = arith.constant 2 : i32
    %dma_wait3A_494 = arith.constant 256 : i32
    %dma_wait3A_495 = arith.constant 0 : i32
    %dma_wait3A_496 = tpu.memref_slice %arg7[%dma_wait3A_494, %dma_wait3A_495] : memref<512x128xf32, #tpu.memory_space<vmem>> -> memref<128x128xf32, #tpu.memory_space<vmem>>
    %dma_wait3A_497 = arith.constant 0 : i32
    %dma_wait3A_498 = tpu.memref_slice %arg6[%dma_wait3A_493, %dma_wait3A_497] : memref<8x128xi32, #tpu.memory_space<vmem>> -> memref<1x128xi32, #tpu.memory_space<vmem>>
    %dma_wait3A_499 = tpu.memref_squeeze %dma_wait3A_498 : memref<1x128xi32, #tpu.memory_space<vmem>> -> memref<128xi32, #tpu.memory_space<vmem>>
    %dma_wait3A_500 = arith.constant 0 : i32
    %dma_wait3A_501 = tpu.memref_slice %arg8[%mul3A_0, %dma_wait3A_500] : memref<896x128xf32, #tpu.memory_space<vmem_shared>> -> memref<56x128xf32, #tpu.memory_space<vmem_shared>>
    %dma_wait3A_502 = arith.constant 0 : i32
    %dma_wait3A_503 = arith.constant 0 : i32
    %dma_wait3A_504 = tpu.memref_slice %dma_wait3A_501[%dma_wait3A_502, %dma_wait3A_503] : memref<56x128xf32, #tpu.memory_space<vmem_shared>> -> memref<56x128xf32, #tpu.memory_space<vmem_shared>>
    tpu.wait_indirect_dma semaphore(%arg13 : memref<!tpu.dma_semaphore, #tpu.memory_space<semaphore_mem>>) src(%dma_wait3A_504 : memref<56x128xf32, #tpu.memory_space<vmem_shared>>) dst(%dma_wait3A_496 : memref<128x128xf32, #tpu.memory_space<vmem>>)
    %add3A_505 = arith.constant 256 : i32
    %add3A_506 = arith.addi %add3A_349, %add3A_505 : i32
    %dma_start3A_507 = arith.constant 256 : i32
    %dma_start3A_508 = arith.constant 0 : i32
    %dma_start3A_509 = tpu.memref_slice %arg7[%dma_start3A_507, %dma_start3A_508] : memref<512x128xf32, #tpu.memory_space<vmem>> -> memref<128x128xf32, #tpu.memory_space<vmem>>
    %dma_start3A_510 = arith.constant 0 : i32
    %dma_start3A_511 = tpu.memref_slice %arg4[%add3A_506, %dma_start3A_510] : memref<3276800x128xf32, #tpu.memory_space<hbm>> -> memref<128x128xf32, #tpu.memory_space<hbm>>
    %dma_start3A_512 = arith.constant 0 : i32
    %dma_start3A_513 = tpu.memref_slice %arg4[%add3A_506, %dma_start3A_512] : memref<3276800x128xf32, #tpu.memory_space<hbm>> -> memref<128x128xf32, #tpu.memory_space<hbm>>
    %dma_start3A_514 = arith.constant 256 : i32
    %dma_start3A_515 = arith.constant 0 : i32
    %dma_start3A_516 = tpu.memref_slice %arg7[%dma_start3A_514, %dma_start3A_515] : memref<512x128xf32, #tpu.memory_space<vmem>> -> memref<128x128xf32, #tpu.memory_space<vmem>>
    tpu.enqueue_dma source(%dma_start3A_516 : memref<128x128xf32, #tpu.memory_space<vmem>>) target(%dma_start3A_513 : memref<128x128xf32, #tpu.memory_space<hbm>>) target_semaphore(%arg17 : memref<!tpu.dma_semaphore, #tpu.memory_space<semaphore_mem>>)
    %dma_wait3A_517 = arith.constant 0 : i32
    %dma_wait3A_518 = arith.constant 0 : i32
    %dma_wait3A_519 = tpu.memref_slice %arg7[%dma_wait3A_517, %dma_wait3A_518] : memref<512x128xf32, #tpu.memory_space<vmem>> -> memref<128x128xf32, #tpu.memory_space<vmem>>
    %dma_wait3A_520 = arith.constant 0 : i32
    %dma_wait3A_521 = tpu.memref_slice %arg4[%mul3A_4, %dma_wait3A_520] : memref<3276800x128xf32, #tpu.memory_space<hbm>> -> memref<128x128xf32, #tpu.memory_space<hbm>>
    %dma_wait3A_522 = arith.constant 0 : i32
    %dma_wait3A_523 = tpu.memref_slice %arg4[%mul3A_4, %dma_wait3A_522] : memref<3276800x128xf32, #tpu.memory_space<hbm>> -> memref<128x128xf32, #tpu.memory_space<hbm>>
    %dma_wait3A_524 = arith.constant 0 : i32
    %dma_wait3A_525 = arith.constant 0 : i32
    %dma_wait3A_526 = tpu.memref_slice %arg7[%dma_wait3A_524, %dma_wait3A_525] : memref<512x128xf32, #tpu.memory_space<vmem>> -> memref<128x128xf32, #tpu.memory_space<vmem>>
    tpu.wait_dma2 semaphore(%arg15 : memref<!tpu.dma_semaphore, #tpu.memory_space<semaphore_mem>>) src(%dma_wait3A_526 : memref<128x128xf32, #tpu.memory_space<vmem>>) dst(%dma_wait3A_523 : memref<128x128xf32, #tpu.memory_space<hbm>>)
    %dma_start3A_527 = arith.constant 4 : i32
    %dma_start3A_528 = arith.constant 0 : i32
    %dma_start3A_529 = arith.constant 0 : i32
    %dma_start3A_530 = tpu.memref_slice %arg7[%dma_start3A_528, %dma_start3A_529] : memref<512x128xf32, #tpu.memory_space<vmem>> -> memref<128x128xf32, #tpu.memory_space<vmem>>
    %dma_start3A_531 = arith.constant 0 : i32
    %dma_start3A_532 = tpu.memref_slice %arg6[%dma_start3A_527, %dma_start3A_531] : memref<8x128xi32, #tpu.memory_space<vmem>> -> memref<1x128xi32, #tpu.memory_space<vmem>>
    %dma_start3A_533 = tpu.memref_squeeze %dma_start3A_532 : memref<1x128xi32, #tpu.memory_space<vmem>> -> memref<128xi32, #tpu.memory_space<vmem>>
    %dma_start3A_534 = arith.constant 0 : i32
    %dma_start3A_535 = tpu.memref_slice %arg8[%mul3A_0, %dma_start3A_534] : memref<896x128xf32, #tpu.memory_space<vmem_shared>> -> memref<56x128xf32, #tpu.memory_space<vmem_shared>>
    %dma_start3A_536 = arith.constant 0 : i32
    %dma_start3A_537 = arith.constant 0 : i32
    %dma_start3A_538 = tpu.memref_slice %dma_start3A_535[%dma_start3A_536, %dma_start3A_537] : memref<56x128xf32, #tpu.memory_space<vmem_shared>> -> memref<56x128xf32, #tpu.memory_space<vmem_shared>>
    tpu.enqueue_indirect_dma source(%dma_start3A_538 : memref<56x128xf32, #tpu.memory_space<vmem_shared>>) target(%dma_start3A_530 : memref<128x128xf32, #tpu.memory_space<vmem>>) offsets(%dma_start3A_533 : memref<128xi32, #tpu.memory_space<vmem>>) semaphore(%arg11 : memref<!tpu.dma_semaphore, #tpu.memory_space<semaphore_mem>>)
    %dma_wait3A_539 = arith.constant 3 : i32
    %dma_wait3A_540 = arith.constant 384 : i32
    %dma_wait3A_541 = arith.constant 0 : i32
    %dma_wait3A_542 = tpu.memref_slice %arg7[%dma_wait3A_540, %dma_wait3A_541] : memref<512x128xf32, #tpu.memory_space<vmem>> -> memref<128x128xf32, #tpu.memory_space<vmem>>
    %dma_wait3A_543 = arith.constant 0 : i32
    %dma_wait3A_544 = tpu.memref_slice %arg6[%dma_wait3A_539, %dma_wait3A_543] : memref<8x128xi32, #tpu.memory_space<vmem>> -> memref<1x128xi32, #tpu.memory_space<vmem>>
    %dma_wait3A_545 = tpu.memref_squeeze %dma_wait3A_544 : memref<1x128xi32, #tpu.memory_space<vmem>> -> memref<128xi32, #tpu.memory_space<vmem>>
    %dma_wait3A_546 = arith.constant 0 : i32
    %dma_wait3A_547 = tpu.memref_slice %arg8[%mul3A_0, %dma_wait3A_546] : memref<896x128xf32, #tpu.memory_space<vmem_shared>> -> memref<56x128xf32, #tpu.memory_space<vmem_shared>>
    %dma_wait3A_548 = arith.constant 0 : i32
    %dma_wait3A_549 = arith.constant 0 : i32
    %dma_wait3A_550 = tpu.memref_slice %dma_wait3A_547[%dma_wait3A_548, %dma_wait3A_549] : memref<56x128xf32, #tpu.memory_space<vmem_shared>> -> memref<56x128xf32, #tpu.memory_space<vmem_shared>>
    tpu.wait_indirect_dma semaphore(%arg14 : memref<!tpu.dma_semaphore, #tpu.memory_space<semaphore_mem>>) src(%dma_wait3A_550 : memref<56x128xf32, #tpu.memory_space<vmem_shared>>) dst(%dma_wait3A_542 : memref<128x128xf32, #tpu.memory_space<vmem>>)
    %add3A_551 = arith.constant 384 : i32
    %add3A_552 = arith.addi %add3A_349, %add3A_551 : i32
    %dma_start3A_553 = arith.constant 384 : i32
    %dma_start3A_554 = arith.constant 0 : i32
    %dma_start3A_555 = tpu.memref_slice %arg7[%dma_start3A_553, %dma_start3A_554] : memref<512x128xf32, #tpu.memory_space<vmem>> -> memref<128x128xf32, #tpu.memory_space<vmem>>
    %dma_start3A_556 = arith.constant 0 : i32
    %dma_start3A_557 = tpu.memref_slice %arg4[%add3A_552, %dma_start3A_556] : memref<3276800x128xf32, #tpu.memory_space<hbm>> -> memref<128x128xf32, #tpu.memory_space<hbm>>
    %dma_start3A_558 = arith.constant 0 : i32
    %dma_start3A_559 = tpu.memref_slice %arg4[%add3A_552, %dma_start3A_558] : memref<3276800x128xf32, #tpu.memory_space<hbm>> -> memref<128x128xf32, #tpu.memory_space<hbm>>
    %dma_start3A_560 = arith.constant 384 : i32
    %dma_start3A_561 = arith.constant 0 : i32
    %dma_start3A_562 = tpu.memref_slice %arg7[%dma_start3A_560, %dma_start3A_561] : memref<512x128xf32, #tpu.memory_space<vmem>> -> memref<128x128xf32, #tpu.memory_space<vmem>>
    tpu.enqueue_dma source(%dma_start3A_562 : memref<128x128xf32, #tpu.memory_space<vmem>>) target(%dma_start3A_559 : memref<128x128xf32, #tpu.memory_space<hbm>>) target_semaphore(%arg18 : memref<!tpu.dma_semaphore, #tpu.memory_space<semaphore_mem>>)
    %dma_wait3A_563 = arith.constant 128 : i32
    %dma_wait3A_564 = arith.constant 0 : i32
    %dma_wait3A_565 = tpu.memref_slice %arg7[%dma_wait3A_563, %dma_wait3A_564] : memref<512x128xf32, #tpu.memory_space<vmem>> -> memref<128x128xf32, #tpu.memory_space<vmem>>
    %dma_wait3A_566 = arith.constant 0 : i32
    %dma_wait3A_567 = tpu.memref_slice %arg4[%mul3A_4, %dma_wait3A_566] : memref<3276800x128xf32, #tpu.memory_space<hbm>> -> memref<128x128xf32, #tpu.memory_space<hbm>>
    %dma_wait3A_568 = arith.constant 0 : i32
    %dma_wait3A_569 = tpu.memref_slice %arg4[%mul3A_4, %dma_wait3A_568] : memref<3276800x128xf32, #tpu.memory_space<hbm>> -> memref<128x128xf32, #tpu.memory_space<hbm>>
    %dma_wait3A_570 = arith.constant 128 : i32
    %dma_wait3A_571 = arith.constant 0 : i32
    %dma_wait3A_572 = tpu.memref_slice %arg7[%dma_wait3A_570, %dma_wait3A_571] : memref<512x128xf32, #tpu.memory_space<vmem>> -> memref<128x128xf32, #tpu.memory_space<vmem>>
    tpu.wait_dma2 semaphore(%arg16 : memref<!tpu.dma_semaphore, #tpu.memory_space<semaphore_mem>>) src(%dma_wait3A_572 : memref<128x128xf32, #tpu.memory_space<vmem>>) dst(%dma_wait3A_569 : memref<128x128xf32, #tpu.memory_space<hbm>>)
    %dma_start3A_573 = arith.constant 5 : i32
    %dma_start3A_574 = arith.constant 128 : i32
    %dma_start3A_575 = arith.constant 0 : i32
    %dma_start3A_576 = tpu.memref_slice %arg7[%dma_start3A_574, %dma_start3A_575] : memref<512x128xf32, #tpu.memory_space<vmem>> -> memref<128x128xf32, #tpu.memory_space<vmem>>
    %dma_start3A_577 = arith.constant 0 : i32
    %dma_start3A_578 = tpu.memref_slice %arg6[%dma_start3A_573, %dma_start3A_577] : memref<8x128xi32, #tpu.memory_space<vmem>> -> memref<1x128xi32, #tpu.memory_space<vmem>>
    %dma_start3A_579 = tpu.memref_squeeze %dma_start3A_578 : memref<1x128xi32, #tpu.memory_space<vmem>> -> memref<128xi32, #tpu.memory_space<vmem>>
    %dma_start3A_580 = arith.constant 0 : i32
    %dma_start3A_581 = tpu.memref_slice %arg8[%mul3A_0, %dma_start3A_580] : memref<896x128xf32, #tpu.memory_space<vmem_shared>> -> memref<56x128xf32, #tpu.memory_space<vmem_shared>>
    %dma_start3A_582 = arith.constant 0 : i32
    %dma_start3A_583 = arith.constant 0 : i32
    %dma_start3A_584 = tpu.memref_slice %dma_start3A_581[%dma_start3A_582, %dma_start3A_583] : memref<56x128xf32, #tpu.memory_space<vmem_shared>> -> memref<56x128xf32, #tpu.memory_space<vmem_shared>>
    tpu.enqueue_indirect_dma source(%dma_start3A_584 : memref<56x128xf32, #tpu.memory_space<vmem_shared>>) target(%dma_start3A_576 : memref<128x128xf32, #tpu.memory_space<vmem>>) offsets(%dma_start3A_579 : memref<128xi32, #tpu.memory_space<vmem>>) semaphore(%arg12 : memref<!tpu.dma_semaphore, #tpu.memory_space<semaphore_mem>>)
    %dma_wait3A_585 = arith.constant 4 : i32
    %dma_wait3A_586 = arith.constant 0 : i32
    %dma_wait3A_587 = arith.constant 0 : i32
    %dma_wait3A_588 = tpu.memref_slice %arg7[%dma_wait3A_586, %dma_wait3A_587] : memref<512x128xf32, #tpu.memory_space<vmem>> -> memref<128x128xf32, #tpu.memory_space<vmem>>
    %dma_wait3A_589 = arith.constant 0 : i32
    %dma_wait3A_590 = tpu.memref_slice %arg6[%dma_wait3A_585, %dma_wait3A_589] : memref<8x128xi32, #tpu.memory_space<vmem>> -> memref<1x128xi32, #tpu.memory_space<vmem>>
    %dma_wait3A_591 = tpu.memref_squeeze %dma_wait3A_590 : memref<1x128xi32, #tpu.memory_space<vmem>> -> memref<128xi32, #tpu.memory_space<vmem>>
    %dma_wait3A_592 = arith.constant 0 : i32
    %dma_wait3A_593 = tpu.memref_slice %arg8[%mul3A_0, %dma_wait3A_592] : memref<896x128xf32, #tpu.memory_space<vmem_shared>> -> memref<56x128xf32, #tpu.memory_space<vmem_shared>>
    %dma_wait3A_594 = arith.constant 0 : i32
    %dma_wait3A_595 = arith.constant 0 : i32
    %dma_wait3A_596 = tpu.memref_slice %dma_wait3A_593[%dma_wait3A_594, %dma_wait3A_595] : memref<56x128xf32, #tpu.memory_space<vmem_shared>> -> memref<56x128xf32, #tpu.memory_space<vmem_shared>>
    tpu.wait_indirect_dma semaphore(%arg11 : memref<!tpu.dma_semaphore, #tpu.memory_space<semaphore_mem>>) src(%dma_wait3A_596 : memref<56x128xf32, #tpu.memory_space<vmem_shared>>) dst(%dma_wait3A_588 : memref<128x128xf32, #tpu.memory_space<vmem>>)
    %add3A_597 = arith.constant 512 : i32
    %add3A_598 = arith.addi %add3A_349, %add3A_597 : i32
    %dma_start3A_599 = arith.constant 0 : i32
    %dma_start3A_600 = arith.constant 0 : i32
    %dma_start3A_601 = tpu.memref_slice %arg7[%dma_start3A_599, %dma_start3A_600] : memref<512x128xf32, #tpu.memory_space<vmem>> -> memref<128x128xf32, #tpu.memory_space<vmem>>
    %dma_start3A_602 = arith.constant 0 : i32
    %dma_start3A_603 = tpu.memref_slice %arg4[%add3A_598, %dma_start3A_602] : memref<3276800x128xf32, #tpu.memory_space<hbm>> -> memref<128x128xf32, #tpu.memory_space<hbm>>
    %dma_start3A_604 = arith.constant 0 : i32
    %dma_start3A_605 = tpu.memref_slice %arg4[%add3A_598, %dma_start3A_604] : memref<3276800x128xf32, #tpu.memory_space<hbm>> -> memref<128x128xf32, #tpu.memory_space<hbm>>
    %dma_start3A_606 = arith.constant 0 : i32
    %dma_start3A_607 = arith.constant 0 : i32
    %dma_start3A_608 = tpu.memref_slice %arg7[%dma_start3A_606, %dma_start3A_607] : memref<512x128xf32, #tpu.memory_space<vmem>> -> memref<128x128xf32, #tpu.memory_space<vmem>>
    tpu.enqueue_dma source(%dma_start3A_608 : memref<128x128xf32, #tpu.memory_space<vmem>>) target(%dma_start3A_605 : memref<128x128xf32, #tpu.memory_space<hbm>>) target_semaphore(%arg15 : memref<!tpu.dma_semaphore, #tpu.memory_space<semaphore_mem>>)
    %dma_wait3A_609 = arith.constant 256 : i32
    %dma_wait3A_610 = arith.constant 0 : i32
    %dma_wait3A_611 = tpu.memref_slice %arg7[%dma_wait3A_609, %dma_wait3A_610] : memref<512x128xf32, #tpu.memory_space<vmem>> -> memref<128x128xf32, #tpu.memory_space<vmem>>
    %dma_wait3A_612 = arith.constant 0 : i32
    %dma_wait3A_613 = tpu.memref_slice %arg4[%mul3A_4, %dma_wait3A_612] : memref<3276800x128xf32, #tpu.memory_space<hbm>> -> memref<128x128xf32, #tpu.memory_space<hbm>>
    %dma_wait3A_614 = arith.constant 0 : i32
    %dma_wait3A_615 = tpu.memref_slice %arg4[%mul3A_4, %dma_wait3A_614] : memref<3276800x128xf32, #tpu.memory_space<hbm>> -> memref<128x128xf32, #tpu.memory_space<hbm>>
    %dma_wait3A_616 = arith.constant 256 : i32
    %dma_wait3A_617 = arith.constant 0 : i32
    %dma_wait3A_618 = tpu.memref_slice %arg7[%dma_wait3A_616, %dma_wait3A_617] : memref<512x128xf32, #tpu.memory_space<vmem>> -> memref<128x128xf32, #tpu.memory_space<vmem>>
    tpu.wait_dma2 semaphore(%arg17 : memref<!tpu.dma_semaphore, #tpu.memory_space<semaphore_mem>>) src(%dma_wait3A_618 : memref<128x128xf32, #tpu.memory_space<vmem>>) dst(%dma_wait3A_615 : memref<128x128xf32, #tpu.memory_space<hbm>>)
    %dma_start3A_619 = arith.constant 6 : i32
    %dma_start3A_620 = arith.constant 256 : i32
    %dma_start3A_621 = arith.constant 0 : i32
    %dma_start3A_622 = tpu.memref_slice %arg7[%dma_start3A_620, %dma_start3A_621] : memref<512x128xf32, #tpu.memory_space<vmem>> -> memref<128x128xf32, #tpu.memory_space<vmem>>
    %dma_start3A_623 = arith.constant 0 : i32
    %dma_start3A_624 = tpu.memref_slice %arg6[%dma_start3A_619, %dma_start3A_623] : memref<8x128xi32, #tpu.memory_space<vmem>> -> memref<1x128xi32, #tpu.memory_space<vmem>>
    %dma_start3A_625 = tpu.memref_squeeze %dma_start3A_624 : memref<1x128xi32, #tpu.memory_space<vmem>> -> memref<128xi32, #tpu.memory_space<vmem>>
    %dma_start3A_626 = arith.constant 0 : i32
    %dma_start3A_627 = tpu.memref_slice %arg8[%mul3A_0, %dma_start3A_626] : memref<896x128xf32, #tpu.memory_space<vmem_shared>> -> memref<56x128xf32, #tpu.memory_space<vmem_shared>>
    %dma_start3A_628 = arith.constant 0 : i32
    %dma_start3A_629 = arith.constant 0 : i32
    %dma_start3A_630 = tpu.memref_slice %dma_start3A_627[%dma_start3A_628, %dma_start3A_629] : memref<56x128xf32, #tpu.memory_space<vmem_shared>> -> memref<56x128xf32, #tpu.memory_space<vmem_shared>>
    tpu.enqueue_indirect_dma source(%dma_start3A_630 : memref<56x128xf32, #tpu.memory_space<vmem_shared>>) target(%dma_start3A_622 : memref<128x128xf32, #tpu.memory_space<vmem>>) offsets(%dma_start3A_625 : memref<128xi32, #tpu.memory_space<vmem>>) semaphore(%arg13 : memref<!tpu.dma_semaphore, #tpu.memory_space<semaphore_mem>>)
    %dma_wait3A_631 = arith.constant 5 : i32
    %dma_wait3A_632 = arith.constant 128 : i32
    %dma_wait3A_633 = arith.constant 0 : i32
    %dma_wait3A_634 = tpu.memref_slice %arg7[%dma_wait3A_632, %dma_wait3A_633] : memref<512x128xf32, #tpu.memory_space<vmem>> -> memref<128x128xf32, #tpu.memory_space<vmem>>
    %dma_wait3A_635 = arith.constant 0 : i32
    %dma_wait3A_636 = tpu.memref_slice %arg6[%dma_wait3A_631, %dma_wait3A_635] : memref<8x128xi32, #tpu.memory_space<vmem>> -> memref<1x128xi32, #tpu.memory_space<vmem>>
    %dma_wait3A_637 = tpu.memref_squeeze %dma_wait3A_636 : memref<1x128xi32, #tpu.memory_space<vmem>> -> memref<128xi32, #tpu.memory_space<vmem>>
    %dma_wait3A_638 = arith.constant 0 : i32
    %dma_wait3A_639 = tpu.memref_slice %arg8[%mul3A_0, %dma_wait3A_638] : memref<896x128xf32, #tpu.memory_space<vmem_shared>> -> memref<56x128xf32, #tpu.memory_space<vmem_shared>>
    %dma_wait3A_640 = arith.constant 0 : i32
    %dma_wait3A_641 = arith.constant 0 : i32
    %dma_wait3A_642 = tpu.memref_slice %dma_wait3A_639[%dma_wait3A_640, %dma_wait3A_641] : memref<56x128xf32, #tpu.memory_space<vmem_shared>> -> memref<56x128xf32, #tpu.memory_space<vmem_shared>>
    tpu.wait_indirect_dma semaphore(%arg12 : memref<!tpu.dma_semaphore, #tpu.memory_space<semaphore_mem>>) src(%dma_wait3A_642 : memref<56x128xf32, #tpu.memory_space<vmem_shared>>) dst(%dma_wait3A_634 : memref<128x128xf32, #tpu.memory_space<vmem>>)
    %add3A_643 = arith.constant 640 : i32
    %add3A_644 = arith.addi %add3A_349, %add3A_643 : i32
    %dma_start3A_645 = arith.constant 128 : i32
    %dma_start3A_646 = arith.constant 0 : i32
    %dma_start3A_647 = tpu.memref_slice %arg7[%dma_start3A_645, %dma_start3A_646] : memref<512x128xf32, #tpu.memory_space<vmem>> -> memref<128x128xf32, #tpu.memory_space<vmem>>
    %dma_start3A_648 = arith.constant 0 : i32
    %dma_start3A_649 = tpu.memref_slice %arg4[%add3A_644, %dma_start3A_648] : memref<3276800x128xf32, #tpu.memory_space<hbm>> -> memref<128x128xf32, #tpu.memory_space<hbm>>
    %dma_start3A_650 = arith.constant 0 : i32
    %dma_start3A_651 = tpu.memref_slice %arg4[%add3A_644, %dma_start3A_650] : memref<3276800x128xf32, #tpu.memory_space<hbm>> -> memref<128x128xf32, #tpu.memory_space<hbm>>
    %dma_start3A_652 = arith.constant 128 : i32
    %dma_start3A_653 = arith.constant 0 : i32
    %dma_start3A_654 = tpu.memref_slice %arg7[%dma_start3A_652, %dma_start3A_653] : memref<512x128xf32, #tpu.memory_space<vmem>> -> memref<128x128xf32, #tpu.memory_space<vmem>>
    tpu.enqueue_dma source(%dma_start3A_654 : memref<128x128xf32, #tpu.memory_space<vmem>>) target(%dma_start3A_651 : memref<128x128xf32, #tpu.memory_space<hbm>>) target_semaphore(%arg16 : memref<!tpu.dma_semaphore, #tpu.memory_space<semaphore_mem>>)
    %dma_wait3A_655 = arith.constant 384 : i32
    %dma_wait3A_656 = arith.constant 0 : i32
    %dma_wait3A_657 = tpu.memref_slice %arg7[%dma_wait3A_655, %dma_wait3A_656] : memref<512x128xf32, #tpu.memory_space<vmem>> -> memref<128x128xf32, #tpu.memory_space<vmem>>
    %dma_wait3A_658 = arith.constant 0 : i32
    %dma_wait3A_659 = tpu.memref_slice %arg4[%mul3A_4, %dma_wait3A_658] : memref<3276800x128xf32, #tpu.memory_space<hbm>> -> memref<128x128xf32, #tpu.memory_space<hbm>>
    %dma_wait3A_660 = arith.constant 0 : i32
    %dma_wait3A_661 = tpu.memref_slice %arg4[%mul3A_4, %dma_wait3A_660] : memref<3276800x128xf32, #tpu.memory_space<hbm>> -> memref<128x128xf32, #tpu.memory_space<hbm>>
    %dma_wait3A_662 = arith.constant 384 : i32
    %dma_wait3A_663 = arith.constant 0 : i32
    %dma_wait3A_664 = tpu.memref_slice %arg7[%dma_wait3A_662, %dma_wait3A_663] : memref<512x128xf32, #tpu.memory_space<vmem>> -> memref<128x128xf32, #tpu.memory_space<vmem>>
    tpu.wait_dma2 semaphore(%arg18 : memref<!tpu.dma_semaphore, #tpu.memory_space<semaphore_mem>>) src(%dma_wait3A_664 : memref<128x128xf32, #tpu.memory_space<vmem>>) dst(%dma_wait3A_661 : memref<128x128xf32, #tpu.memory_space<hbm>>)
    %dma_start3A_665 = arith.constant 7 : i32
    %dma_start3A_666 = arith.constant 384 : i32
    %dma_start3A_667 = arith.constant 0 : i32
    %dma_start3A_668 = tpu.memref_slice %arg7[%dma_start3A_666, %dma_start3A_667] : memref<512x128xf32, #tpu.memory_space<vmem>> -> memref<128x128xf32, #tpu.memory_space<vmem>>
    %dma_start3A_669 = arith.constant 0 : i32
    %dma_start3A_670 = tpu.memref_slice %arg6[%dma_start3A_665, %dma_start3A_669] : memref<8x128xi32, #tpu.memory_space<vmem>> -> memref<1x128xi32, #tpu.memory_space<vmem>>
    %dma_start3A_671 = tpu.memref_squeeze %dma_start3A_670 : memref<1x128xi32, #tpu.memory_space<vmem>> -> memref<128xi32, #tpu.memory_space<vmem>>
    %dma_start3A_672 = arith.constant 0 : i32
    %dma_start3A_673 = tpu.memref_slice %arg8[%mul3A_0, %dma_start3A_672] : memref<896x128xf32, #tpu.memory_space<vmem_shared>> -> memref<56x128xf32, #tpu.memory_space<vmem_shared>>
    %dma_start3A_674 = arith.constant 0 : i32
    %dma_start3A_675 = arith.constant 0 : i32
    %dma_start3A_676 = tpu.memref_slice %dma_start3A_673[%dma_start3A_674, %dma_start3A_675] : memref<56x128xf32, #tpu.memory_space<vmem_shared>> -> memref<56x128xf32, #tpu.memory_space<vmem_shared>>
    tpu.enqueue_indirect_dma source(%dma_start3A_676 : memref<56x128xf32, #tpu.memory_space<vmem_shared>>) target(%dma_start3A_668 : memref<128x128xf32, #tpu.memory_space<vmem>>) offsets(%dma_start3A_671 : memref<128xi32, #tpu.memory_space<vmem>>) semaphore(%arg14 : memref<!tpu.dma_semaphore, #tpu.memory_space<semaphore_mem>>)
    %dma_wait3A_677 = arith.constant 6 : i32
    %dma_wait3A_678 = arith.constant 256 : i32
    %dma_wait3A_679 = arith.constant 0 : i32
    %dma_wait3A_680 = tpu.memref_slice %arg7[%dma_wait3A_678, %dma_wait3A_679] : memref<512x128xf32, #tpu.memory_space<vmem>> -> memref<128x128xf32, #tpu.memory_space<vmem>>
    %dma_wait3A_681 = arith.constant 0 : i32
    %dma_wait3A_682 = tpu.memref_slice %arg6[%dma_wait3A_677, %dma_wait3A_681] : memref<8x128xi32, #tpu.memory_space<vmem>> -> memref<1x128xi32, #tpu.memory_space<vmem>>
    %dma_wait3A_683 = tpu.memref_squeeze %dma_wait3A_682 : memref<1x128xi32, #tpu.memory_space<vmem>> -> memref<128xi32, #tpu.memory_space<vmem>>
    %dma_wait3A_684 = arith.constant 0 : i32
    %dma_wait3A_685 = tpu.memref_slice %arg8[%mul3A_0, %dma_wait3A_684] : memref<896x128xf32, #tpu.memory_space<vmem_shared>> -> memref<56x128xf32, #tpu.memory_space<vmem_shared>>
    %dma_wait3A_686 = arith.constant 0 : i32
    %dma_wait3A_687 = arith.constant 0 : i32
    %dma_wait3A_688 = tpu.memref_slice %dma_wait3A_685[%dma_wait3A_686, %dma_wait3A_687] : memref<56x128xf32, #tpu.memory_space<vmem_shared>> -> memref<56x128xf32, #tpu.memory_space<vmem_shared>>
    tpu.wait_indirect_dma semaphore(%arg13 : memref<!tpu.dma_semaphore, #tpu.memory_space<semaphore_mem>>) src(%dma_wait3A_688 : memref<56x128xf32, #tpu.memory_space<vmem_shared>>) dst(%dma_wait3A_680 : memref<128x128xf32, #tpu.memory_space<vmem>>)
    %add3A_689 = arith.constant 768 : i32
    %add3A_690 = arith.addi %add3A_349, %add3A_689 : i32
    %dma_start3A_691 = arith.constant 256 : i32
    %dma_start3A_692 = arith.constant 0 : i32
    %dma_start3A_693 = tpu.memref_slice %arg7[%dma_start3A_691, %dma_start3A_692] : memref<512x128xf32, #tpu.memory_space<vmem>> -> memref<128x128xf32, #tpu.memory_space<vmem>>
    %dma_start3A_694 = arith.constant 0 : i32
    %dma_start3A_695 = tpu.memref_slice %arg4[%add3A_690, %dma_start3A_694] : memref<3276800x128xf32, #tpu.memory_space<hbm>> -> memref<128x128xf32, #tpu.memory_space<hbm>>
    %dma_start3A_696 = arith.constant 0 : i32
    %dma_start3A_697 = tpu.memref_slice %arg4[%add3A_690, %dma_start3A_696] : memref<3276800x128xf32, #tpu.memory_space<hbm>> -> memref<128x128xf32, #tpu.memory_space<hbm>>
    %dma_start3A_698 = arith.constant 256 : i32
    %dma_start3A_699 = arith.constant 0 : i32
    %dma_start3A_700 = tpu.memref_slice %arg7[%dma_start3A_698, %dma_start3A_699] : memref<512x128xf32, #tpu.memory_space<vmem>> -> memref<128x128xf32, #tpu.memory_space<vmem>>
    tpu.enqueue_dma source(%dma_start3A_700 : memref<128x128xf32, #tpu.memory_space<vmem>>) target(%dma_start3A_697 : memref<128x128xf32, #tpu.memory_space<hbm>>) target_semaphore(%arg17 : memref<!tpu.dma_semaphore, #tpu.memory_space<semaphore_mem>>)
    %dma_wait3A_701 = arith.constant 7 : i32
    %dma_wait3A_702 = arith.constant 384 : i32
    %dma_wait3A_703 = arith.constant 0 : i32
    %dma_wait3A_704 = tpu.memref_slice %arg7[%dma_wait3A_702, %dma_wait3A_703] : memref<512x128xf32, #tpu.memory_space<vmem>> -> memref<128x128xf32, #tpu.memory_space<vmem>>
    %dma_wait3A_705 = arith.constant 0 : i32
    %dma_wait3A_706 = tpu.memref_slice %arg6[%dma_wait3A_701, %dma_wait3A_705] : memref<8x128xi32, #tpu.memory_space<vmem>> -> memref<1x128xi32, #tpu.memory_space<vmem>>
    %dma_wait3A_707 = tpu.memref_squeeze %dma_wait3A_706 : memref<1x128xi32, #tpu.memory_space<vmem>> -> memref<128xi32, #tpu.memory_space<vmem>>
    %dma_wait3A_708 = arith.constant 0 : i32
    %dma_wait3A_709 = tpu.memref_slice %arg8[%mul3A_0, %dma_wait3A_708] : memref<896x128xf32, #tpu.memory_space<vmem_shared>> -> memref<56x128xf32, #tpu.memory_space<vmem_shared>>
    %dma_wait3A_710 = arith.constant 0 : i32
    %dma_wait3A_711 = arith.constant 0 : i32
    %dma_wait3A_712 = tpu.memref_slice %dma_wait3A_709[%dma_wait3A_710, %dma_wait3A_711] : memref<56x128xf32, #tpu.memory_space<vmem_shared>> -> memref<56x128xf32, #tpu.memory_space<vmem_shared>>
    tpu.wait_indirect_dma semaphore(%arg14 : memref<!tpu.dma_semaphore, #tpu.memory_space<semaphore_mem>>) src(%dma_wait3A_712 : memref<56x128xf32, #tpu.memory_space<vmem_shared>>) dst(%dma_wait3A_704 : memref<128x128xf32, #tpu.memory_space<vmem>>)
    %add3A_713 = arith.constant 896 : i32
    %add3A_714 = arith.addi %add3A_349, %add3A_713 : i32
    %dma_start3A_715 = arith.constant 384 : i32
    %dma_start3A_716 = arith.constant 0 : i32
    %dma_start3A_717 = tpu.memref_slice %arg7[%dma_start3A_715, %dma_start3A_716] : memref<512x128xf32, #tpu.memory_space<vmem>> -> memref<128x128xf32, #tpu.memory_space<vmem>>
    %dma_start3A_718 = arith.constant 0 : i32
    %dma_start3A_719 = tpu.memref_slice %arg4[%add3A_714, %dma_start3A_718] : memref<3276800x128xf32, #tpu.memory_space<hbm>> -> memref<128x128xf32, #tpu.memory_space<hbm>>
    %dma_start3A_720 = arith.constant 0 : i32
    %dma_start3A_721 = tpu.memref_slice %arg4[%add3A_714, %dma_start3A_720] : memref<3276800x128xf32, #tpu.memory_space<hbm>> -> memref<128x128xf32, #tpu.memory_space<hbm>>
    %dma_start3A_722 = arith.constant 384 : i32
    %dma_start3A_723 = arith.constant 0 : i32
    %dma_start3A_724 = tpu.memref_slice %arg7[%dma_start3A_722, %dma_start3A_723] : memref<512x128xf32, #tpu.memory_space<vmem>> -> memref<128x128xf32, #tpu.memory_space<vmem>>
    tpu.enqueue_dma source(%dma_start3A_724 : memref<128x128xf32, #tpu.memory_space<vmem>>) target(%dma_start3A_721 : memref<128x128xf32, #tpu.memory_space<hbm>>) target_semaphore(%arg18 : memref<!tpu.dma_semaphore, #tpu.memory_space<semaphore_mem>>)
    %dma_wait3A_725 = arith.constant 0 : i32
    %dma_wait3A_726 = tpu.memref_slice %arg2[%mul3A_6, %dma_wait3A_725] : memref<25600x128xi32, #tpu.memory_space<hbm>> -> memref<8x128xi32, #tpu.memory_space<hbm>>
    %dma_wait3A_727 = arith.constant 0 : i32
    %dma_wait3A_728 = tpu.memref_slice %arg2[%mul3A_6, %dma_wait3A_727] : memref<25600x128xi32, #tpu.memory_space<hbm>> -> memref<8x128xi32, #tpu.memory_space<hbm>>
    tpu.wait_dma2 semaphore(%arg9 : memref<!tpu.dma_semaphore, #tpu.memory_space<semaphore_mem>>) src(%dma_wait3A_728 : memref<8x128xi32, #tpu.memory_space<hbm>>) dst(%arg5 : memref<8x128xi32, #tpu.memory_space<vmem>>)
    %scan3A = arith.constant 0 : i32
    %scan3A_729 = arith.constant 1 : i32
    %scan3A_730 = arith.constant 49 : i32
    %scan3A_731 = arith.addi %scan3A_729, %scan3A_730 : i32
    %scan3A_732 = arith.constant 1 : i32
    scf.for %scan3A_774 = %scan3A_729 to %scan3A_731 step %scan3A_732  : i32 {
      %mul3A_775 = arith.constant 2 : i32
      %mul3A_776 = arith.muli %mul3A_775, %scan3A_774 : i32
      %mul3A_777 = arith.constant 1024 : i32
      %mul3A_778 = arith.muli %mul3A_776, %mul3A_777 : i32
      %add3A_779 = arith.addi %mul3A_4, %mul3A_778 : i32
      %add3A_780 = arith.constant 1 : i32
      %add3A_781 = arith.addi %mul3A_776, %add3A_780 : i32
      %mul3A_782 = arith.constant 8 : i32
      %mul3A_783 = arith.muli %add3A_781, %mul3A_782 : i32
      %add3A_784 = arith.addi %mul3A_6, %mul3A_783 : i32
      %min3A_785 = arith.minsi %add3A_784, %sub3A_9 : i32
      %dma_start3A_786 = arith.constant 0 : i32
      %dma_start3A_787 = tpu.memref_slice %arg2[%min3A_785, %dma_start3A_786] : memref<25600x128xi32, #tpu.memory_space<hbm>> -> memref<8x128xi32, #tpu.memory_space<hbm>>
      %dma_start3A_788 = arith.constant 0 : i32
      %dma_start3A_789 = tpu.memref_slice %arg2[%min3A_785, %dma_start3A_788] : memref<25600x128xi32, #tpu.memory_space<hbm>> -> memref<8x128xi32, #tpu.memory_space<hbm>>
      tpu.enqueue_dma source(%dma_start3A_789 : memref<8x128xi32, #tpu.memory_space<hbm>>) target(%arg6 : memref<8x128xi32, #tpu.memory_space<vmem>>) target_semaphore(%arg10 : memref<!tpu.dma_semaphore, #tpu.memory_space<semaphore_mem>>)
      %dma_wait3A_790 = arith.constant 0 : i32
      %dma_wait3A_791 = arith.constant 0 : i32
      %dma_wait3A_792 = tpu.memref_slice %arg7[%dma_wait3A_790, %dma_wait3A_791] : memref<512x128xf32, #tpu.memory_space<vmem>> -> memref<128x128xf32, #tpu.memory_space<vmem>>
      %dma_wait3A_793 = arith.constant 0 : i32
      %dma_wait3A_794 = tpu.memref_slice %arg4[%mul3A_4, %dma_wait3A_793] : memref<3276800x128xf32, #tpu.memory_space<hbm>> -> memref<128x128xf32, #tpu.memory_space<hbm>>
      %dma_wait3A_795 = arith.constant 0 : i32
      %dma_wait3A_796 = tpu.memref_slice %arg4[%mul3A_4, %dma_wait3A_795] : memref<3276800x128xf32, #tpu.memory_space<hbm>> -> memref<128x128xf32, #tpu.memory_space<hbm>>
      %dma_wait3A_797 = arith.constant 0 : i32
      %dma_wait3A_798 = arith.constant 0 : i32
      %dma_wait3A_799 = tpu.memref_slice %arg7[%dma_wait3A_797, %dma_wait3A_798] : memref<512x128xf32, #tpu.memory_space<vmem>> -> memref<128x128xf32, #tpu.memory_space<vmem>>
      tpu.wait_dma2 semaphore(%arg15 : memref<!tpu.dma_semaphore, #tpu.memory_space<semaphore_mem>>) src(%dma_wait3A_799 : memref<128x128xf32, #tpu.memory_space<vmem>>) dst(%dma_wait3A_796 : memref<128x128xf32, #tpu.memory_space<hbm>>)
      %dma_start3A_800 = arith.constant 0 : i32
      %dma_start3A_801 = arith.constant 0 : i32
      %dma_start3A_802 = arith.constant 0 : i32
      %dma_start3A_803 = tpu.memref_slice %arg7[%dma_start3A_801, %dma_start3A_802] : memref<512x128xf32, #tpu.memory_space<vmem>> -> memref<128x128xf32, #tpu.memory_space<vmem>>
      %dma_start3A_804 = arith.constant 0 : i32
      %dma_start3A_805 = tpu.memref_slice %arg5[%dma_start3A_800, %dma_start3A_804] : memref<8x128xi32, #tpu.memory_space<vmem>> -> memref<1x128xi32, #tpu.memory_space<vmem>>
      %dma_start3A_806 = tpu.memref_squeeze %dma_start3A_805 : memref<1x128xi32, #tpu.memory_space<vmem>> -> memref<128xi32, #tpu.memory_space<vmem>>
      %dma_start3A_807 = arith.constant 0 : i32
      %dma_start3A_808 = tpu.memref_slice %arg8[%mul3A_0, %dma_start3A_807] : memref<896x128xf32, #tpu.memory_space<vmem_shared>> -> memref<56x128xf32, #tpu.memory_space<vmem_shared>>
      %dma_start3A_809 = arith.constant 0 : i32
      %dma_start3A_810 = arith.constant 0 : i32
      %dma_start3A_811 = tpu.memref_slice %dma_start3A_808[%dma_start3A_809, %dma_start3A_810] : memref<56x128xf32, #tpu.memory_space<vmem_shared>> -> memref<56x128xf32, #tpu.memory_space<vmem_shared>>
      tpu.enqueue_indirect_dma source(%dma_start3A_811 : memref<56x128xf32, #tpu.memory_space<vmem_shared>>) target(%dma_start3A_803 : memref<128x128xf32, #tpu.memory_space<vmem>>) offsets(%dma_start3A_806 : memref<128xi32, #tpu.memory_space<vmem>>) semaphore(%arg11 : memref<!tpu.dma_semaphore, #tpu.memory_space<semaphore_mem>>)
      %dma_wait3A_812 = arith.constant 128 : i32
      %dma_wait3A_813 = arith.constant 0 : i32
      %dma_wait3A_814 = tpu.memref_slice %arg7[%dma_wait3A_812, %dma_wait3A_813] : memref<512x128xf32, #tpu.memory_space<vmem>> -> memref<128x128xf32, #tpu.memory_space<vmem>>
      %dma_wait3A_815 = arith.constant 0 : i32
      %dma_wait3A_816 = tpu.memref_slice %arg4[%mul3A_4, %dma_wait3A_815] : memref<3276800x128xf32, #tpu.memory_space<hbm>> -> memref<128x128xf32, #tpu.memory_space<hbm>>
      %dma_wait3A_817 = arith.constant 0 : i32
      %dma_wait3A_818 = tpu.memref_slice %arg4[%mul3A_4, %dma_wait3A_817] : memref<3276800x128xf32, #tpu.memory_space<hbm>> -> memref<128x128xf32, #tpu.memory_space<hbm>>
      %dma_wait3A_819 = arith.constant 128 : i32
      %dma_wait3A_820 = arith.constant 0 : i32
      %dma_wait3A_821 = tpu.memref_slice %arg7[%dma_wait3A_819, %dma_wait3A_820] : memref<512x128xf32, #tpu.memory_space<vmem>> -> memref<128x128xf32, #tpu.memory_space<vmem>>
      tpu.wait_dma2 semaphore(%arg16 : memref<!tpu.dma_semaphore, #tpu.memory_space<semaphore_mem>>) src(%dma_wait3A_821 : memref<128x128xf32, #tpu.memory_space<vmem>>) dst(%dma_wait3A_818 : memref<128x128xf32, #tpu.memory_space<hbm>>)
      %dma_start3A_822 = arith.constant 1 : i32
      %dma_start3A_823 = arith.constant 128 : i32
      %dma_start3A_824 = arith.constant 0 : i32
      %dma_start3A_825 = tpu.memref_slice %arg7[%dma_start3A_823, %dma_start3A_824] : memref<512x128xf32, #tpu.memory_space<vmem>> -> memref<128x128xf32, #tpu.memory_space<vmem>>
      %dma_start3A_826 = arith.constant 0 : i32
      %dma_start3A_827 = tpu.memref_slice %arg5[%dma_start3A_822, %dma_start3A_826] : memref<8x128xi32, #tpu.memory_space<vmem>> -> memref<1x128xi32, #tpu.memory_space<vmem>>
      %dma_start3A_828 = tpu.memref_squeeze %dma_start3A_827 : memref<1x128xi32, #tpu.memory_space<vmem>> -> memref<128xi32, #tpu.memory_space<vmem>>
      %dma_start3A_829 = arith.constant 0 : i32
      %dma_start3A_830 = tpu.memref_slice %arg8[%mul3A_0, %dma_start3A_829] : memref<896x128xf32, #tpu.memory_space<vmem_shared>> -> memref<56x128xf32, #tpu.memory_space<vmem_shared>>
      %dma_start3A_831 = arith.constant 0 : i32
      %dma_start3A_832 = arith.constant 0 : i32
      %dma_start3A_833 = tpu.memref_slice %dma_start3A_830[%dma_start3A_831, %dma_start3A_832] : memref<56x128xf32, #tpu.memory_space<vmem_shared>> -> memref<56x128xf32, #tpu.memory_space<vmem_shared>>
      tpu.enqueue_indirect_dma source(%dma_start3A_833 : memref<56x128xf32, #tpu.memory_space<vmem_shared>>) target(%dma_start3A_825 : memref<128x128xf32, #tpu.memory_space<vmem>>) offsets(%dma_start3A_828 : memref<128xi32, #tpu.memory_space<vmem>>) semaphore(%arg12 : memref<!tpu.dma_semaphore, #tpu.memory_space<semaphore_mem>>)
      %dma_wait3A_834 = arith.constant 0 : i32
      %dma_wait3A_835 = arith.constant 0 : i32
      %dma_wait3A_836 = arith.constant 0 : i32
      %dma_wait3A_837 = tpu.memref_slice %arg7[%dma_wait3A_835, %dma_wait3A_836] : memref<512x128xf32, #tpu.memory_space<vmem>> -> memref<128x128xf32, #tpu.memory_space<vmem>>
      %dma_wait3A_838 = arith.constant 0 : i32
      %dma_wait3A_839 = tpu.memref_slice %arg5[%dma_wait3A_834, %dma_wait3A_838] : memref<8x128xi32, #tpu.memory_space<vmem>> -> memref<1x128xi32, #tpu.memory_space<vmem>>
      %dma_wait3A_840 = tpu.memref_squeeze %dma_wait3A_839 : memref<1x128xi32, #tpu.memory_space<vmem>> -> memref<128xi32, #tpu.memory_space<vmem>>
      %dma_wait3A_841 = arith.constant 0 : i32
      %dma_wait3A_842 = tpu.memref_slice %arg8[%mul3A_0, %dma_wait3A_841] : memref<896x128xf32, #tpu.memory_space<vmem_shared>> -> memref<56x128xf32, #tpu.memory_space<vmem_shared>>
      %dma_wait3A_843 = arith.constant 0 : i32
      %dma_wait3A_844 = arith.constant 0 : i32
      %dma_wait3A_845 = tpu.memref_slice %dma_wait3A_842[%dma_wait3A_843, %dma_wait3A_844] : memref<56x128xf32, #tpu.memory_space<vmem_shared>> -> memref<56x128xf32, #tpu.memory_space<vmem_shared>>
      tpu.wait_indirect_dma semaphore(%arg11 : memref<!tpu.dma_semaphore, #tpu.memory_space<semaphore_mem>>) src(%dma_wait3A_845 : memref<56x128xf32, #tpu.memory_space<vmem_shared>>) dst(%dma_wait3A_837 : memref<128x128xf32, #tpu.memory_space<vmem>>)
      %add3A_846 = arith.constant 0 : i32
      %add3A_847 = arith.addi %add3A_779, %add3A_846 : i32
      %dma_start3A_848 = arith.constant 0 : i32
      %dma_start3A_849 = arith.constant 0 : i32
      %dma_start3A_850 = tpu.memref_slice %arg7[%dma_start3A_848, %dma_start3A_849] : memref<512x128xf32, #tpu.memory_space<vmem>> -> memref<128x128xf32, #tpu.memory_space<vmem>>
      %dma_start3A_851 = arith.constant 0 : i32
      %dma_start3A_852 = tpu.memref_slice %arg4[%add3A_847, %dma_start3A_851] : memref<3276800x128xf32, #tpu.memory_space<hbm>> -> memref<128x128xf32, #tpu.memory_space<hbm>>
      %dma_start3A_853 = arith.constant 0 : i32
      %dma_start3A_854 = tpu.memref_slice %arg4[%add3A_847, %dma_start3A_853] : memref<3276800x128xf32, #tpu.memory_space<hbm>> -> memref<128x128xf32, #tpu.memory_space<hbm>>
      %dma_start3A_855 = arith.constant 0 : i32
      %dma_start3A_856 = arith.constant 0 : i32
      %dma_start3A_857 = tpu.memref_slice %arg7[%dma_start3A_855, %dma_start3A_856] : memref<512x128xf32, #tpu.memory_space<vmem>> -> memref<128x128xf32, #tpu.memory_space<vmem>>
      tpu.enqueue_dma source(%dma_start3A_857 : memref<128x128xf32, #tpu.memory_space<vmem>>) target(%dma_start3A_854 : memref<128x128xf32, #tpu.memory_space<hbm>>) target_semaphore(%arg15 : memref<!tpu.dma_semaphore, #tpu.memory_space<semaphore_mem>>)
      %dma_wait3A_858 = arith.constant 256 : i32
      %dma_wait3A_859 = arith.constant 0 : i32
      %dma_wait3A_860 = tpu.memref_slice %arg7[%dma_wait3A_858, %dma_wait3A_859] : memref<512x128xf32, #tpu.memory_space<vmem>> -> memref<128x128xf32, #tpu.memory_space<vmem>>
      %dma_wait3A_861 = arith.constant 0 : i32
      %dma_wait3A_862 = tpu.memref_slice %arg4[%mul3A_4, %dma_wait3A_861] : memref<3276800x128xf32, #tpu.memory_space<hbm>> -> memref<128x128xf32, #tpu.memory_space<hbm>>
      %dma_wait3A_863 = arith.constant 0 : i32
      %dma_wait3A_864 = tpu.memref_slice %arg4[%mul3A_4, %dma_wait3A_863] : memref<3276800x128xf32, #tpu.memory_space<hbm>> -> memref<128x128xf32, #tpu.memory_space<hbm>>
      %dma_wait3A_865 = arith.constant 256 : i32
      %dma_wait3A_866 = arith.constant 0 : i32
      %dma_wait3A_867 = tpu.memref_slice %arg7[%dma_wait3A_865, %dma_wait3A_866] : memref<512x128xf32, #tpu.memory_space<vmem>> -> memref<128x128xf32, #tpu.memory_space<vmem>>
      tpu.wait_dma2 semaphore(%arg17 : memref<!tpu.dma_semaphore, #tpu.memory_space<semaphore_mem>>) src(%dma_wait3A_867 : memref<128x128xf32, #tpu.memory_space<vmem>>) dst(%dma_wait3A_864 : memref<128x128xf32, #tpu.memory_space<hbm>>)
      %dma_start3A_868 = arith.constant 2 : i32
      %dma_start3A_869 = arith.constant 256 : i32
      %dma_start3A_870 = arith.constant 0 : i32
      %dma_start3A_871 = tpu.memref_slice %arg7[%dma_start3A_869, %dma_start3A_870] : memref<512x128xf32, #tpu.memory_space<vmem>> -> memref<128x128xf32, #tpu.memory_space<vmem>>
      %dma_start3A_872 = arith.constant 0 : i32
      %dma_start3A_873 = tpu.memref_slice %arg5[%dma_start3A_868, %dma_start3A_872] : memref<8x128xi32, #tpu.memory_space<vmem>> -> memref<1x128xi32, #tpu.memory_space<vmem>>
      %dma_start3A_874 = tpu.memref_squeeze %dma_start3A_873 : memref<1x128xi32, #tpu.memory_space<vmem>> -> memref<128xi32, #tpu.memory_space<vmem>>
      %dma_start3A_875 = arith.constant 0 : i32
      %dma_start3A_876 = tpu.memref_slice %arg8[%mul3A_0, %dma_start3A_875] : memref<896x128xf32, #tpu.memory_space<vmem_shared>> -> memref<56x128xf32, #tpu.memory_space<vmem_shared>>
      %dma_start3A_877 = arith.constant 0 : i32
      %dma_start3A_878 = arith.constant 0 : i32
      %dma_start3A_879 = tpu.memref_slice %dma_start3A_876[%dma_start3A_877, %dma_start3A_878] : memref<56x128xf32, #tpu.memory_space<vmem_shared>> -> memref<56x128xf32, #tpu.memory_space<vmem_shared>>
      tpu.enqueue_indirect_dma source(%dma_start3A_879 : memref<56x128xf32, #tpu.memory_space<vmem_shared>>) target(%dma_start3A_871 : memref<128x128xf32, #tpu.memory_space<vmem>>) offsets(%dma_start3A_874 : memref<128xi32, #tpu.memory_space<vmem>>) semaphore(%arg13 : memref<!tpu.dma_semaphore, #tpu.memory_space<semaphore_mem>>)
      %dma_wait3A_880 = arith.constant 1 : i32
      %dma_wait3A_881 = arith.constant 128 : i32
      %dma_wait3A_882 = arith.constant 0 : i32
      %dma_wait3A_883 = tpu.memref_slice %arg7[%dma_wait3A_881, %dma_wait3A_882] : memref<512x128xf32, #tpu.memory_space<vmem>> -> memref<128x128xf32, #tpu.memory_space<vmem>>
      %dma_wait3A_884 = arith.constant 0 : i32
      %dma_wait3A_885 = tpu.memref_slice %arg5[%dma_wait3A_880, %dma_wait3A_884] : memref<8x128xi32, #tpu.memory_space<vmem>> -> memref<1x128xi32, #tpu.memory_space<vmem>>
      %dma_wait3A_886 = tpu.memref_squeeze %dma_wait3A_885 : memref<1x128xi32, #tpu.memory_space<vmem>> -> memref<128xi32, #tpu.memory_space<vmem>>
      %dma_wait3A_887 = arith.constant 0 : i32
      %dma_wait3A_888 = tpu.memref_slice %arg8[%mul3A_0, %dma_wait3A_887] : memref<896x128xf32, #tpu.memory_space<vmem_shared>> -> memref<56x128xf32, #tpu.memory_space<vmem_shared>>
      %dma_wait3A_889 = arith.constant 0 : i32
      %dma_wait3A_890 = arith.constant 0 : i32
      %dma_wait3A_891 = tpu.memref_slice %dma_wait3A_888[%dma_wait3A_889, %dma_wait3A_890] : memref<56x128xf32, #tpu.memory_space<vmem_shared>> -> memref<56x128xf32, #tpu.memory_space<vmem_shared>>
      tpu.wait_indirect_dma semaphore(%arg12 : memref<!tpu.dma_semaphore, #tpu.memory_space<semaphore_mem>>) src(%dma_wait3A_891 : memref<56x128xf32, #tpu.memory_space<vmem_shared>>) dst(%dma_wait3A_883 : memref<128x128xf32, #tpu.memory_space<vmem>>)
      %add3A_892 = arith.constant 128 : i32
      %add3A_893 = arith.addi %add3A_779, %add3A_892 : i32
      %dma_start3A_894 = arith.constant 128 : i32
      %dma_start3A_895 = arith.constant 0 : i32
      %dma_start3A_896 = tpu.memref_slice %arg7[%dma_start3A_894, %dma_start3A_895] : memref<512x128xf32, #tpu.memory_space<vmem>> -> memref<128x128xf32, #tpu.memory_space<vmem>>
      %dma_start3A_897 = arith.constant 0 : i32
      %dma_start3A_898 = tpu.memref_slice %arg4[%add3A_893, %dma_start3A_897] : memref<3276800x128xf32, #tpu.memory_space<hbm>> -> memref<128x128xf32, #tpu.memory_space<hbm>>
      %dma_start3A_899 = arith.constant 0 : i32
      %dma_start3A_900 = tpu.memref_slice %arg4[%add3A_893, %dma_start3A_899] : memref<3276800x128xf32, #tpu.memory_space<hbm>> -> memref<128x128xf32, #tpu.memory_space<hbm>>
      %dma_start3A_901 = arith.constant 128 : i32
      %dma_start3A_902 = arith.constant 0 : i32
      %dma_start3A_903 = tpu.memref_slice %arg7[%dma_start3A_901, %dma_start3A_902] : memref<512x128xf32, #tpu.memory_space<vmem>> -> memref<128x128xf32, #tpu.memory_space<vmem>>
      tpu.enqueue_dma source(%dma_start3A_903 : memref<128x128xf32, #tpu.memory_space<vmem>>) target(%dma_start3A_900 : memref<128x128xf32, #tpu.memory_space<hbm>>) target_semaphore(%arg16 : memref<!tpu.dma_semaphore, #tpu.memory_space<semaphore_mem>>)
      %dma_wait3A_904 = arith.constant 384 : i32
      %dma_wait3A_905 = arith.constant 0 : i32
      %dma_wait3A_906 = tpu.memref_slice %arg7[%dma_wait3A_904, %dma_wait3A_905] : memref<512x128xf32, #tpu.memory_space<vmem>> -> memref<128x128xf32, #tpu.memory_space<vmem>>
      %dma_wait3A_907 = arith.constant 0 : i32
      %dma_wait3A_908 = tpu.memref_slice %arg4[%mul3A_4, %dma_wait3A_907] : memref<3276800x128xf32, #tpu.memory_space<hbm>> -> memref<128x128xf32, #tpu.memory_space<hbm>>
      %dma_wait3A_909 = arith.constant 0 : i32
      %dma_wait3A_910 = tpu.memref_slice %arg4[%mul3A_4, %dma_wait3A_909] : memref<3276800x128xf32, #tpu.memory_space<hbm>> -> memref<128x128xf32, #tpu.memory_space<hbm>>
      %dma_wait3A_911 = arith.constant 384 : i32
      %dma_wait3A_912 = arith.constant 0 : i32
      %dma_wait3A_913 = tpu.memref_slice %arg7[%dma_wait3A_911, %dma_wait3A_912] : memref<512x128xf32, #tpu.memory_space<vmem>> -> memref<128x128xf32, #tpu.memory_space<vmem>>
      tpu.wait_dma2 semaphore(%arg18 : memref<!tpu.dma_semaphore, #tpu.memory_space<semaphore_mem>>) src(%dma_wait3A_913 : memref<128x128xf32, #tpu.memory_space<vmem>>) dst(%dma_wait3A_910 : memref<128x128xf32, #tpu.memory_space<hbm>>)
      %dma_start3A_914 = arith.constant 3 : i32
      %dma_start3A_915 = arith.constant 384 : i32
      %dma_start3A_916 = arith.constant 0 : i32
      %dma_start3A_917 = tpu.memref_slice %arg7[%dma_start3A_915, %dma_start3A_916] : memref<512x128xf32, #tpu.memory_space<vmem>> -> memref<128x128xf32, #tpu.memory_space<vmem>>
      %dma_start3A_918 = arith.constant 0 : i32
      %dma_start3A_919 = tpu.memref_slice %arg5[%dma_start3A_914, %dma_start3A_918] : memref<8x128xi32, #tpu.memory_space<vmem>> -> memref<1x128xi32, #tpu.memory_space<vmem>>
      %dma_start3A_920 = tpu.memref_squeeze %dma_start3A_919 : memref<1x128xi32, #tpu.memory_space<vmem>> -> memref<128xi32, #tpu.memory_space<vmem>>
      %dma_start3A_921 = arith.constant 0 : i32
      %dma_start3A_922 = tpu.memref_slice %arg8[%mul3A_0, %dma_start3A_921] : memref<896x128xf32, #tpu.memory_space<vmem_shared>> -> memref<56x128xf32, #tpu.memory_space<vmem_shared>>
      %dma_start3A_923 = arith.constant 0 : i32
      %dma_start3A_924 = arith.constant 0 : i32
      %dma_start3A_925 = tpu.memref_slice %dma_start3A_922[%dma_start3A_923, %dma_start3A_924] : memref<56x128xf32, #tpu.memory_space<vmem_shared>> -> memref<56x128xf32, #tpu.memory_space<vmem_shared>>
      tpu.enqueue_indirect_dma source(%dma_start3A_925 : memref<56x128xf32, #tpu.memory_space<vmem_shared>>) target(%dma_start3A_917 : memref<128x128xf32, #tpu.memory_space<vmem>>) offsets(%dma_start3A_920 : memref<128xi32, #tpu.memory_space<vmem>>) semaphore(%arg14 : memref<!tpu.dma_semaphore, #tpu.memory_space<semaphore_mem>>)
      %dma_wait3A_926 = arith.constant 2 : i32
      %dma_wait3A_927 = arith.constant 256 : i32
      %dma_wait3A_928 = arith.constant 0 : i32
      %dma_wait3A_929 = tpu.memref_slice %arg7[%dma_wait3A_927, %dma_wait3A_928] : memref<512x128xf32, #tpu.memory_space<vmem>> -> memref<128x128xf32, #tpu.memory_space<vmem>>
      %dma_wait3A_930 = arith.constant 0 : i32
      %dma_wait3A_931 = tpu.memref_slice %arg5[%dma_wait3A_926, %dma_wait3A_930] : memref<8x128xi32, #tpu.memory_space<vmem>> -> memref<1x128xi32, #tpu.memory_space<vmem>>
      %dma_wait3A_932 = tpu.memref_squeeze %dma_wait3A_931 : memref<1x128xi32, #tpu.memory_space<vmem>> -> memref<128xi32, #tpu.memory_space<vmem>>
      %dma_wait3A_933 = arith.constant 0 : i32
      %dma_wait3A_934 = tpu.memref_slice %arg8[%mul3A_0, %dma_wait3A_933] : memref<896x128xf32, #tpu.memory_space<vmem_shared>> -> memref<56x128xf32, #tpu.memory_space<vmem_shared>>
      %dma_wait3A_935 = arith.constant 0 : i32
      %dma_wait3A_936 = arith.constant 0 : i32
      %dma_wait3A_937 = tpu.memref_slice %dma_wait3A_934[%dma_wait3A_935, %dma_wait3A_936] : memref<56x128xf32, #tpu.memory_space<vmem_shared>> -> memref<56x128xf32, #tpu.memory_space<vmem_shared>>
      tpu.wait_indirect_dma semaphore(%arg13 : memref<!tpu.dma_semaphore, #tpu.memory_space<semaphore_mem>>) src(%dma_wait3A_937 : memref<56x128xf32, #tpu.memory_space<vmem_shared>>) dst(%dma_wait3A_929 : memref<128x128xf32, #tpu.memory_space<vmem>>)
      %add3A_938 = arith.constant 256 : i32
      %add3A_939 = arith.addi %add3A_779, %add3A_938 : i32
      %dma_start3A_940 = arith.constant 256 : i32
      %dma_start3A_941 = arith.constant 0 : i32
      %dma_start3A_942 = tpu.memref_slice %arg7[%dma_start3A_940, %dma_start3A_941] : memref<512x128xf32, #tpu.memory_space<vmem>> -> memref<128x128xf32, #tpu.memory_space<vmem>>
      %dma_start3A_943 = arith.constant 0 : i32
      %dma_start3A_944 = tpu.memref_slice %arg4[%add3A_939, %dma_start3A_943] : memref<3276800x128xf32, #tpu.memory_space<hbm>> -> memref<128x128xf32, #tpu.memory_space<hbm>>
      %dma_start3A_945 = arith.constant 0 : i32
      %dma_start3A_946 = tpu.memref_slice %arg4[%add3A_939, %dma_start3A_945] : memref<3276800x128xf32, #tpu.memory_space<hbm>> -> memref<128x128xf32, #tpu.memory_space<hbm>>
      %dma_start3A_947 = arith.constant 256 : i32
      %dma_start3A_948 = arith.constant 0 : i32
      %dma_start3A_949 = tpu.memref_slice %arg7[%dma_start3A_947, %dma_start3A_948] : memref<512x128xf32, #tpu.memory_space<vmem>> -> memref<128x128xf32, #tpu.memory_space<vmem>>
      tpu.enqueue_dma source(%dma_start3A_949 : memref<128x128xf32, #tpu.memory_space<vmem>>) target(%dma_start3A_946 : memref<128x128xf32, #tpu.memory_space<hbm>>) target_semaphore(%arg17 : memref<!tpu.dma_semaphore, #tpu.memory_space<semaphore_mem>>)
      %dma_wait3A_950 = arith.constant 0 : i32
      %dma_wait3A_951 = arith.constant 0 : i32
      %dma_wait3A_952 = tpu.memref_slice %arg7[%dma_wait3A_950, %dma_wait3A_951] : memref<512x128xf32, #tpu.memory_space<vmem>> -> memref<128x128xf32, #tpu.memory_space<vmem>>
      %dma_wait3A_953 = arith.constant 0 : i32
      %dma_wait3A_954 = tpu.memref_slice %arg4[%mul3A_4, %dma_wait3A_953] : memref<3276800x128xf32, #tpu.memory_space<hbm>> -> memref<128x128xf32, #tpu.memory_space<hbm>>
      %dma_wait3A_955 = arith.constant 0 : i32
      %dma_wait3A_956 = tpu.memref_slice %arg4[%mul3A_4, %dma_wait3A_955] : memref<3276800x128xf32, #tpu.memory_space<hbm>> -> memref<128x128xf32, #tpu.memory_space<hbm>>
      %dma_wait3A_957 = arith.constant 0 : i32
      %dma_wait3A_958 = arith.constant 0 : i32
      %dma_wait3A_959 = tpu.memref_slice %arg7[%dma_wait3A_957, %dma_wait3A_958] : memref<512x128xf32, #tpu.memory_space<vmem>> -> memref<128x128xf32, #tpu.memory_space<vmem>>
      tpu.wait_dma2 semaphore(%arg15 : memref<!tpu.dma_semaphore, #tpu.memory_space<semaphore_mem>>) src(%dma_wait3A_959 : memref<128x128xf32, #tpu.memory_space<vmem>>) dst(%dma_wait3A_956 : memref<128x128xf32, #tpu.memory_space<hbm>>)
      %dma_start3A_960 = arith.constant 4 : i32
      %dma_start3A_961 = arith.constant 0 : i32
      %dma_start3A_962 = arith.constant 0 : i32
      %dma_start3A_963 = tpu.memref_slice %arg7[%dma_start3A_961, %dma_start3A_962] : memref<512x128xf32, #tpu.memory_space<vmem>> -> memref<128x128xf32, #tpu.memory_space<vmem>>
      %dma_start3A_964 = arith.constant 0 : i32
      %dma_start3A_965 = tpu.memref_slice %arg5[%dma_start3A_960, %dma_start3A_964] : memref<8x128xi32, #tpu.memory_space<vmem>> -> memref<1x128xi32, #tpu.memory_space<vmem>>
      %dma_start3A_966 = tpu.memref_squeeze %dma_start3A_965 : memref<1x128xi32, #tpu.memory_space<vmem>> -> memref<128xi32, #tpu.memory_space<vmem>>
      %dma_start3A_967 = arith.constant 0 : i32
      %dma_start3A_968 = tpu.memref_slice %arg8[%mul3A_0, %dma_start3A_967] : memref<896x128xf32, #tpu.memory_space<vmem_shared>> -> memref<56x128xf32, #tpu.memory_space<vmem_shared>>
      %dma_start3A_969 = arith.constant 0 : i32
      %dma_start3A_970 = arith.constant 0 : i32
      %dma_start3A_971 = tpu.memref_slice %dma_start3A_968[%dma_start3A_969, %dma_start3A_970] : memref<56x128xf32, #tpu.memory_space<vmem_shared>> -> memref<56x128xf32, #tpu.memory_space<vmem_shared>>
      tpu.enqueue_indirect_dma source(%dma_start3A_971 : memref<56x128xf32, #tpu.memory_space<vmem_shared>>) target(%dma_start3A_963 : memref<128x128xf32, #tpu.memory_space<vmem>>) offsets(%dma_start3A_966 : memref<128xi32, #tpu.memory_space<vmem>>) semaphore(%arg11 : memref<!tpu.dma_semaphore, #tpu.memory_space<semaphore_mem>>)
      %dma_wait3A_972 = arith.constant 3 : i32
      %dma_wait3A_973 = arith.constant 384 : i32
      %dma_wait3A_974 = arith.constant 0 : i32
      %dma_wait3A_975 = tpu.memref_slice %arg7[%dma_wait3A_973, %dma_wait3A_974] : memref<512x128xf32, #tpu.memory_space<vmem>> -> memref<128x128xf32, #tpu.memory_space<vmem>>
      %dma_wait3A_976 = arith.constant 0 : i32
      %dma_wait3A_977 = tpu.memref_slice %arg5[%dma_wait3A_972, %dma_wait3A_976] : memref<8x128xi32, #tpu.memory_space<vmem>> -> memref<1x128xi32, #tpu.memory_space<vmem>>
      %dma_wait3A_978 = tpu.memref_squeeze %dma_wait3A_977 : memref<1x128xi32, #tpu.memory_space<vmem>> -> memref<128xi32, #tpu.memory_space<vmem>>
      %dma_wait3A_979 = arith.constant 0 : i32
      %dma_wait3A_980 = tpu.memref_slice %arg8[%mul3A_0, %dma_wait3A_979] : memref<896x128xf32, #tpu.memory_space<vmem_shared>> -> memref<56x128xf32, #tpu.memory_space<vmem_shared>>
      %dma_wait3A_981 = arith.constant 0 : i32
      %dma_wait3A_982 = arith.constant 0 : i32
      %dma_wait3A_983 = tpu.memref_slice %dma_wait3A_980[%dma_wait3A_981, %dma_wait3A_982] : memref<56x128xf32, #tpu.memory_space<vmem_shared>> -> memref<56x128xf32, #tpu.memory_space<vmem_shared>>
      tpu.wait_indirect_dma semaphore(%arg14 : memref<!tpu.dma_semaphore, #tpu.memory_space<semaphore_mem>>) src(%dma_wait3A_983 : memref<56x128xf32, #tpu.memory_space<vmem_shared>>) dst(%dma_wait3A_975 : memref<128x128xf32, #tpu.memory_space<vmem>>)
      %add3A_984 = arith.constant 384 : i32
      %add3A_985 = arith.addi %add3A_779, %add3A_984 : i32
      %dma_start3A_986 = arith.constant 384 : i32
      %dma_start3A_987 = arith.constant 0 : i32
      %dma_start3A_988 = tpu.memref_slice %arg7[%dma_start3A_986, %dma_start3A_987] : memref<512x128xf32, #tpu.memory_space<vmem>> -> memref<128x128xf32, #tpu.memory_space<vmem>>
      %dma_start3A_989 = arith.constant 0 : i32
      %dma_start3A_990 = tpu.memref_slice %arg4[%add3A_985, %dma_start3A_989] : memref<3276800x128xf32, #tpu.memory_space<hbm>> -> memref<128x128xf32, #tpu.memory_space<hbm>>
      %dma_start3A_991 = arith.constant 0 : i32
      %dma_start3A_992 = tpu.memref_slice %arg4[%add3A_985, %dma_start3A_991] : memref<3276800x128xf32, #tpu.memory_space<hbm>> -> memref<128x128xf32, #tpu.memory_space<hbm>>
      %dma_start3A_993 = arith.constant 384 : i32
      %dma_start3A_994 = arith.constant 0 : i32
      %dma_start3A_995 = tpu.memref_slice %arg7[%dma_start3A_993, %dma_start3A_994] : memref<512x128xf32, #tpu.memory_space<vmem>> -> memref<128x128xf32, #tpu.memory_space<vmem>>
      tpu.enqueue_dma source(%dma_start3A_995 : memref<128x128xf32, #tpu.memory_space<vmem>>) target(%dma_start3A_992 : memref<128x128xf32, #tpu.memory_space<hbm>>) target_semaphore(%arg18 : memref<!tpu.dma_semaphore, #tpu.memory_space<semaphore_mem>>)
      %dma_wait3A_996 = arith.constant 128 : i32
      %dma_wait3A_997 = arith.constant 0 : i32
      %dma_wait3A_998 = tpu.memref_slice %arg7[%dma_wait3A_996, %dma_wait3A_997] : memref<512x128xf32, #tpu.memory_space<vmem>> -> memref<128x128xf32, #tpu.memory_space<vmem>>
      %dma_wait3A_999 = arith.constant 0 : i32
      %dma_wait3A_1000 = tpu.memref_slice %arg4[%mul3A_4, %dma_wait3A_999] : memref<3276800x128xf32, #tpu.memory_space<hbm>> -> memref<128x128xf32, #tpu.memory_space<hbm>>
      %dma_wait3A_1001 = arith.constant 0 : i32
      %dma_wait3A_1002 = tpu.memref_slice %arg4[%mul3A_4, %dma_wait3A_1001] : memref<3276800x128xf32, #tpu.memory_space<hbm>> -> memref<128x128xf32, #tpu.memory_space<hbm>>
      %dma_wait3A_1003 = arith.constant 128 : i32
      %dma_wait3A_1004 = arith.constant 0 : i32
      %dma_wait3A_1005 = tpu.memref_slice %arg7[%dma_wait3A_1003, %dma_wait3A_1004] : memref<512x128xf32, #tpu.memory_space<vmem>> -> memref<128x128xf32, #tpu.memory_space<vmem>>
      tpu.wait_dma2 semaphore(%arg16 : memref<!tpu.dma_semaphore, #tpu.memory_space<semaphore_mem>>) src(%dma_wait3A_1005 : memref<128x128xf32, #tpu.memory_space<vmem>>) dst(%dma_wait3A_1002 : memref<128x128xf32, #tpu.memory_space<hbm>>)
      %dma_start3A_1006 = arith.constant 5 : i32
      %dma_start3A_1007 = arith.constant 128 : i32
      %dma_start3A_1008 = arith.constant 0 : i32
      %dma_start3A_1009 = tpu.memref_slice %arg7[%dma_start3A_1007, %dma_start3A_1008] : memref<512x128xf32, #tpu.memory_space<vmem>> -> memref<128x128xf32, #tpu.memory_space<vmem>>
      %dma_start3A_1010 = arith.constant 0 : i32
      %dma_start3A_1011 = tpu.memref_slice %arg5[%dma_start3A_1006, %dma_start3A_1010] : memref<8x128xi32, #tpu.memory_space<vmem>> -> memref<1x128xi32, #tpu.memory_space<vmem>>
      %dma_start3A_1012 = tpu.memref_squeeze %dma_start3A_1011 : memref<1x128xi32, #tpu.memory_space<vmem>> -> memref<128xi32, #tpu.memory_space<vmem>>
      %dma_start3A_1013 = arith.constant 0 : i32
      %dma_start3A_1014 = tpu.memref_slice %arg8[%mul3A_0, %dma_start3A_1013] : memref<896x128xf32, #tpu.memory_space<vmem_shared>> -> memref<56x128xf32, #tpu.memory_space<vmem_shared>>
      %dma_start3A_1015 = arith.constant 0 : i32
      %dma_start3A_1016 = arith.constant 0 : i32
      %dma_start3A_1017 = tpu.memref_slice %dma_start3A_1014[%dma_start3A_1015, %dma_start3A_1016] : memref<56x128xf32, #tpu.memory_space<vmem_shared>> -> memref<56x128xf32, #tpu.memory_space<vmem_shared>>
      tpu.enqueue_indirect_dma source(%dma_start3A_1017 : memref<56x128xf32, #tpu.memory_space<vmem_shared>>) target(%dma_start3A_1009 : memref<128x128xf32, #tpu.memory_space<vmem>>) offsets(%dma_start3A_1012 : memref<128xi32, #tpu.memory_space<vmem>>) semaphore(%arg12 : memref<!tpu.dma_semaphore, #tpu.memory_space<semaphore_mem>>)
      %dma_wait3A_1018 = arith.constant 4 : i32
      %dma_wait3A_1019 = arith.constant 0 : i32
      %dma_wait3A_1020 = arith.constant 0 : i32
      %dma_wait3A_1021 = tpu.memref_slice %arg7[%dma_wait3A_1019, %dma_wait3A_1020] : memref<512x128xf32, #tpu.memory_space<vmem>> -> memref<128x128xf32, #tpu.memory_space<vmem>>
      %dma_wait3A_1022 = arith.constant 0 : i32
      %dma_wait3A_1023 = tpu.memref_slice %arg5[%dma_wait3A_1018, %dma_wait3A_1022] : memref<8x128xi32, #tpu.memory_space<vmem>> -> memref<1x128xi32, #tpu.memory_space<vmem>>
      %dma_wait3A_1024 = tpu.memref_squeeze %dma_wait3A_1023 : memref<1x128xi32, #tpu.memory_space<vmem>> -> memref<128xi32, #tpu.memory_space<vmem>>
      %dma_wait3A_1025 = arith.constant 0 : i32
      %dma_wait3A_1026 = tpu.memref_slice %arg8[%mul3A_0, %dma_wait3A_1025] : memref<896x128xf32, #tpu.memory_space<vmem_shared>> -> memref<56x128xf32, #tpu.memory_space<vmem_shared>>
      %dma_wait3A_1027 = arith.constant 0 : i32
      %dma_wait3A_1028 = arith.constant 0 : i32
      %dma_wait3A_1029 = tpu.memref_slice %dma_wait3A_1026[%dma_wait3A_1027, %dma_wait3A_1028] : memref<56x128xf32, #tpu.memory_space<vmem_shared>> -> memref<56x128xf32, #tpu.memory_space<vmem_shared>>
      tpu.wait_indirect_dma semaphore(%arg11 : memref<!tpu.dma_semaphore, #tpu.memory_space<semaphore_mem>>) src(%dma_wait3A_1029 : memref<56x128xf32, #tpu.memory_space<vmem_shared>>) dst(%dma_wait3A_1021 : memref<128x128xf32, #tpu.memory_space<vmem>>)
      %add3A_1030 = arith.constant 512 : i32
      %add3A_1031 = arith.addi %add3A_779, %add3A_1030 : i32
      %dma_start3A_1032 = arith.constant 0 : i32
      %dma_start3A_1033 = arith.constant 0 : i32
      %dma_start3A_1034 = tpu.memref_slice %arg7[%dma_start3A_1032, %dma_start3A_1033] : memref<512x128xf32, #tpu.memory_space<vmem>> -> memref<128x128xf32, #tpu.memory_space<vmem>>
      %dma_start3A_1035 = arith.constant 0 : i32
      %dma_start3A_1036 = tpu.memref_slice %arg4[%add3A_1031, %dma_start3A_1035] : memref<3276800x128xf32, #tpu.memory_space<hbm>> -> memref<128x128xf32, #tpu.memory_space<hbm>>
      %dma_start3A_1037 = arith.constant 0 : i32
      %dma_start3A_1038 = tpu.memref_slice %arg4[%add3A_1031, %dma_start3A_1037] : memref<3276800x128xf32, #tpu.memory_space<hbm>> -> memref<128x128xf32, #tpu.memory_space<hbm>>
      %dma_start3A_1039 = arith.constant 0 : i32
      %dma_start3A_1040 = arith.constant 0 : i32
      %dma_start3A_1041 = tpu.memref_slice %arg7[%dma_start3A_1039, %dma_start3A_1040] : memref<512x128xf32, #tpu.memory_space<vmem>> -> memref<128x128xf32, #tpu.memory_space<vmem>>
      tpu.enqueue_dma source(%dma_start3A_1041 : memref<128x128xf32, #tpu.memory_space<vmem>>) target(%dma_start3A_1038 : memref<128x128xf32, #tpu.memory_space<hbm>>) target_semaphore(%arg15 : memref<!tpu.dma_semaphore, #tpu.memory_space<semaphore_mem>>)
      %dma_wait3A_1042 = arith.constant 256 : i32
      %dma_wait3A_1043 = arith.constant 0 : i32
      %dma_wait3A_1044 = tpu.memref_slice %arg7[%dma_wait3A_1042, %dma_wait3A_1043] : memref<512x128xf32, #tpu.memory_space<vmem>> -> memref<128x128xf32, #tpu.memory_space<vmem>>
      %dma_wait3A_1045 = arith.constant 0 : i32
      %dma_wait3A_1046 = tpu.memref_slice %arg4[%mul3A_4, %dma_wait3A_1045] : memref<3276800x128xf32, #tpu.memory_space<hbm>> -> memref<128x128xf32, #tpu.memory_space<hbm>>
      %dma_wait3A_1047 = arith.constant 0 : i32
      %dma_wait3A_1048 = tpu.memref_slice %arg4[%mul3A_4, %dma_wait3A_1047] : memref<3276800x128xf32, #tpu.memory_space<hbm>> -> memref<128x128xf32, #tpu.memory_space<hbm>>
      %dma_wait3A_1049 = arith.constant 256 : i32
      %dma_wait3A_1050 = arith.constant 0 : i32
      %dma_wait3A_1051 = tpu.memref_slice %arg7[%dma_wait3A_1049, %dma_wait3A_1050] : memref<512x128xf32, #tpu.memory_space<vmem>> -> memref<128x128xf32, #tpu.memory_space<vmem>>
      tpu.wait_dma2 semaphore(%arg17 : memref<!tpu.dma_semaphore, #tpu.memory_space<semaphore_mem>>) src(%dma_wait3A_1051 : memref<128x128xf32, #tpu.memory_space<vmem>>) dst(%dma_wait3A_1048 : memref<128x128xf32, #tpu.memory_space<hbm>>)
      %dma_start3A_1052 = arith.constant 6 : i32
      %dma_start3A_1053 = arith.constant 256 : i32
      %dma_start3A_1054 = arith.constant 0 : i32
      %dma_start3A_1055 = tpu.memref_slice %arg7[%dma_start3A_1053, %dma_start3A_1054] : memref<512x128xf32, #tpu.memory_space<vmem>> -> memref<128x128xf32, #tpu.memory_space<vmem>>
      %dma_start3A_1056 = arith.constant 0 : i32
      %dma_start3A_1057 = tpu.memref_slice %arg5[%dma_start3A_1052, %dma_start3A_1056] : memref<8x128xi32, #tpu.memory_space<vmem>> -> memref<1x128xi32, #tpu.memory_space<vmem>>
      %dma_start3A_1058 = tpu.memref_squeeze %dma_start3A_1057 : memref<1x128xi32, #tpu.memory_space<vmem>> -> memref<128xi32, #tpu.memory_space<vmem>>
      %dma_start3A_1059 = arith.constant 0 : i32
      %dma_start3A_1060 = tpu.memref_slice %arg8[%mul3A_0, %dma_start3A_1059] : memref<896x128xf32, #tpu.memory_space<vmem_shared>> -> memref<56x128xf32, #tpu.memory_space<vmem_shared>>
      %dma_start3A_1061 = arith.constant 0 : i32
      %dma_start3A_1062 = arith.constant 0 : i32
      %dma_start3A_1063 = tpu.memref_slice %dma_start3A_1060[%dma_start3A_1061, %dma_start3A_1062] : memref<56x128xf32, #tpu.memory_space<vmem_shared>> -> memref<56x128xf32, #tpu.memory_space<vmem_shared>>
      tpu.enqueue_indirect_dma source(%dma_start3A_1063 : memref<56x128xf32, #tpu.memory_space<vmem_shared>>) target(%dma_start3A_1055 : memref<128x128xf32, #tpu.memory_space<vmem>>) offsets(%dma_start3A_1058 : memref<128xi32, #tpu.memory_space<vmem>>) semaphore(%arg13 : memref<!tpu.dma_semaphore, #tpu.memory_space<semaphore_mem>>)
      %dma_wait3A_1064 = arith.constant 5 : i32
      %dma_wait3A_1065 = arith.constant 128 : i32
      %dma_wait3A_1066 = arith.constant 0 : i32
      %dma_wait3A_1067 = tpu.memref_slice %arg7[%dma_wait3A_1065, %dma_wait3A_1066] : memref<512x128xf32, #tpu.memory_space<vmem>> -> memref<128x128xf32, #tpu.memory_space<vmem>>
      %dma_wait3A_1068 = arith.constant 0 : i32
      %dma_wait3A_1069 = tpu.memref_slice %arg5[%dma_wait3A_1064, %dma_wait3A_1068] : memref<8x128xi32, #tpu.memory_space<vmem>> -> memref<1x128xi32, #tpu.memory_space<vmem>>
      %dma_wait3A_1070 = tpu.memref_squeeze %dma_wait3A_1069 : memref<1x128xi32, #tpu.memory_space<vmem>> -> memref<128xi32, #tpu.memory_space<vmem>>
      %dma_wait3A_1071 = arith.constant 0 : i32
      %dma_wait3A_1072 = tpu.memref_slice %arg8[%mul3A_0, %dma_wait3A_1071] : memref<896x128xf32, #tpu.memory_space<vmem_shared>> -> memref<56x128xf32, #tpu.memory_space<vmem_shared>>
      %dma_wait3A_1073 = arith.constant 0 : i32
      %dma_wait3A_1074 = arith.constant 0 : i32
      %dma_wait3A_1075 = tpu.memref_slice %dma_wait3A_1072[%dma_wait3A_1073, %dma_wait3A_1074] : memref<56x128xf32, #tpu.memory_space<vmem_shared>> -> memref<56x128xf32, #tpu.memory_space<vmem_shared>>
      tpu.wait_indirect_dma semaphore(%arg12 : memref<!tpu.dma_semaphore, #tpu.memory_space<semaphore_mem>>) src(%dma_wait3A_1075 : memref<56x128xf32, #tpu.memory_space<vmem_shared>>) dst(%dma_wait3A_1067 : memref<128x128xf32, #tpu.memory_space<vmem>>)
      %add3A_1076 = arith.constant 640 : i32
      %add3A_1077 = arith.addi %add3A_779, %add3A_1076 : i32
      %dma_start3A_1078 = arith.constant 128 : i32
      %dma_start3A_1079 = arith.constant 0 : i32
      %dma_start3A_1080 = tpu.memref_slice %arg7[%dma_start3A_1078, %dma_start3A_1079] : memref<512x128xf32, #tpu.memory_space<vmem>> -> memref<128x128xf32, #tpu.memory_space<vmem>>
      %dma_start3A_1081 = arith.constant 0 : i32
      %dma_start3A_1082 = tpu.memref_slice %arg4[%add3A_1077, %dma_start3A_1081] : memref<3276800x128xf32, #tpu.memory_space<hbm>> -> memref<128x128xf32, #tpu.memory_space<hbm>>
      %dma_start3A_1083 = arith.constant 0 : i32
      %dma_start3A_1084 = tpu.memref_slice %arg4[%add3A_1077, %dma_start3A_1083] : memref<3276800x128xf32, #tpu.memory_space<hbm>> -> memref<128x128xf32, #tpu.memory_space<hbm>>
      %dma_start3A_1085 = arith.constant 128 : i32
      %dma_start3A_1086 = arith.constant 0 : i32
      %dma_start3A_1087 = tpu.memref_slice %arg7[%dma_start3A_1085, %dma_start3A_1086] : memref<512x128xf32, #tpu.memory_space<vmem>> -> memref<128x128xf32, #tpu.memory_space<vmem>>
      tpu.enqueue_dma source(%dma_start3A_1087 : memref<128x128xf32, #tpu.memory_space<vmem>>) target(%dma_start3A_1084 : memref<128x128xf32, #tpu.memory_space<hbm>>) target_semaphore(%arg16 : memref<!tpu.dma_semaphore, #tpu.memory_space<semaphore_mem>>)
      %dma_wait3A_1088 = arith.constant 384 : i32
      %dma_wait3A_1089 = arith.constant 0 : i32
      %dma_wait3A_1090 = tpu.memref_slice %arg7[%dma_wait3A_1088, %dma_wait3A_1089] : memref<512x128xf32, #tpu.memory_space<vmem>> -> memref<128x128xf32, #tpu.memory_space<vmem>>
      %dma_wait3A_1091 = arith.constant 0 : i32
      %dma_wait3A_1092 = tpu.memref_slice %arg4[%mul3A_4, %dma_wait3A_1091] : memref<3276800x128xf32, #tpu.memory_space<hbm>> -> memref<128x128xf32, #tpu.memory_space<hbm>>
      %dma_wait3A_1093 = arith.constant 0 : i32
      %dma_wait3A_1094 = tpu.memref_slice %arg4[%mul3A_4, %dma_wait3A_1093] : memref<3276800x128xf32, #tpu.memory_space<hbm>> -> memref<128x128xf32, #tpu.memory_space<hbm>>
      %dma_wait3A_1095 = arith.constant 384 : i32
      %dma_wait3A_1096 = arith.constant 0 : i32
      %dma_wait3A_1097 = tpu.memref_slice %arg7[%dma_wait3A_1095, %dma_wait3A_1096] : memref<512x128xf32, #tpu.memory_space<vmem>> -> memref<128x128xf32, #tpu.memory_space<vmem>>
      tpu.wait_dma2 semaphore(%arg18 : memref<!tpu.dma_semaphore, #tpu.memory_space<semaphore_mem>>) src(%dma_wait3A_1097 : memref<128x128xf32, #tpu.memory_space<vmem>>) dst(%dma_wait3A_1094 : memref<128x128xf32, #tpu.memory_space<hbm>>)
      %dma_start3A_1098 = arith.constant 7 : i32
      %dma_start3A_1099 = arith.constant 384 : i32
      %dma_start3A_1100 = arith.constant 0 : i32
      %dma_start3A_1101 = tpu.memref_slice %arg7[%dma_start3A_1099, %dma_start3A_1100] : memref<512x128xf32, #tpu.memory_space<vmem>> -> memref<128x128xf32, #tpu.memory_space<vmem>>
      %dma_start3A_1102 = arith.constant 0 : i32
      %dma_start3A_1103 = tpu.memref_slice %arg5[%dma_start3A_1098, %dma_start3A_1102] : memref<8x128xi32, #tpu.memory_space<vmem>> -> memref<1x128xi32, #tpu.memory_space<vmem>>
      %dma_start3A_1104 = tpu.memref_squeeze %dma_start3A_1103 : memref<1x128xi32, #tpu.memory_space<vmem>> -> memref<128xi32, #tpu.memory_space<vmem>>
      %dma_start3A_1105 = arith.constant 0 : i32
      %dma_start3A_1106 = tpu.memref_slice %arg8[%mul3A_0, %dma_start3A_1105] : memref<896x128xf32, #tpu.memory_space<vmem_shared>> -> memref<56x128xf32, #tpu.memory_space<vmem_shared>>
      %dma_start3A_1107 = arith.constant 0 : i32
      %dma_start3A_1108 = arith.constant 0 : i32
      %dma_start3A_1109 = tpu.memref_slice %dma_start3A_1106[%dma_start3A_1107, %dma_start3A_1108] : memref<56x128xf32, #tpu.memory_space<vmem_shared>> -> memref<56x128xf32, #tpu.memory_space<vmem_shared>>
      tpu.enqueue_indirect_dma source(%dma_start3A_1109 : memref<56x128xf32, #tpu.memory_space<vmem_shared>>) target(%dma_start3A_1101 : memref<128x128xf32, #tpu.memory_space<vmem>>) offsets(%dma_start3A_1104 : memref<128xi32, #tpu.memory_space<vmem>>) semaphore(%arg14 : memref<!tpu.dma_semaphore, #tpu.memory_space<semaphore_mem>>)
      %dma_wait3A_1110 = arith.constant 6 : i32
      %dma_wait3A_1111 = arith.constant 256 : i32
      %dma_wait3A_1112 = arith.constant 0 : i32
      %dma_wait3A_1113 = tpu.memref_slice %arg7[%dma_wait3A_1111, %dma_wait3A_1112] : memref<512x128xf32, #tpu.memory_space<vmem>> -> memref<128x128xf32, #tpu.memory_space<vmem>>
      %dma_wait3A_1114 = arith.constant 0 : i32
      %dma_wait3A_1115 = tpu.memref_slice %arg5[%dma_wait3A_1110, %dma_wait3A_1114] : memref<8x128xi32, #tpu.memory_space<vmem>> -> memref<1x128xi32, #tpu.memory_space<vmem>>
      %dma_wait3A_1116 = tpu.memref_squeeze %dma_wait3A_1115 : memref<1x128xi32, #tpu.memory_space<vmem>> -> memref<128xi32, #tpu.memory_space<vmem>>
      %dma_wait3A_1117 = arith.constant 0 : i32
      %dma_wait3A_1118 = tpu.memref_slice %arg8[%mul3A_0, %dma_wait3A_1117] : memref<896x128xf32, #tpu.memory_space<vmem_shared>> -> memref<56x128xf32, #tpu.memory_space<vmem_shared>>
      %dma_wait3A_1119 = arith.constant 0 : i32
      %dma_wait3A_1120 = arith.constant 0 : i32
      %dma_wait3A_1121 = tpu.memref_slice %dma_wait3A_1118[%dma_wait3A_1119, %dma_wait3A_1120] : memref<56x128xf32, #tpu.memory_space<vmem_shared>> -> memref<56x128xf32, #tpu.memory_space<vmem_shared>>
      tpu.wait_indirect_dma semaphore(%arg13 : memref<!tpu.dma_semaphore, #tpu.memory_space<semaphore_mem>>) src(%dma_wait3A_1121 : memref<56x128xf32, #tpu.memory_space<vmem_shared>>) dst(%dma_wait3A_1113 : memref<128x128xf32, #tpu.memory_space<vmem>>)
      %add3A_1122 = arith.constant 768 : i32
      %add3A_1123 = arith.addi %add3A_779, %add3A_1122 : i32
      %dma_start3A_1124 = arith.constant 256 : i32
      %dma_start3A_1125 = arith.constant 0 : i32
      %dma_start3A_1126 = tpu.memref_slice %arg7[%dma_start3A_1124, %dma_start3A_1125] : memref<512x128xf32, #tpu.memory_space<vmem>> -> memref<128x128xf32, #tpu.memory_space<vmem>>
      %dma_start3A_1127 = arith.constant 0 : i32
      %dma_start3A_1128 = tpu.memref_slice %arg4[%add3A_1123, %dma_start3A_1127] : memref<3276800x128xf32, #tpu.memory_space<hbm>> -> memref<128x128xf32, #tpu.memory_space<hbm>>
      %dma_start3A_1129 = arith.constant 0 : i32
      %dma_start3A_1130 = tpu.memref_slice %arg4[%add3A_1123, %dma_start3A_1129] : memref<3276800x128xf32, #tpu.memory_space<hbm>> -> memref<128x128xf32, #tpu.memory_space<hbm>>
      %dma_start3A_1131 = arith.constant 256 : i32
      %dma_start3A_1132 = arith.constant 0 : i32
      %dma_start3A_1133 = tpu.memref_slice %arg7[%dma_start3A_1131, %dma_start3A_1132] : memref<512x128xf32, #tpu.memory_space<vmem>> -> memref<128x128xf32, #tpu.memory_space<vmem>>
      tpu.enqueue_dma source(%dma_start3A_1133 : memref<128x128xf32, #tpu.memory_space<vmem>>) target(%dma_start3A_1130 : memref<128x128xf32, #tpu.memory_space<hbm>>) target_semaphore(%arg17 : memref<!tpu.dma_semaphore, #tpu.memory_space<semaphore_mem>>)
      %dma_wait3A_1134 = arith.constant 7 : i32
      %dma_wait3A_1135 = arith.constant 384 : i32
      %dma_wait3A_1136 = arith.constant 0 : i32
      %dma_wait3A_1137 = tpu.memref_slice %arg7[%dma_wait3A_1135, %dma_wait3A_1136] : memref<512x128xf32, #tpu.memory_space<vmem>> -> memref<128x128xf32, #tpu.memory_space<vmem>>
      %dma_wait3A_1138 = arith.constant 0 : i32
      %dma_wait3A_1139 = tpu.memref_slice %arg5[%dma_wait3A_1134, %dma_wait3A_1138] : memref<8x128xi32, #tpu.memory_space<vmem>> -> memref<1x128xi32, #tpu.memory_space<vmem>>
      %dma_wait3A_1140 = tpu.memref_squeeze %dma_wait3A_1139 : memref<1x128xi32, #tpu.memory_space<vmem>> -> memref<128xi32, #tpu.memory_space<vmem>>
      %dma_wait3A_1141 = arith.constant 0 : i32
      %dma_wait3A_1142 = tpu.memref_slice %arg8[%mul3A_0, %dma_wait3A_1141] : memref<896x128xf32, #tpu.memory_space<vmem_shared>> -> memref<56x128xf32, #tpu.memory_space<vmem_shared>>
      %dma_wait3A_1143 = arith.constant 0 : i32
      %dma_wait3A_1144 = arith.constant 0 : i32
      %dma_wait3A_1145 = tpu.memref_slice %dma_wait3A_1142[%dma_wait3A_1143, %dma_wait3A_1144] : memref<56x128xf32, #tpu.memory_space<vmem_shared>> -> memref<56x128xf32, #tpu.memory_space<vmem_shared>>
      tpu.wait_indirect_dma semaphore(%arg14 : memref<!tpu.dma_semaphore, #tpu.memory_space<semaphore_mem>>) src(%dma_wait3A_1145 : memref<56x128xf32, #tpu.memory_space<vmem_shared>>) dst(%dma_wait3A_1137 : memref<128x128xf32, #tpu.memory_space<vmem>>)
      %add3A_1146 = arith.constant 896 : i32
      %add3A_1147 = arith.addi %add3A_779, %add3A_1146 : i32
      %dma_start3A_1148 = arith.constant 384 : i32
      %dma_start3A_1149 = arith.constant 0 : i32
      %dma_start3A_1150 = tpu.memref_slice %arg7[%dma_start3A_1148, %dma_start3A_1149] : memref<512x128xf32, #tpu.memory_space<vmem>> -> memref<128x128xf32, #tpu.memory_space<vmem>>
      %dma_start3A_1151 = arith.constant 0 : i32
      %dma_start3A_1152 = tpu.memref_slice %arg4[%add3A_1147, %dma_start3A_1151] : memref<3276800x128xf32, #tpu.memory_space<hbm>> -> memref<128x128xf32, #tpu.memory_space<hbm>>
      %dma_start3A_1153 = arith.constant 0 : i32
      %dma_start3A_1154 = tpu.memref_slice %arg4[%add3A_1147, %dma_start3A_1153] : memref<3276800x128xf32, #tpu.memory_space<hbm>> -> memref<128x128xf32, #tpu.memory_space<hbm>>
      %dma_start3A_1155 = arith.constant 384 : i32
      %dma_start3A_1156 = arith.constant 0 : i32
      %dma_start3A_1157 = tpu.memref_slice %arg7[%dma_start3A_1155, %dma_start3A_1156] : memref<512x128xf32, #tpu.memory_space<vmem>> -> memref<128x128xf32, #tpu.memory_space<vmem>>
      tpu.enqueue_dma source(%dma_start3A_1157 : memref<128x128xf32, #tpu.memory_space<vmem>>) target(%dma_start3A_1154 : memref<128x128xf32, #tpu.memory_space<hbm>>) target_semaphore(%arg18 : memref<!tpu.dma_semaphore, #tpu.memory_space<semaphore_mem>>)
      %dma_wait3A_1158 = arith.constant 0 : i32
      %dma_wait3A_1159 = tpu.memref_slice %arg2[%mul3A_6, %dma_wait3A_1158] : memref<25600x128xi32, #tpu.memory_space<hbm>> -> memref<8x128xi32, #tpu.memory_space<hbm>>
      %dma_wait3A_1160 = arith.constant 0 : i32
      %dma_wait3A_1161 = tpu.memref_slice %arg2[%mul3A_6, %dma_wait3A_1160] : memref<25600x128xi32, #tpu.memory_space<hbm>> -> memref<8x128xi32, #tpu.memory_space<hbm>>
      tpu.wait_dma2 semaphore(%arg10 : memref<!tpu.dma_semaphore, #tpu.memory_space<semaphore_mem>>) src(%dma_wait3A_1161 : memref<8x128xi32, #tpu.memory_space<hbm>>) dst(%arg6 : memref<8x128xi32, #tpu.memory_space<vmem>>)
      %mul3A_1162 = arith.constant 2 : i32
      %mul3A_1163 = arith.muli %mul3A_1162, %scan3A_774 : i32
      %add3A_1164 = arith.constant 1 : i32
      %add3A_1165 = arith.addi %mul3A_1163, %add3A_1164 : i32
      %mul3A_1166 = arith.constant 1024 : i32
      %mul3A_1167 = arith.muli %add3A_1165, %mul3A_1166 : i32
      %add3A_1168 = arith.addi %mul3A_4, %mul3A_1167 : i32
      %add3A_1169 = arith.constant 1 : i32
      %add3A_1170 = arith.addi %add3A_1165, %add3A_1169 : i32
      %mul3A_1171 = arith.constant 8 : i32
      %mul3A_1172 = arith.muli %add3A_1170, %mul3A_1171 : i32
      %add3A_1173 = arith.addi %mul3A_6, %mul3A_1172 : i32
      %min3A_1174 = arith.minsi %add3A_1173, %sub3A_9 : i32
      %dma_start3A_1175 = arith.constant 0 : i32
      %dma_start3A_1176 = tpu.memref_slice %arg2[%min3A_1174, %dma_start3A_1175] : memref<25600x128xi32, #tpu.memory_space<hbm>> -> memref<8x128xi32, #tpu.memory_space<hbm>>
      %dma_start3A_1177 = arith.constant 0 : i32
      %dma_start3A_1178 = tpu.memref_slice %arg2[%min3A_1174, %dma_start3A_1177] : memref<25600x128xi32, #tpu.memory_space<hbm>> -> memref<8x128xi32, #tpu.memory_space<hbm>>
      tpu.enqueue_dma source(%dma_start3A_1178 : memref<8x128xi32, #tpu.memory_space<hbm>>) target(%arg5 : memref<8x128xi32, #tpu.memory_space<vmem>>) target_semaphore(%arg9 : memref<!tpu.dma_semaphore, #tpu.memory_space<semaphore_mem>>)
      %dma_wait3A_1179 = arith.constant 0 : i32
      %dma_wait3A_1180 = arith.constant 0 : i32
      %dma_wait3A_1181 = tpu.memref_slice %arg7[%dma_wait3A_1179, %dma_wait3A_1180] : memref<512x128xf32, #tpu.memory_space<vmem>> -> memref<128x128xf32, #tpu.memory_space<vmem>>
      %dma_wait3A_1182 = arith.constant 0 : i32
      %dma_wait3A_1183 = tpu.memref_slice %arg4[%mul3A_4, %dma_wait3A_1182] : memref<3276800x128xf32, #tpu.memory_space<hbm>> -> memref<128x128xf32, #tpu.memory_space<hbm>>
      %dma_wait3A_1184 = arith.constant 0 : i32
      %dma_wait3A_1185 = tpu.memref_slice %arg4[%mul3A_4, %dma_wait3A_1184] : memref<3276800x128xf32, #tpu.memory_space<hbm>> -> memref<128x128xf32, #tpu.memory_space<hbm>>
      %dma_wait3A_1186 = arith.constant 0 : i32
      %dma_wait3A_1187 = arith.constant 0 : i32
      %dma_wait3A_1188 = tpu.memref_slice %arg7[%dma_wait3A_1186, %dma_wait3A_1187] : memref<512x128xf32, #tpu.memory_space<vmem>> -> memref<128x128xf32, #tpu.memory_space<vmem>>
      tpu.wait_dma2 semaphore(%arg15 : memref<!tpu.dma_semaphore, #tpu.memory_space<semaphore_mem>>) src(%dma_wait3A_1188 : memref<128x128xf32, #tpu.memory_space<vmem>>) dst(%dma_wait3A_1185 : memref<128x128xf32, #tpu.memory_space<hbm>>)
      %dma_start3A_1189 = arith.constant 0 : i32
      %dma_start3A_1190 = arith.constant 0 : i32
      %dma_start3A_1191 = arith.constant 0 : i32
      %dma_start3A_1192 = tpu.memref_slice %arg7[%dma_start3A_1190, %dma_start3A_1191] : memref<512x128xf32, #tpu.memory_space<vmem>> -> memref<128x128xf32, #tpu.memory_space<vmem>>
      %dma_start3A_1193 = arith.constant 0 : i32
      %dma_start3A_1194 = tpu.memref_slice %arg6[%dma_start3A_1189, %dma_start3A_1193] : memref<8x128xi32, #tpu.memory_space<vmem>> -> memref<1x128xi32, #tpu.memory_space<vmem>>
      %dma_start3A_1195 = tpu.memref_squeeze %dma_start3A_1194 : memref<1x128xi32, #tpu.memory_space<vmem>> -> memref<128xi32, #tpu.memory_space<vmem>>
      %dma_start3A_1196 = arith.constant 0 : i32
      %dma_start3A_1197 = tpu.memref_slice %arg8[%mul3A_0, %dma_start3A_1196] : memref<896x128xf32, #tpu.memory_space<vmem_shared>> -> memref<56x128xf32, #tpu.memory_space<vmem_shared>>
      %dma_start3A_1198 = arith.constant 0 : i32
      %dma_start3A_1199 = arith.constant 0 : i32
      %dma_start3A_1200 = tpu.memref_slice %dma_start3A_1197[%dma_start3A_1198, %dma_start3A_1199] : memref<56x128xf32, #tpu.memory_space<vmem_shared>> -> memref<56x128xf32, #tpu.memory_space<vmem_shared>>
      tpu.enqueue_indirect_dma source(%dma_start3A_1200 : memref<56x128xf32, #tpu.memory_space<vmem_shared>>) target(%dma_start3A_1192 : memref<128x128xf32, #tpu.memory_space<vmem>>) offsets(%dma_start3A_1195 : memref<128xi32, #tpu.memory_space<vmem>>) semaphore(%arg11 : memref<!tpu.dma_semaphore, #tpu.memory_space<semaphore_mem>>)
      %dma_wait3A_1201 = arith.constant 128 : i32
      %dma_wait3A_1202 = arith.constant 0 : i32
      %dma_wait3A_1203 = tpu.memref_slice %arg7[%dma_wait3A_1201, %dma_wait3A_1202] : memref<512x128xf32, #tpu.memory_space<vmem>> -> memref<128x128xf32, #tpu.memory_space<vmem>>
      %dma_wait3A_1204 = arith.constant 0 : i32
      %dma_wait3A_1205 = tpu.memref_slice %arg4[%mul3A_4, %dma_wait3A_1204] : memref<3276800x128xf32, #tpu.memory_space<hbm>> -> memref<128x128xf32, #tpu.memory_space<hbm>>
      %dma_wait3A_1206 = arith.constant 0 : i32
      %dma_wait3A_1207 = tpu.memref_slice %arg4[%mul3A_4, %dma_wait3A_1206] : memref<3276800x128xf32, #tpu.memory_space<hbm>> -> memref<128x128xf32, #tpu.memory_space<hbm>>
      %dma_wait3A_1208 = arith.constant 128 : i32
      %dma_wait3A_1209 = arith.constant 0 : i32
      %dma_wait3A_1210 = tpu.memref_slice %arg7[%dma_wait3A_1208, %dma_wait3A_1209] : memref<512x128xf32, #tpu.memory_space<vmem>> -> memref<128x128xf32, #tpu.memory_space<vmem>>
      tpu.wait_dma2 semaphore(%arg16 : memref<!tpu.dma_semaphore, #tpu.memory_space<semaphore_mem>>) src(%dma_wait3A_1210 : memref<128x128xf32, #tpu.memory_space<vmem>>) dst(%dma_wait3A_1207 : memref<128x128xf32, #tpu.memory_space<hbm>>)
      %dma_start3A_1211 = arith.constant 1 : i32
      %dma_start3A_1212 = arith.constant 128 : i32
      %dma_start3A_1213 = arith.constant 0 : i32
      %dma_start3A_1214 = tpu.memref_slice %arg7[%dma_start3A_1212, %dma_start3A_1213] : memref<512x128xf32, #tpu.memory_space<vmem>> -> memref<128x128xf32, #tpu.memory_space<vmem>>
      %dma_start3A_1215 = arith.constant 0 : i32
      %dma_start3A_1216 = tpu.memref_slice %arg6[%dma_start3A_1211, %dma_start3A_1215] : memref<8x128xi32, #tpu.memory_space<vmem>> -> memref<1x128xi32, #tpu.memory_space<vmem>>
      %dma_start3A_1217 = tpu.memref_squeeze %dma_start3A_1216 : memref<1x128xi32, #tpu.memory_space<vmem>> -> memref<128xi32, #tpu.memory_space<vmem>>
      %dma_start3A_1218 = arith.constant 0 : i32
      %dma_start3A_1219 = tpu.memref_slice %arg8[%mul3A_0, %dma_start3A_1218] : memref<896x128xf32, #tpu.memory_space<vmem_shared>> -> memref<56x128xf32, #tpu.memory_space<vmem_shared>>
      %dma_start3A_1220 = arith.constant 0 : i32
      %dma_start3A_1221 = arith.constant 0 : i32
      %dma_start3A_1222 = tpu.memref_slice %dma_start3A_1219[%dma_start3A_1220, %dma_start3A_1221] : memref<56x128xf32, #tpu.memory_space<vmem_shared>> -> memref<56x128xf32, #tpu.memory_space<vmem_shared>>
      tpu.enqueue_indirect_dma source(%dma_start3A_1222 : memref<56x128xf32, #tpu.memory_space<vmem_shared>>) target(%dma_start3A_1214 : memref<128x128xf32, #tpu.memory_space<vmem>>) offsets(%dma_start3A_1217 : memref<128xi32, #tpu.memory_space<vmem>>) semaphore(%arg12 : memref<!tpu.dma_semaphore, #tpu.memory_space<semaphore_mem>>)
      %dma_wait3A_1223 = arith.constant 0 : i32
      %dma_wait3A_1224 = arith.constant 0 : i32
      %dma_wait3A_1225 = arith.constant 0 : i32
      %dma_wait3A_1226 = tpu.memref_slice %arg7[%dma_wait3A_1224, %dma_wait3A_1225] : memref<512x128xf32, #tpu.memory_space<vmem>> -> memref<128x128xf32, #tpu.memory_space<vmem>>
      %dma_wait3A_1227 = arith.constant 0 : i32
      %dma_wait3A_1228 = tpu.memref_slice %arg6[%dma_wait3A_1223, %dma_wait3A_1227] : memref<8x128xi32, #tpu.memory_space<vmem>> -> memref<1x128xi32, #tpu.memory_space<vmem>>
      %dma_wait3A_1229 = tpu.memref_squeeze %dma_wait3A_1228 : memref<1x128xi32, #tpu.memory_space<vmem>> -> memref<128xi32, #tpu.memory_space<vmem>>
      %dma_wait3A_1230 = arith.constant 0 : i32
      %dma_wait3A_1231 = tpu.memref_slice %arg8[%mul3A_0, %dma_wait3A_1230] : memref<896x128xf32, #tpu.memory_space<vmem_shared>> -> memref<56x128xf32, #tpu.memory_space<vmem_shared>>
      %dma_wait3A_1232 = arith.constant 0 : i32
      %dma_wait3A_1233 = arith.constant 0 : i32
      %dma_wait3A_1234 = tpu.memref_slice %dma_wait3A_1231[%dma_wait3A_1232, %dma_wait3A_1233] : memref<56x128xf32, #tpu.memory_space<vmem_shared>> -> memref<56x128xf32, #tpu.memory_space<vmem_shared>>
      tpu.wait_indirect_dma semaphore(%arg11 : memref<!tpu.dma_semaphore, #tpu.memory_space<semaphore_mem>>) src(%dma_wait3A_1234 : memref<56x128xf32, #tpu.memory_space<vmem_shared>>) dst(%dma_wait3A_1226 : memref<128x128xf32, #tpu.memory_space<vmem>>)
      %add3A_1235 = arith.constant 0 : i32
      %add3A_1236 = arith.addi %add3A_1168, %add3A_1235 : i32
      %dma_start3A_1237 = arith.constant 0 : i32
      %dma_start3A_1238 = arith.constant 0 : i32
      %dma_start3A_1239 = tpu.memref_slice %arg7[%dma_start3A_1237, %dma_start3A_1238] : memref<512x128xf32, #tpu.memory_space<vmem>> -> memref<128x128xf32, #tpu.memory_space<vmem>>
      %dma_start3A_1240 = arith.constant 0 : i32
      %dma_start3A_1241 = tpu.memref_slice %arg4[%add3A_1236, %dma_start3A_1240] : memref<3276800x128xf32, #tpu.memory_space<hbm>> -> memref<128x128xf32, #tpu.memory_space<hbm>>
      %dma_start3A_1242 = arith.constant 0 : i32
      %dma_start3A_1243 = tpu.memref_slice %arg4[%add3A_1236, %dma_start3A_1242] : memref<3276800x128xf32, #tpu.memory_space<hbm>> -> memref<128x128xf32, #tpu.memory_space<hbm>>
      %dma_start3A_1244 = arith.constant 0 : i32
      %dma_start3A_1245 = arith.constant 0 : i32
      %dma_start3A_1246 = tpu.memref_slice %arg7[%dma_start3A_1244, %dma_start3A_1245] : memref<512x128xf32, #tpu.memory_space<vmem>> -> memref<128x128xf32, #tpu.memory_space<vmem>>
      tpu.enqueue_dma source(%dma_start3A_1246 : memref<128x128xf32, #tpu.memory_space<vmem>>) target(%dma_start3A_1243 : memref<128x128xf32, #tpu.memory_space<hbm>>) target_semaphore(%arg15 : memref<!tpu.dma_semaphore, #tpu.memory_space<semaphore_mem>>)
      %dma_wait3A_1247 = arith.constant 256 : i32
      %dma_wait3A_1248 = arith.constant 0 : i32
      %dma_wait3A_1249 = tpu.memref_slice %arg7[%dma_wait3A_1247, %dma_wait3A_1248] : memref<512x128xf32, #tpu.memory_space<vmem>> -> memref<128x128xf32, #tpu.memory_space<vmem>>
      %dma_wait3A_1250 = arith.constant 0 : i32
      %dma_wait3A_1251 = tpu.memref_slice %arg4[%mul3A_4, %dma_wait3A_1250] : memref<3276800x128xf32, #tpu.memory_space<hbm>> -> memref<128x128xf32, #tpu.memory_space<hbm>>
      %dma_wait3A_1252 = arith.constant 0 : i32
      %dma_wait3A_1253 = tpu.memref_slice %arg4[%mul3A_4, %dma_wait3A_1252] : memref<3276800x128xf32, #tpu.memory_space<hbm>> -> memref<128x128xf32, #tpu.memory_space<hbm>>
      %dma_wait3A_1254 = arith.constant 256 : i32
      %dma_wait3A_1255 = arith.constant 0 : i32
      %dma_wait3A_1256 = tpu.memref_slice %arg7[%dma_wait3A_1254, %dma_wait3A_1255] : memref<512x128xf32, #tpu.memory_space<vmem>> -> memref<128x128xf32, #tpu.memory_space<vmem>>
      tpu.wait_dma2 semaphore(%arg17 : memref<!tpu.dma_semaphore, #tpu.memory_space<semaphore_mem>>) src(%dma_wait3A_1256 : memref<128x128xf32, #tpu.memory_space<vmem>>) dst(%dma_wait3A_1253 : memref<128x128xf32, #tpu.memory_space<hbm>>)
      %dma_start3A_1257 = arith.constant 2 : i32
      %dma_start3A_1258 = arith.constant 256 : i32
      %dma_start3A_1259 = arith.constant 0 : i32
      %dma_start3A_1260 = tpu.memref_slice %arg7[%dma_start3A_1258, %dma_start3A_1259] : memref<512x128xf32, #tpu.memory_space<vmem>> -> memref<128x128xf32, #tpu.memory_space<vmem>>
      %dma_start3A_1261 = arith.constant 0 : i32
      %dma_start3A_1262 = tpu.memref_slice %arg6[%dma_start3A_1257, %dma_start3A_1261] : memref<8x128xi32, #tpu.memory_space<vmem>> -> memref<1x128xi32, #tpu.memory_space<vmem>>
      %dma_start3A_1263 = tpu.memref_squeeze %dma_start3A_1262 : memref<1x128xi32, #tpu.memory_space<vmem>> -> memref<128xi32, #tpu.memory_space<vmem>>
      %dma_start3A_1264 = arith.constant 0 : i32
      %dma_start3A_1265 = tpu.memref_slice %arg8[%mul3A_0, %dma_start3A_1264] : memref<896x128xf32, #tpu.memory_space<vmem_shared>> -> memref<56x128xf32, #tpu.memory_space<vmem_shared>>
      %dma_start3A_1266 = arith.constant 0 : i32
      %dma_start3A_1267 = arith.constant 0 : i32
      %dma_start3A_1268 = tpu.memref_slice %dma_start3A_1265[%dma_start3A_1266, %dma_start3A_1267] : memref<56x128xf32, #tpu.memory_space<vmem_shared>> -> memref<56x128xf32, #tpu.memory_space<vmem_shared>>
      tpu.enqueue_indirect_dma source(%dma_start3A_1268 : memref<56x128xf32, #tpu.memory_space<vmem_shared>>) target(%dma_start3A_1260 : memref<128x128xf32, #tpu.memory_space<vmem>>) offsets(%dma_start3A_1263 : memref<128xi32, #tpu.memory_space<vmem>>) semaphore(%arg13 : memref<!tpu.dma_semaphore, #tpu.memory_space<semaphore_mem>>)
      %dma_wait3A_1269 = arith.constant 1 : i32
      %dma_wait3A_1270 = arith.constant 128 : i32
      %dma_wait3A_1271 = arith.constant 0 : i32
      %dma_wait3A_1272 = tpu.memref_slice %arg7[%dma_wait3A_1270, %dma_wait3A_1271] : memref<512x128xf32, #tpu.memory_space<vmem>> -> memref<128x128xf32, #tpu.memory_space<vmem>>
      %dma_wait3A_1273 = arith.constant 0 : i32
      %dma_wait3A_1274 = tpu.memref_slice %arg6[%dma_wait3A_1269, %dma_wait3A_1273] : memref<8x128xi32, #tpu.memory_space<vmem>> -> memref<1x128xi32, #tpu.memory_space<vmem>>
      %dma_wait3A_1275 = tpu.memref_squeeze %dma_wait3A_1274 : memref<1x128xi32, #tpu.memory_space<vmem>> -> memref<128xi32, #tpu.memory_space<vmem>>
      %dma_wait3A_1276 = arith.constant 0 : i32
      %dma_wait3A_1277 = tpu.memref_slice %arg8[%mul3A_0, %dma_wait3A_1276] : memref<896x128xf32, #tpu.memory_space<vmem_shared>> -> memref<56x128xf32, #tpu.memory_space<vmem_shared>>
      %dma_wait3A_1278 = arith.constant 0 : i32
      %dma_wait3A_1279 = arith.constant 0 : i32
      %dma_wait3A_1280 = tpu.memref_slice %dma_wait3A_1277[%dma_wait3A_1278, %dma_wait3A_1279] : memref<56x128xf32, #tpu.memory_space<vmem_shared>> -> memref<56x128xf32, #tpu.memory_space<vmem_shared>>
      tpu.wait_indirect_dma semaphore(%arg12 : memref<!tpu.dma_semaphore, #tpu.memory_space<semaphore_mem>>) src(%dma_wait3A_1280 : memref<56x128xf32, #tpu.memory_space<vmem_shared>>) dst(%dma_wait3A_1272 : memref<128x128xf32, #tpu.memory_space<vmem>>)
      %add3A_1281 = arith.constant 128 : i32
      %add3A_1282 = arith.addi %add3A_1168, %add3A_1281 : i32
      %dma_start3A_1283 = arith.constant 128 : i32
      %dma_start3A_1284 = arith.constant 0 : i32
      %dma_start3A_1285 = tpu.memref_slice %arg7[%dma_start3A_1283, %dma_start3A_1284] : memref<512x128xf32, #tpu.memory_space<vmem>> -> memref<128x128xf32, #tpu.memory_space<vmem>>
      %dma_start3A_1286 = arith.constant 0 : i32
      %dma_start3A_1287 = tpu.memref_slice %arg4[%add3A_1282, %dma_start3A_1286] : memref<3276800x128xf32, #tpu.memory_space<hbm>> -> memref<128x128xf32, #tpu.memory_space<hbm>>
      %dma_start3A_1288 = arith.constant 0 : i32
      %dma_start3A_1289 = tpu.memref_slice %arg4[%add3A_1282, %dma_start3A_1288] : memref<3276800x128xf32, #tpu.memory_space<hbm>> -> memref<128x128xf32, #tpu.memory_space<hbm>>
      %dma_start3A_1290 = arith.constant 128 : i32
      %dma_start3A_1291 = arith.constant 0 : i32
      %dma_start3A_1292 = tpu.memref_slice %arg7[%dma_start3A_1290, %dma_start3A_1291] : memref<512x128xf32, #tpu.memory_space<vmem>> -> memref<128x128xf32, #tpu.memory_space<vmem>>
      tpu.enqueue_dma source(%dma_start3A_1292 : memref<128x128xf32, #tpu.memory_space<vmem>>) target(%dma_start3A_1289 : memref<128x128xf32, #tpu.memory_space<hbm>>) target_semaphore(%arg16 : memref<!tpu.dma_semaphore, #tpu.memory_space<semaphore_mem>>)
      %dma_wait3A_1293 = arith.constant 384 : i32
      %dma_wait3A_1294 = arith.constant 0 : i32
      %dma_wait3A_1295 = tpu.memref_slice %arg7[%dma_wait3A_1293, %dma_wait3A_1294] : memref<512x128xf32, #tpu.memory_space<vmem>> -> memref<128x128xf32, #tpu.memory_space<vmem>>
      %dma_wait3A_1296 = arith.constant 0 : i32
      %dma_wait3A_1297 = tpu.memref_slice %arg4[%mul3A_4, %dma_wait3A_1296] : memref<3276800x128xf32, #tpu.memory_space<hbm>> -> memref<128x128xf32, #tpu.memory_space<hbm>>
      %dma_wait3A_1298 = arith.constant 0 : i32
      %dma_wait3A_1299 = tpu.memref_slice %arg4[%mul3A_4, %dma_wait3A_1298] : memref<3276800x128xf32, #tpu.memory_space<hbm>> -> memref<128x128xf32, #tpu.memory_space<hbm>>
      %dma_wait3A_1300 = arith.constant 384 : i32
      %dma_wait3A_1301 = arith.constant 0 : i32
      %dma_wait3A_1302 = tpu.memref_slice %arg7[%dma_wait3A_1300, %dma_wait3A_1301] : memref<512x128xf32, #tpu.memory_space<vmem>> -> memref<128x128xf32, #tpu.memory_space<vmem>>
      tpu.wait_dma2 semaphore(%arg18 : memref<!tpu.dma_semaphore, #tpu.memory_space<semaphore_mem>>) src(%dma_wait3A_1302 : memref<128x128xf32, #tpu.memory_space<vmem>>) dst(%dma_wait3A_1299 : memref<128x128xf32, #tpu.memory_space<hbm>>)
      %dma_start3A_1303 = arith.constant 3 : i32
      %dma_start3A_1304 = arith.constant 384 : i32
      %dma_start3A_1305 = arith.constant 0 : i32
      %dma_start3A_1306 = tpu.memref_slice %arg7[%dma_start3A_1304, %dma_start3A_1305] : memref<512x128xf32, #tpu.memory_space<vmem>> -> memref<128x128xf32, #tpu.memory_space<vmem>>
      %dma_start3A_1307 = arith.constant 0 : i32
      %dma_start3A_1308 = tpu.memref_slice %arg6[%dma_start3A_1303, %dma_start3A_1307] : memref<8x128xi32, #tpu.memory_space<vmem>> -> memref<1x128xi32, #tpu.memory_space<vmem>>
      %dma_start3A_1309 = tpu.memref_squeeze %dma_start3A_1308 : memref<1x128xi32, #tpu.memory_space<vmem>> -> memref<128xi32, #tpu.memory_space<vmem>>
      %dma_start3A_1310 = arith.constant 0 : i32
      %dma_start3A_1311 = tpu.memref_slice %arg8[%mul3A_0, %dma_start3A_1310] : memref<896x128xf32, #tpu.memory_space<vmem_shared>> -> memref<56x128xf32, #tpu.memory_space<vmem_shared>>
      %dma_start3A_1312 = arith.constant 0 : i32
      %dma_start3A_1313 = arith.constant 0 : i32
      %dma_start3A_1314 = tpu.memref_slice %dma_start3A_1311[%dma_start3A_1312, %dma_start3A_1313] : memref<56x128xf32, #tpu.memory_space<vmem_shared>> -> memref<56x128xf32, #tpu.memory_space<vmem_shared>>
      tpu.enqueue_indirect_dma source(%dma_start3A_1314 : memref<56x128xf32, #tpu.memory_space<vmem_shared>>) target(%dma_start3A_1306 : memref<128x128xf32, #tpu.memory_space<vmem>>) offsets(%dma_start3A_1309 : memref<128xi32, #tpu.memory_space<vmem>>) semaphore(%arg14 : memref<!tpu.dma_semaphore, #tpu.memory_space<semaphore_mem>>)
      %dma_wait3A_1315 = arith.constant 2 : i32
      %dma_wait3A_1316 = arith.constant 256 : i32
      %dma_wait3A_1317 = arith.constant 0 : i32
      %dma_wait3A_1318 = tpu.memref_slice %arg7[%dma_wait3A_1316, %dma_wait3A_1317] : memref<512x128xf32, #tpu.memory_space<vmem>> -> memref<128x128xf32, #tpu.memory_space<vmem>>
      %dma_wait3A_1319 = arith.constant 0 : i32
      %dma_wait3A_1320 = tpu.memref_slice %arg6[%dma_wait3A_1315, %dma_wait3A_1319] : memref<8x128xi32, #tpu.memory_space<vmem>> -> memref<1x128xi32, #tpu.memory_space<vmem>>
      %dma_wait3A_1321 = tpu.memref_squeeze %dma_wait3A_1320 : memref<1x128xi32, #tpu.memory_space<vmem>> -> memref<128xi32, #tpu.memory_space<vmem>>
      %dma_wait3A_1322 = arith.constant 0 : i32
      %dma_wait3A_1323 = tpu.memref_slice %arg8[%mul3A_0, %dma_wait3A_1322] : memref<896x128xf32, #tpu.memory_space<vmem_shared>> -> memref<56x128xf32, #tpu.memory_space<vmem_shared>>
      %dma_wait3A_1324 = arith.constant 0 : i32
      %dma_wait3A_1325 = arith.constant 0 : i32
      %dma_wait3A_1326 = tpu.memref_slice %dma_wait3A_1323[%dma_wait3A_1324, %dma_wait3A_1325] : memref<56x128xf32, #tpu.memory_space<vmem_shared>> -> memref<56x128xf32, #tpu.memory_space<vmem_shared>>
      tpu.wait_indirect_dma semaphore(%arg13 : memref<!tpu.dma_semaphore, #tpu.memory_space<semaphore_mem>>) src(%dma_wait3A_1326 : memref<56x128xf32, #tpu.memory_space<vmem_shared>>) dst(%dma_wait3A_1318 : memref<128x128xf32, #tpu.memory_space<vmem>>)
      %add3A_1327 = arith.constant 256 : i32
      %add3A_1328 = arith.addi %add3A_1168, %add3A_1327 : i32
      %dma_start3A_1329 = arith.constant 256 : i32
      %dma_start3A_1330 = arith.constant 0 : i32
      %dma_start3A_1331 = tpu.memref_slice %arg7[%dma_start3A_1329, %dma_start3A_1330] : memref<512x128xf32, #tpu.memory_space<vmem>> -> memref<128x128xf32, #tpu.memory_space<vmem>>
      %dma_start3A_1332 = arith.constant 0 : i32
      %dma_start3A_1333 = tpu.memref_slice %arg4[%add3A_1328, %dma_start3A_1332] : memref<3276800x128xf32, #tpu.memory_space<hbm>> -> memref<128x128xf32, #tpu.memory_space<hbm>>
      %dma_start3A_1334 = arith.constant 0 : i32
      %dma_start3A_1335 = tpu.memref_slice %arg4[%add3A_1328, %dma_start3A_1334] : memref<3276800x128xf32, #tpu.memory_space<hbm>> -> memref<128x128xf32, #tpu.memory_space<hbm>>
      %dma_start3A_1336 = arith.constant 256 : i32
      %dma_start3A_1337 = arith.constant 0 : i32
      %dma_start3A_1338 = tpu.memref_slice %arg7[%dma_start3A_1336, %dma_start3A_1337] : memref<512x128xf32, #tpu.memory_space<vmem>> -> memref<128x128xf32, #tpu.memory_space<vmem>>
      tpu.enqueue_dma source(%dma_start3A_1338 : memref<128x128xf32, #tpu.memory_space<vmem>>) target(%dma_start3A_1335 : memref<128x128xf32, #tpu.memory_space<hbm>>) target_semaphore(%arg17 : memref<!tpu.dma_semaphore, #tpu.memory_space<semaphore_mem>>)
      %dma_wait3A_1339 = arith.constant 0 : i32
      %dma_wait3A_1340 = arith.constant 0 : i32
      %dma_wait3A_1341 = tpu.memref_slice %arg7[%dma_wait3A_1339, %dma_wait3A_1340] : memref<512x128xf32, #tpu.memory_space<vmem>> -> memref<128x128xf32, #tpu.memory_space<vmem>>
      %dma_wait3A_1342 = arith.constant 0 : i32
      %dma_wait3A_1343 = tpu.memref_slice %arg4[%mul3A_4, %dma_wait3A_1342] : memref<3276800x128xf32, #tpu.memory_space<hbm>> -> memref<128x128xf32, #tpu.memory_space<hbm>>
      %dma_wait3A_1344 = arith.constant 0 : i32
      %dma_wait3A_1345 = tpu.memref_slice %arg4[%mul3A_4, %dma_wait3A_1344] : memref<3276800x128xf32, #tpu.memory_space<hbm>> -> memref<128x128xf32, #tpu.memory_space<hbm>>
      %dma_wait3A_1346 = arith.constant 0 : i32
      %dma_wait3A_1347 = arith.constant 0 : i32
      %dma_wait3A_1348 = tpu.memref_slice %arg7[%dma_wait3A_1346, %dma_wait3A_1347] : memref<512x128xf32, #tpu.memory_space<vmem>> -> memref<128x128xf32, #tpu.memory_space<vmem>>
      tpu.wait_dma2 semaphore(%arg15 : memref<!tpu.dma_semaphore, #tpu.memory_space<semaphore_mem>>) src(%dma_wait3A_1348 : memref<128x128xf32, #tpu.memory_space<vmem>>) dst(%dma_wait3A_1345 : memref<128x128xf32, #tpu.memory_space<hbm>>)
      %dma_start3A_1349 = arith.constant 4 : i32
      %dma_start3A_1350 = arith.constant 0 : i32
      %dma_start3A_1351 = arith.constant 0 : i32
      %dma_start3A_1352 = tpu.memref_slice %arg7[%dma_start3A_1350, %dma_start3A_1351] : memref<512x128xf32, #tpu.memory_space<vmem>> -> memref<128x128xf32, #tpu.memory_space<vmem>>
      %dma_start3A_1353 = arith.constant 0 : i32
      %dma_start3A_1354 = tpu.memref_slice %arg6[%dma_start3A_1349, %dma_start3A_1353] : memref<8x128xi32, #tpu.memory_space<vmem>> -> memref<1x128xi32, #tpu.memory_space<vmem>>
      %dma_start3A_1355 = tpu.memref_squeeze %dma_start3A_1354 : memref<1x128xi32, #tpu.memory_space<vmem>> -> memref<128xi32, #tpu.memory_space<vmem>>
      %dma_start3A_1356 = arith.constant 0 : i32
      %dma_start3A_1357 = tpu.memref_slice %arg8[%mul3A_0, %dma_start3A_1356] : memref<896x128xf32, #tpu.memory_space<vmem_shared>> -> memref<56x128xf32, #tpu.memory_space<vmem_shared>>
      %dma_start3A_1358 = arith.constant 0 : i32
      %dma_start3A_1359 = arith.constant 0 : i32
      %dma_start3A_1360 = tpu.memref_slice %dma_start3A_1357[%dma_start3A_1358, %dma_start3A_1359] : memref<56x128xf32, #tpu.memory_space<vmem_shared>> -> memref<56x128xf32, #tpu.memory_space<vmem_shared>>
      tpu.enqueue_indirect_dma source(%dma_start3A_1360 : memref<56x128xf32, #tpu.memory_space<vmem_shared>>) target(%dma_start3A_1352 : memref<128x128xf32, #tpu.memory_space<vmem>>) offsets(%dma_start3A_1355 : memref<128xi32, #tpu.memory_space<vmem>>) semaphore(%arg11 : memref<!tpu.dma_semaphore, #tpu.memory_space<semaphore_mem>>)
      %dma_wait3A_1361 = arith.constant 3 : i32
      %dma_wait3A_1362 = arith.constant 384 : i32
      %dma_wait3A_1363 = arith.constant 0 : i32
      %dma_wait3A_1364 = tpu.memref_slice %arg7[%dma_wait3A_1362, %dma_wait3A_1363] : memref<512x128xf32, #tpu.memory_space<vmem>> -> memref<128x128xf32, #tpu.memory_space<vmem>>
      %dma_wait3A_1365 = arith.constant 0 : i32
      %dma_wait3A_1366 = tpu.memref_slice %arg6[%dma_wait3A_1361, %dma_wait3A_1365] : memref<8x128xi32, #tpu.memory_space<vmem>> -> memref<1x128xi32, #tpu.memory_space<vmem>>
      %dma_wait3A_1367 = tpu.memref_squeeze %dma_wait3A_1366 : memref<1x128xi32, #tpu.memory_space<vmem>> -> memref<128xi32, #tpu.memory_space<vmem>>
      %dma_wait3A_1368 = arith.constant 0 : i32
      %dma_wait3A_1369 = tpu.memref_slice %arg8[%mul3A_0, %dma_wait3A_1368] : memref<896x128xf32, #tpu.memory_space<vmem_shared>> -> memref<56x128xf32, #tpu.memory_space<vmem_shared>>
      %dma_wait3A_1370 = arith.constant 0 : i32
      %dma_wait3A_1371 = arith.constant 0 : i32
      %dma_wait3A_1372 = tpu.memref_slice %dma_wait3A_1369[%dma_wait3A_1370, %dma_wait3A_1371] : memref<56x128xf32, #tpu.memory_space<vmem_shared>> -> memref<56x128xf32, #tpu.memory_space<vmem_shared>>
      tpu.wait_indirect_dma semaphore(%arg14 : memref<!tpu.dma_semaphore, #tpu.memory_space<semaphore_mem>>) src(%dma_wait3A_1372 : memref<56x128xf32, #tpu.memory_space<vmem_shared>>) dst(%dma_wait3A_1364 : memref<128x128xf32, #tpu.memory_space<vmem>>)
      %add3A_1373 = arith.constant 384 : i32
      %add3A_1374 = arith.addi %add3A_1168, %add3A_1373 : i32
      %dma_start3A_1375 = arith.constant 384 : i32
      %dma_start3A_1376 = arith.constant 0 : i32
      %dma_start3A_1377 = tpu.memref_slice %arg7[%dma_start3A_1375, %dma_start3A_1376] : memref<512x128xf32, #tpu.memory_space<vmem>> -> memref<128x128xf32, #tpu.memory_space<vmem>>
      %dma_start3A_1378 = arith.constant 0 : i32
      %dma_start3A_1379 = tpu.memref_slice %arg4[%add3A_1374, %dma_start3A_1378] : memref<3276800x128xf32, #tpu.memory_space<hbm>> -> memref<128x128xf32, #tpu.memory_space<hbm>>
      %dma_start3A_1380 = arith.constant 0 : i32
      %dma_start3A_1381 = tpu.memref_slice %arg4[%add3A_1374, %dma_start3A_1380] : memref<3276800x128xf32, #tpu.memory_space<hbm>> -> memref<128x128xf32, #tpu.memory_space<hbm>>
      %dma_start3A_1382 = arith.constant 384 : i32
      %dma_start3A_1383 = arith.constant 0 : i32
      %dma_start3A_1384 = tpu.memref_slice %arg7[%dma_start3A_1382, %dma_start3A_1383] : memref<512x128xf32, #tpu.memory_space<vmem>> -> memref<128x128xf32, #tpu.memory_space<vmem>>
      tpu.enqueue_dma source(%dma_start3A_1384 : memref<128x128xf32, #tpu.memory_space<vmem>>) target(%dma_start3A_1381 : memref<128x128xf32, #tpu.memory_space<hbm>>) target_semaphore(%arg18 : memref<!tpu.dma_semaphore, #tpu.memory_space<semaphore_mem>>)
      %dma_wait3A_1385 = arith.constant 128 : i32
      %dma_wait3A_1386 = arith.constant 0 : i32
      %dma_wait3A_1387 = tpu.memref_slice %arg7[%dma_wait3A_1385, %dma_wait3A_1386] : memref<512x128xf32, #tpu.memory_space<vmem>> -> memref<128x128xf32, #tpu.memory_space<vmem>>
      %dma_wait3A_1388 = arith.constant 0 : i32
      %dma_wait3A_1389 = tpu.memref_slice %arg4[%mul3A_4, %dma_wait3A_1388] : memref<3276800x128xf32, #tpu.memory_space<hbm>> -> memref<128x128xf32, #tpu.memory_space<hbm>>
      %dma_wait3A_1390 = arith.constant 0 : i32
      %dma_wait3A_1391 = tpu.memref_slice %arg4[%mul3A_4, %dma_wait3A_1390] : memref<3276800x128xf32, #tpu.memory_space<hbm>> -> memref<128x128xf32, #tpu.memory_space<hbm>>
      %dma_wait3A_1392 = arith.constant 128 : i32
      %dma_wait3A_1393 = arith.constant 0 : i32
      %dma_wait3A_1394 = tpu.memref_slice %arg7[%dma_wait3A_1392, %dma_wait3A_1393] : memref<512x128xf32, #tpu.memory_space<vmem>> -> memref<128x128xf32, #tpu.memory_space<vmem>>
      tpu.wait_dma2 semaphore(%arg16 : memref<!tpu.dma_semaphore, #tpu.memory_space<semaphore_mem>>) src(%dma_wait3A_1394 : memref<128x128xf32, #tpu.memory_space<vmem>>) dst(%dma_wait3A_1391 : memref<128x128xf32, #tpu.memory_space<hbm>>)
      %dma_start3A_1395 = arith.constant 5 : i32
      %dma_start3A_1396 = arith.constant 128 : i32
      %dma_start3A_1397 = arith.constant 0 : i32
      %dma_start3A_1398 = tpu.memref_slice %arg7[%dma_start3A_1396, %dma_start3A_1397] : memref<512x128xf32, #tpu.memory_space<vmem>> -> memref<128x128xf32, #tpu.memory_space<vmem>>
      %dma_start3A_1399 = arith.constant 0 : i32
      %dma_start3A_1400 = tpu.memref_slice %arg6[%dma_start3A_1395, %dma_start3A_1399] : memref<8x128xi32, #tpu.memory_space<vmem>> -> memref<1x128xi32, #tpu.memory_space<vmem>>
      %dma_start3A_1401 = tpu.memref_squeeze %dma_start3A_1400 : memref<1x128xi32, #tpu.memory_space<vmem>> -> memref<128xi32, #tpu.memory_space<vmem>>
      %dma_start3A_1402 = arith.constant 0 : i32
      %dma_start3A_1403 = tpu.memref_slice %arg8[%mul3A_0, %dma_start3A_1402] : memref<896x128xf32, #tpu.memory_space<vmem_shared>> -> memref<56x128xf32, #tpu.memory_space<vmem_shared>>
      %dma_start3A_1404 = arith.constant 0 : i32
      %dma_start3A_1405 = arith.constant 0 : i32
      %dma_start3A_1406 = tpu.memref_slice %dma_start3A_1403[%dma_start3A_1404, %dma_start3A_1405] : memref<56x128xf32, #tpu.memory_space<vmem_shared>> -> memref<56x128xf32, #tpu.memory_space<vmem_shared>>
      tpu.enqueue_indirect_dma source(%dma_start3A_1406 : memref<56x128xf32, #tpu.memory_space<vmem_shared>>) target(%dma_start3A_1398 : memref<128x128xf32, #tpu.memory_space<vmem>>) offsets(%dma_start3A_1401 : memref<128xi32, #tpu.memory_space<vmem>>) semaphore(%arg12 : memref<!tpu.dma_semaphore, #tpu.memory_space<semaphore_mem>>)
      %dma_wait3A_1407 = arith.constant 4 : i32
      %dma_wait3A_1408 = arith.constant 0 : i32
      %dma_wait3A_1409 = arith.constant 0 : i32
      %dma_wait3A_1410 = tpu.memref_slice %arg7[%dma_wait3A_1408, %dma_wait3A_1409] : memref<512x128xf32, #tpu.memory_space<vmem>> -> memref<128x128xf32, #tpu.memory_space<vmem>>
      %dma_wait3A_1411 = arith.constant 0 : i32
      %dma_wait3A_1412 = tpu.memref_slice %arg6[%dma_wait3A_1407, %dma_wait3A_1411] : memref<8x128xi32, #tpu.memory_space<vmem>> -> memref<1x128xi32, #tpu.memory_space<vmem>>
      %dma_wait3A_1413 = tpu.memref_squeeze %dma_wait3A_1412 : memref<1x128xi32, #tpu.memory_space<vmem>> -> memref<128xi32, #tpu.memory_space<vmem>>
      %dma_wait3A_1414 = arith.constant 0 : i32
      %dma_wait3A_1415 = tpu.memref_slice %arg8[%mul3A_0, %dma_wait3A_1414] : memref<896x128xf32, #tpu.memory_space<vmem_shared>> -> memref<56x128xf32, #tpu.memory_space<vmem_shared>>
      %dma_wait3A_1416 = arith.constant 0 : i32
      %dma_wait3A_1417 = arith.constant 0 : i32
      %dma_wait3A_1418 = tpu.memref_slice %dma_wait3A_1415[%dma_wait3A_1416, %dma_wait3A_1417] : memref<56x128xf32, #tpu.memory_space<vmem_shared>> -> memref<56x128xf32, #tpu.memory_space<vmem_shared>>
      tpu.wait_indirect_dma semaphore(%arg11 : memref<!tpu.dma_semaphore, #tpu.memory_space<semaphore_mem>>) src(%dma_wait3A_1418 : memref<56x128xf32, #tpu.memory_space<vmem_shared>>) dst(%dma_wait3A_1410 : memref<128x128xf32, #tpu.memory_space<vmem>>)
      %add3A_1419 = arith.constant 512 : i32
      %add3A_1420 = arith.addi %add3A_1168, %add3A_1419 : i32
      %dma_start3A_1421 = arith.constant 0 : i32
      %dma_start3A_1422 = arith.constant 0 : i32
      %dma_start3A_1423 = tpu.memref_slice %arg7[%dma_start3A_1421, %dma_start3A_1422] : memref<512x128xf32, #tpu.memory_space<vmem>> -> memref<128x128xf32, #tpu.memory_space<vmem>>
      %dma_start3A_1424 = arith.constant 0 : i32
      %dma_start3A_1425 = tpu.memref_slice %arg4[%add3A_1420, %dma_start3A_1424] : memref<3276800x128xf32, #tpu.memory_space<hbm>> -> memref<128x128xf32, #tpu.memory_space<hbm>>
      %dma_start3A_1426 = arith.constant 0 : i32
      %dma_start3A_1427 = tpu.memref_slice %arg4[%add3A_1420, %dma_start3A_1426] : memref<3276800x128xf32, #tpu.memory_space<hbm>> -> memref<128x128xf32, #tpu.memory_space<hbm>>
      %dma_start3A_1428 = arith.constant 0 : i32
      %dma_start3A_1429 = arith.constant 0 : i32
      %dma_start3A_1430 = tpu.memref_slice %arg7[%dma_start3A_1428, %dma_start3A_1429] : memref<512x128xf32, #tpu.memory_space<vmem>> -> memref<128x128xf32, #tpu.memory_space<vmem>>
      tpu.enqueue_dma source(%dma_start3A_1430 : memref<128x128xf32, #tpu.memory_space<vmem>>) target(%dma_start3A_1427 : memref<128x128xf32, #tpu.memory_space<hbm>>) target_semaphore(%arg15 : memref<!tpu.dma_semaphore, #tpu.memory_space<semaphore_mem>>)
      %dma_wait3A_1431 = arith.constant 256 : i32
      %dma_wait3A_1432 = arith.constant 0 : i32
      %dma_wait3A_1433 = tpu.memref_slice %arg7[%dma_wait3A_1431, %dma_wait3A_1432] : memref<512x128xf32, #tpu.memory_space<vmem>> -> memref<128x128xf32, #tpu.memory_space<vmem>>
      %dma_wait3A_1434 = arith.constant 0 : i32
      %dma_wait3A_1435 = tpu.memref_slice %arg4[%mul3A_4, %dma_wait3A_1434] : memref<3276800x128xf32, #tpu.memory_space<hbm>> -> memref<128x128xf32, #tpu.memory_space<hbm>>
      %dma_wait3A_1436 = arith.constant 0 : i32
      %dma_wait3A_1437 = tpu.memref_slice %arg4[%mul3A_4, %dma_wait3A_1436] : memref<3276800x128xf32, #tpu.memory_space<hbm>> -> memref<128x128xf32, #tpu.memory_space<hbm>>
      %dma_wait3A_1438 = arith.constant 256 : i32
      %dma_wait3A_1439 = arith.constant 0 : i32
      %dma_wait3A_1440 = tpu.memref_slice %arg7[%dma_wait3A_1438, %dma_wait3A_1439] : memref<512x128xf32, #tpu.memory_space<vmem>> -> memref<128x128xf32, #tpu.memory_space<vmem>>
      tpu.wait_dma2 semaphore(%arg17 : memref<!tpu.dma_semaphore, #tpu.memory_space<semaphore_mem>>) src(%dma_wait3A_1440 : memref<128x128xf32, #tpu.memory_space<vmem>>) dst(%dma_wait3A_1437 : memref<128x128xf32, #tpu.memory_space<hbm>>)
      %dma_start3A_1441 = arith.constant 6 : i32
      %dma_start3A_1442 = arith.constant 256 : i32
      %dma_start3A_1443 = arith.constant 0 : i32
      %dma_start3A_1444 = tpu.memref_slice %arg7[%dma_start3A_1442, %dma_start3A_1443] : memref<512x128xf32, #tpu.memory_space<vmem>> -> memref<128x128xf32, #tpu.memory_space<vmem>>
      %dma_start3A_1445 = arith.constant 0 : i32
      %dma_start3A_1446 = tpu.memref_slice %arg6[%dma_start3A_1441, %dma_start3A_1445] : memref<8x128xi32, #tpu.memory_space<vmem>> -> memref<1x128xi32, #tpu.memory_space<vmem>>
      %dma_start3A_1447 = tpu.memref_squeeze %dma_start3A_1446 : memref<1x128xi32, #tpu.memory_space<vmem>> -> memref<128xi32, #tpu.memory_space<vmem>>
      %dma_start3A_1448 = arith.constant 0 : i32
      %dma_start3A_1449 = tpu.memref_slice %arg8[%mul3A_0, %dma_start3A_1448] : memref<896x128xf32, #tpu.memory_space<vmem_shared>> -> memref<56x128xf32, #tpu.memory_space<vmem_shared>>
      %dma_start3A_1450 = arith.constant 0 : i32
      %dma_start3A_1451 = arith.constant 0 : i32
      %dma_start3A_1452 = tpu.memref_slice %dma_start3A_1449[%dma_start3A_1450, %dma_start3A_1451] : memref<56x128xf32, #tpu.memory_space<vmem_shared>> -> memref<56x128xf32, #tpu.memory_space<vmem_shared>>
      tpu.enqueue_indirect_dma source(%dma_start3A_1452 : memref<56x128xf32, #tpu.memory_space<vmem_shared>>) target(%dma_start3A_1444 : memref<128x128xf32, #tpu.memory_space<vmem>>) offsets(%dma_start3A_1447 : memref<128xi32, #tpu.memory_space<vmem>>) semaphore(%arg13 : memref<!tpu.dma_semaphore, #tpu.memory_space<semaphore_mem>>)
      %dma_wait3A_1453 = arith.constant 5 : i32
      %dma_wait3A_1454 = arith.constant 128 : i32
      %dma_wait3A_1455 = arith.constant 0 : i32
      %dma_wait3A_1456 = tpu.memref_slice %arg7[%dma_wait3A_1454, %dma_wait3A_1455] : memref<512x128xf32, #tpu.memory_space<vmem>> -> memref<128x128xf32, #tpu.memory_space<vmem>>
      %dma_wait3A_1457 = arith.constant 0 : i32
      %dma_wait3A_1458 = tpu.memref_slice %arg6[%dma_wait3A_1453, %dma_wait3A_1457] : memref<8x128xi32, #tpu.memory_space<vmem>> -> memref<1x128xi32, #tpu.memory_space<vmem>>
      %dma_wait3A_1459 = tpu.memref_squeeze %dma_wait3A_1458 : memref<1x128xi32, #tpu.memory_space<vmem>> -> memref<128xi32, #tpu.memory_space<vmem>>
      %dma_wait3A_1460 = arith.constant 0 : i32
      %dma_wait3A_1461 = tpu.memref_slice %arg8[%mul3A_0, %dma_wait3A_1460] : memref<896x128xf32, #tpu.memory_space<vmem_shared>> -> memref<56x128xf32, #tpu.memory_space<vmem_shared>>
      %dma_wait3A_1462 = arith.constant 0 : i32
      %dma_wait3A_1463 = arith.constant 0 : i32
      %dma_wait3A_1464 = tpu.memref_slice %dma_wait3A_1461[%dma_wait3A_1462, %dma_wait3A_1463] : memref<56x128xf32, #tpu.memory_space<vmem_shared>> -> memref<56x128xf32, #tpu.memory_space<vmem_shared>>
      tpu.wait_indirect_dma semaphore(%arg12 : memref<!tpu.dma_semaphore, #tpu.memory_space<semaphore_mem>>) src(%dma_wait3A_1464 : memref<56x128xf32, #tpu.memory_space<vmem_shared>>) dst(%dma_wait3A_1456 : memref<128x128xf32, #tpu.memory_space<vmem>>)
      %add3A_1465 = arith.constant 640 : i32
      %add3A_1466 = arith.addi %add3A_1168, %add3A_1465 : i32
      %dma_start3A_1467 = arith.constant 128 : i32
      %dma_start3A_1468 = arith.constant 0 : i32
      %dma_start3A_1469 = tpu.memref_slice %arg7[%dma_start3A_1467, %dma_start3A_1468] : memref<512x128xf32, #tpu.memory_space<vmem>> -> memref<128x128xf32, #tpu.memory_space<vmem>>
      %dma_start3A_1470 = arith.constant 0 : i32
      %dma_start3A_1471 = tpu.memref_slice %arg4[%add3A_1466, %dma_start3A_1470] : memref<3276800x128xf32, #tpu.memory_space<hbm>> -> memref<128x128xf32, #tpu.memory_space<hbm>>
      %dma_start3A_1472 = arith.constant 0 : i32
      %dma_start3A_1473 = tpu.memref_slice %arg4[%add3A_1466, %dma_start3A_1472] : memref<3276800x128xf32, #tpu.memory_space<hbm>> -> memref<128x128xf32, #tpu.memory_space<hbm>>
      %dma_start3A_1474 = arith.constant 128 : i32
      %dma_start3A_1475 = arith.constant 0 : i32
      %dma_start3A_1476 = tpu.memref_slice %arg7[%dma_start3A_1474, %dma_start3A_1475] : memref<512x128xf32, #tpu.memory_space<vmem>> -> memref<128x128xf32, #tpu.memory_space<vmem>>
      tpu.enqueue_dma source(%dma_start3A_1476 : memref<128x128xf32, #tpu.memory_space<vmem>>) target(%dma_start3A_1473 : memref<128x128xf32, #tpu.memory_space<hbm>>) target_semaphore(%arg16 : memref<!tpu.dma_semaphore, #tpu.memory_space<semaphore_mem>>)
      %dma_wait3A_1477 = arith.constant 384 : i32
      %dma_wait3A_1478 = arith.constant 0 : i32
      %dma_wait3A_1479 = tpu.memref_slice %arg7[%dma_wait3A_1477, %dma_wait3A_1478] : memref<512x128xf32, #tpu.memory_space<vmem>> -> memref<128x128xf32, #tpu.memory_space<vmem>>
      %dma_wait3A_1480 = arith.constant 0 : i32
      %dma_wait3A_1481 = tpu.memref_slice %arg4[%mul3A_4, %dma_wait3A_1480] : memref<3276800x128xf32, #tpu.memory_space<hbm>> -> memref<128x128xf32, #tpu.memory_space<hbm>>
      %dma_wait3A_1482 = arith.constant 0 : i32
      %dma_wait3A_1483 = tpu.memref_slice %arg4[%mul3A_4, %dma_wait3A_1482] : memref<3276800x128xf32, #tpu.memory_space<hbm>> -> memref<128x128xf32, #tpu.memory_space<hbm>>
      %dma_wait3A_1484 = arith.constant 384 : i32
      %dma_wait3A_1485 = arith.constant 0 : i32
      %dma_wait3A_1486 = tpu.memref_slice %arg7[%dma_wait3A_1484, %dma_wait3A_1485] : memref<512x128xf32, #tpu.memory_space<vmem>> -> memref<128x128xf32, #tpu.memory_space<vmem>>
      tpu.wait_dma2 semaphore(%arg18 : memref<!tpu.dma_semaphore, #tpu.memory_space<semaphore_mem>>) src(%dma_wait3A_1486 : memref<128x128xf32, #tpu.memory_space<vmem>>) dst(%dma_wait3A_1483 : memref<128x128xf32, #tpu.memory_space<hbm>>)
      %dma_start3A_1487 = arith.constant 7 : i32
      %dma_start3A_1488 = arith.constant 384 : i32
      %dma_start3A_1489 = arith.constant 0 : i32
      %dma_start3A_1490 = tpu.memref_slice %arg7[%dma_start3A_1488, %dma_start3A_1489] : memref<512x128xf32, #tpu.memory_space<vmem>> -> memref<128x128xf32, #tpu.memory_space<vmem>>
      %dma_start3A_1491 = arith.constant 0 : i32
      %dma_start3A_1492 = tpu.memref_slice %arg6[%dma_start3A_1487, %dma_start3A_1491] : memref<8x128xi32, #tpu.memory_space<vmem>> -> memref<1x128xi32, #tpu.memory_space<vmem>>
      %dma_start3A_1493 = tpu.memref_squeeze %dma_start3A_1492 : memref<1x128xi32, #tpu.memory_space<vmem>> -> memref<128xi32, #tpu.memory_space<vmem>>
      %dma_start3A_1494 = arith.constant 0 : i32
      %dma_start3A_1495 = tpu.memref_slice %arg8[%mul3A_0, %dma_start3A_1494] : memref<896x128xf32, #tpu.memory_space<vmem_shared>> -> memref<56x128xf32, #tpu.memory_space<vmem_shared>>
      %dma_start3A_1496 = arith.constant 0 : i32
      %dma_start3A_1497 = arith.constant 0 : i32
      %dma_start3A_1498 = tpu.memref_slice %dma_start3A_1495[%dma_start3A_1496, %dma_start3A_1497] : memref<56x128xf32, #tpu.memory_space<vmem_shared>> -> memref<56x128xf32, #tpu.memory_space<vmem_shared>>
      tpu.enqueue_indirect_dma source(%dma_start3A_1498 : memref<56x128xf32, #tpu.memory_space<vmem_shared>>) target(%dma_start3A_1490 : memref<128x128xf32, #tpu.memory_space<vmem>>) offsets(%dma_start3A_1493 : memref<128xi32, #tpu.memory_space<vmem>>) semaphore(%arg14 : memref<!tpu.dma_semaphore, #tpu.memory_space<semaphore_mem>>)
      %dma_wait3A_1499 = arith.constant 6 : i32
      %dma_wait3A_1500 = arith.constant 256 : i32
      %dma_wait3A_1501 = arith.constant 0 : i32
      %dma_wait3A_1502 = tpu.memref_slice %arg7[%dma_wait3A_1500, %dma_wait3A_1501] : memref<512x128xf32, #tpu.memory_space<vmem>> -> memref<128x128xf32, #tpu.memory_space<vmem>>
      %dma_wait3A_1503 = arith.constant 0 : i32
      %dma_wait3A_1504 = tpu.memref_slice %arg6[%dma_wait3A_1499, %dma_wait3A_1503] : memref<8x128xi32, #tpu.memory_space<vmem>> -> memref<1x128xi32, #tpu.memory_space<vmem>>
      %dma_wait3A_1505 = tpu.memref_squeeze %dma_wait3A_1504 : memref<1x128xi32, #tpu.memory_space<vmem>> -> memref<128xi32, #tpu.memory_space<vmem>>
      %dma_wait3A_1506 = arith.constant 0 : i32
      %dma_wait3A_1507 = tpu.memref_slice %arg8[%mul3A_0, %dma_wait3A_1506] : memref<896x128xf32, #tpu.memory_space<vmem_shared>> -> memref<56x128xf32, #tpu.memory_space<vmem_shared>>
      %dma_wait3A_1508 = arith.constant 0 : i32
      %dma_wait3A_1509 = arith.constant 0 : i32
      %dma_wait3A_1510 = tpu.memref_slice %dma_wait3A_1507[%dma_wait3A_1508, %dma_wait3A_1509] : memref<56x128xf32, #tpu.memory_space<vmem_shared>> -> memref<56x128xf32, #tpu.memory_space<vmem_shared>>
      tpu.wait_indirect_dma semaphore(%arg13 : memref<!tpu.dma_semaphore, #tpu.memory_space<semaphore_mem>>) src(%dma_wait3A_1510 : memref<56x128xf32, #tpu.memory_space<vmem_shared>>) dst(%dma_wait3A_1502 : memref<128x128xf32, #tpu.memory_space<vmem>>)
      %add3A_1511 = arith.constant 768 : i32
      %add3A_1512 = arith.addi %add3A_1168, %add3A_1511 : i32
      %dma_start3A_1513 = arith.constant 256 : i32
      %dma_start3A_1514 = arith.constant 0 : i32
      %dma_start3A_1515 = tpu.memref_slice %arg7[%dma_start3A_1513, %dma_start3A_1514] : memref<512x128xf32, #tpu.memory_space<vmem>> -> memref<128x128xf32, #tpu.memory_space<vmem>>
      %dma_start3A_1516 = arith.constant 0 : i32
      %dma_start3A_1517 = tpu.memref_slice %arg4[%add3A_1512, %dma_start3A_1516] : memref<3276800x128xf32, #tpu.memory_space<hbm>> -> memref<128x128xf32, #tpu.memory_space<hbm>>
      %dma_start3A_1518 = arith.constant 0 : i32
      %dma_start3A_1519 = tpu.memref_slice %arg4[%add3A_1512, %dma_start3A_1518] : memref<3276800x128xf32, #tpu.memory_space<hbm>> -> memref<128x128xf32, #tpu.memory_space<hbm>>
      %dma_start3A_1520 = arith.constant 256 : i32
      %dma_start3A_1521 = arith.constant 0 : i32
      %dma_start3A_1522 = tpu.memref_slice %arg7[%dma_start3A_1520, %dma_start3A_1521] : memref<512x128xf32, #tpu.memory_space<vmem>> -> memref<128x128xf32, #tpu.memory_space<vmem>>
      tpu.enqueue_dma source(%dma_start3A_1522 : memref<128x128xf32, #tpu.memory_space<vmem>>) target(%dma_start3A_1519 : memref<128x128xf32, #tpu.memory_space<hbm>>) target_semaphore(%arg17 : memref<!tpu.dma_semaphore, #tpu.memory_space<semaphore_mem>>)
      %dma_wait3A_1523 = arith.constant 7 : i32
      %dma_wait3A_1524 = arith.constant 384 : i32
      %dma_wait3A_1525 = arith.constant 0 : i32
      %dma_wait3A_1526 = tpu.memref_slice %arg7[%dma_wait3A_1524, %dma_wait3A_1525] : memref<512x128xf32, #tpu.memory_space<vmem>> -> memref<128x128xf32, #tpu.memory_space<vmem>>
      %dma_wait3A_1527 = arith.constant 0 : i32
      %dma_wait3A_1528 = tpu.memref_slice %arg6[%dma_wait3A_1523, %dma_wait3A_1527] : memref<8x128xi32, #tpu.memory_space<vmem>> -> memref<1x128xi32, #tpu.memory_space<vmem>>
      %dma_wait3A_1529 = tpu.memref_squeeze %dma_wait3A_1528 : memref<1x128xi32, #tpu.memory_space<vmem>> -> memref<128xi32, #tpu.memory_space<vmem>>
      %dma_wait3A_1530 = arith.constant 0 : i32
      %dma_wait3A_1531 = tpu.memref_slice %arg8[%mul3A_0, %dma_wait3A_1530] : memref<896x128xf32, #tpu.memory_space<vmem_shared>> -> memref<56x128xf32, #tpu.memory_space<vmem_shared>>
      %dma_wait3A_1532 = arith.constant 0 : i32
      %dma_wait3A_1533 = arith.constant 0 : i32
      %dma_wait3A_1534 = tpu.memref_slice %dma_wait3A_1531[%dma_wait3A_1532, %dma_wait3A_1533] : memref<56x128xf32, #tpu.memory_space<vmem_shared>> -> memref<56x128xf32, #tpu.memory_space<vmem_shared>>
      tpu.wait_indirect_dma semaphore(%arg14 : memref<!tpu.dma_semaphore, #tpu.memory_space<semaphore_mem>>) src(%dma_wait3A_1534 : memref<56x128xf32, #tpu.memory_space<vmem_shared>>) dst(%dma_wait3A_1526 : memref<128x128xf32, #tpu.memory_space<vmem>>)
      %add3A_1535 = arith.constant 896 : i32
      %add3A_1536 = arith.addi %add3A_1168, %add3A_1535 : i32
      %dma_start3A_1537 = arith.constant 384 : i32
      %dma_start3A_1538 = arith.constant 0 : i32
      %dma_start3A_1539 = tpu.memref_slice %arg7[%dma_start3A_1537, %dma_start3A_1538] : memref<512x128xf32, #tpu.memory_space<vmem>> -> memref<128x128xf32, #tpu.memory_space<vmem>>
      %dma_start3A_1540 = arith.constant 0 : i32
      %dma_start3A_1541 = tpu.memref_slice %arg4[%add3A_1536, %dma_start3A_1540] : memref<3276800x128xf32, #tpu.memory_space<hbm>> -> memref<128x128xf32, #tpu.memory_space<hbm>>
      %dma_start3A_1542 = arith.constant 0 : i32
      %dma_start3A_1543 = tpu.memref_slice %arg4[%add3A_1536, %dma_start3A_1542] : memref<3276800x128xf32, #tpu.memory_space<hbm>> -> memref<128x128xf32, #tpu.memory_space<hbm>>
      %dma_start3A_1544 = arith.constant 384 : i32
      %dma_start3A_1545 = arith.constant 0 : i32
      %dma_start3A_1546 = tpu.memref_slice %arg7[%dma_start3A_1544, %dma_start3A_1545] : memref<512x128xf32, #tpu.memory_space<vmem>> -> memref<128x128xf32, #tpu.memory_space<vmem>>
      tpu.enqueue_dma source(%dma_start3A_1546 : memref<128x128xf32, #tpu.memory_space<vmem>>) target(%dma_start3A_1543 : memref<128x128xf32, #tpu.memory_space<hbm>>) target_semaphore(%arg18 : memref<!tpu.dma_semaphore, #tpu.memory_space<semaphore_mem>>)
      %dma_wait3A_1547 = arith.constant 0 : i32
      %dma_wait3A_1548 = tpu.memref_slice %arg2[%mul3A_6, %dma_wait3A_1547] : memref<25600x128xi32, #tpu.memory_space<hbm>> -> memref<8x128xi32, #tpu.memory_space<hbm>>
      %dma_wait3A_1549 = arith.constant 0 : i32
      %dma_wait3A_1550 = tpu.memref_slice %arg2[%mul3A_6, %dma_wait3A_1549] : memref<25600x128xi32, #tpu.memory_space<hbm>> -> memref<8x128xi32, #tpu.memory_space<hbm>>
      tpu.wait_dma2 semaphore(%arg9 : memref<!tpu.dma_semaphore, #tpu.memory_space<semaphore_mem>>) src(%dma_wait3A_1550 : memref<8x128xi32, #tpu.memory_space<hbm>>) dst(%arg5 : memref<8x128xi32, #tpu.memory_space<vmem>>)
    }
    %scan3A_733 = arith.constant 49 : i32
    %dma_wait3A_734 = arith.constant 0 : i32
    %dma_wait3A_735 = arith.constant 0 : i32
    %dma_wait3A_736 = tpu.memref_slice %arg7[%dma_wait3A_734, %dma_wait3A_735] : memref<512x128xf32, #tpu.memory_space<vmem>> -> memref<128x128xf32, #tpu.memory_space<vmem>>
    %dma_wait3A_737 = arith.constant 0 : i32
    %dma_wait3A_738 = tpu.memref_slice %arg4[%mul3A_4, %dma_wait3A_737] : memref<3276800x128xf32, #tpu.memory_space<hbm>> -> memref<128x128xf32, #tpu.memory_space<hbm>>
    %dma_wait3A_739 = arith.constant 0 : i32
    %dma_wait3A_740 = tpu.memref_slice %arg4[%mul3A_4, %dma_wait3A_739] : memref<3276800x128xf32, #tpu.memory_space<hbm>> -> memref<128x128xf32, #tpu.memory_space<hbm>>
    %dma_wait3A_741 = arith.constant 0 : i32
    %dma_wait3A_742 = arith.constant 0 : i32
    %dma_wait3A_743 = tpu.memref_slice %arg7[%dma_wait3A_741, %dma_wait3A_742] : memref<512x128xf32, #tpu.memory_space<vmem>> -> memref<128x128xf32, #tpu.memory_space<vmem>>
    tpu.wait_dma2 semaphore(%arg15 : memref<!tpu.dma_semaphore, #tpu.memory_space<semaphore_mem>>) src(%dma_wait3A_743 : memref<128x128xf32, #tpu.memory_space<vmem>>) dst(%dma_wait3A_740 : memref<128x128xf32, #tpu.memory_space<hbm>>)
    %dma_wait3A_744 = arith.constant 128 : i32
    %dma_wait3A_745 = arith.constant 0 : i32
    %dma_wait3A_746 = tpu.memref_slice %arg7[%dma_wait3A_744, %dma_wait3A_745] : memref<512x128xf32, #tpu.memory_space<vmem>> -> memref<128x128xf32, #tpu.memory_space<vmem>>
    %dma_wait3A_747 = arith.constant 0 : i32
    %dma_wait3A_748 = tpu.memref_slice %arg4[%mul3A_4, %dma_wait3A_747] : memref<3276800x128xf32, #tpu.memory_space<hbm>> -> memref<128x128xf32, #tpu.memory_space<hbm>>
    %dma_wait3A_749 = arith.constant 0 : i32
    %dma_wait3A_750 = tpu.memref_slice %arg4[%mul3A_4, %dma_wait3A_749] : memref<3276800x128xf32, #tpu.memory_space<hbm>> -> memref<128x128xf32, #tpu.memory_space<hbm>>
    %dma_wait3A_751 = arith.constant 128 : i32
    %dma_wait3A_752 = arith.constant 0 : i32
    %dma_wait3A_753 = tpu.memref_slice %arg7[%dma_wait3A_751, %dma_wait3A_752] : memref<512x128xf32, #tpu.memory_space<vmem>> -> memref<128x128xf32, #tpu.memory_space<vmem>>
    tpu.wait_dma2 semaphore(%arg16 : memref<!tpu.dma_semaphore, #tpu.memory_space<semaphore_mem>>) src(%dma_wait3A_753 : memref<128x128xf32, #tpu.memory_space<vmem>>) dst(%dma_wait3A_750 : memref<128x128xf32, #tpu.memory_space<hbm>>)
    %dma_wait3A_754 = arith.constant 256 : i32
    %dma_wait3A_755 = arith.constant 0 : i32
    %dma_wait3A_756 = tpu.memref_slice %arg7[%dma_wait3A_754, %dma_wait3A_755] : memref<512x128xf32, #tpu.memory_space<vmem>> -> memref<128x128xf32, #tpu.memory_space<vmem>>
    %dma_wait3A_757 = arith.constant 0 : i32
    %dma_wait3A_758 = tpu.memref_slice %arg4[%mul3A_4, %dma_wait3A_757] : memref<3276800x128xf32, #tpu.memory_space<hbm>> -> memref<128x128xf32, #tpu.memory_space<hbm>>
    %dma_wait3A_759 = arith.constant 0 : i32
    %dma_wait3A_760 = tpu.memref_slice %arg4[%mul3A_4, %dma_wait3A_759] : memref<3276800x128xf32, #tpu.memory_space<hbm>> -> memref<128x128xf32, #tpu.memory_space<hbm>>
    %dma_wait3A_761 = arith.constant 256 : i32
    %dma_wait3A_762 = arith.constant 0 : i32
    %dma_wait3A_763 = tpu.memref_slice %arg7[%dma_wait3A_761, %dma_wait3A_762] : memref<512x128xf32, #tpu.memory_space<vmem>> -> memref<128x128xf32, #tpu.memory_space<vmem>>
    tpu.wait_dma2 semaphore(%arg17 : memref<!tpu.dma_semaphore, #tpu.memory_space<semaphore_mem>>) src(%dma_wait3A_763 : memref<128x128xf32, #tpu.memory_space<vmem>>) dst(%dma_wait3A_760 : memref<128x128xf32, #tpu.memory_space<hbm>>)
    %dma_wait3A_764 = arith.constant 384 : i32
    %dma_wait3A_765 = arith.constant 0 : i32
    %dma_wait3A_766 = tpu.memref_slice %arg7[%dma_wait3A_764, %dma_wait3A_765] : memref<512x128xf32, #tpu.memory_space<vmem>> -> memref<128x128xf32, #tpu.memory_space<vmem>>
    %dma_wait3A_767 = arith.constant 0 : i32
    %dma_wait3A_768 = tpu.memref_slice %arg4[%mul3A_4, %dma_wait3A_767] : memref<3276800x128xf32, #tpu.memory_space<hbm>> -> memref<128x128xf32, #tpu.memory_space<hbm>>
    %dma_wait3A_769 = arith.constant 0 : i32
    %dma_wait3A_770 = tpu.memref_slice %arg4[%mul3A_4, %dma_wait3A_769] : memref<3276800x128xf32, #tpu.memory_space<hbm>> -> memref<128x128xf32, #tpu.memory_space<hbm>>
    %dma_wait3A_771 = arith.constant 384 : i32
    %dma_wait3A_772 = arith.constant 0 : i32
    %dma_wait3A_773 = tpu.memref_slice %arg7[%dma_wait3A_771, %dma_wait3A_772] : memref<512x128xf32, #tpu.memory_space<vmem>> -> memref<128x128xf32, #tpu.memory_space<vmem>>
    tpu.wait_dma2 semaphore(%arg18 : memref<!tpu.dma_semaphore, #tpu.memory_space<semaphore_mem>>) src(%dma_wait3A_773 : memref<128x128xf32, #tpu.memory_space<vmem>>) dst(%dma_wait3A_770 : memref<128x128xf32, #tpu.memory_space<hbm>>)
    return
  }
}

</mosaic_0001>

<sc_bundles>
// kernel: kernel.3.cloned.1.call-start
scs
__scs_entry_jumppad:
0x0: {  	(pc) =	sbr.rel $0x88, $3  }
0x1: {  	(tag) =	ssettag $0x0;
	lr =	simm.s32 $0x1  }
0x2: {  	[smem:$0x3F9F] =	sst lr;
	_ =	strace $0xD0000000  }
0x3: {  	_ = 	snop  }
0x4: {  	_ = 	snop  }
0x5: {  	_ = 	snop  }
0x6: {  	_ = 	snop  }
0x7: {  	_ = 	snop  }
__scs_overlays_trampoline_lowered:
0x8: {  	[smem:$0x3FAE] =	sst s0  }
0x9: {  	[smem:$0x3FAF] =	sst s1  }
0xa: {  	[smem:$0x3FB0] =	sst s2  }
0xb: {  	[smem:$0x3FB1] =	sst s3  }
0xc: {  	[smem:$0x3FB2] =	sst s4  }
0xd: {  	[smem:$0x3FB3] =	sst s5  }
0xe: {  	[smem:$0x3FB4] =	sst s6  }
0xf: {  	[smem:$0x3FB5] =	sst s7  }
0x10: {  	[smem:$0x3FB6] =	sst s8  }
0x11: {  	[smem:$0x3FB7] =	sst s9;
	s0 =	simm.s32 @!p0 $0x0  }
0x12: {  	s1 =	sld [smem:$0x3F9D];
	s0 =	simm.s32 @p0 $0x1  }
0x13: {  	[smem:$0x3FB8] =	sst s0;
	s0 =	simm.s32 @!p1 $0x0  }
0x14: {  	s2 =	sld [smem:$0x3F9C];
	s0 =	simm.s32 @p1 $0x1  }
0x15: {  	[smem:$0x3FB9] =	sst s0;
	s0 =	simm.s32 @!p2 $0x0  }
0x16: {  	s3 =	sld [smem:$0x3FDB];
	s0 =	simm.s32 @p2 $0x1  }
0x17: {  	s4 =	simm.s32 $0x1BF5;
	[smem:$0x3FBB] =	sst s0  }
0x18: {  	s0 =	sld [smem:$0x3F9E];
	_ =	swait.ge [sflag:s4], $0x0  }
0x19: {  	s7 =	sld [smem:$0x3F9F]  }
0x1a: {  	s8 =	sadd.s32 $0xFFFFE003, lr  }
0x1b: {  	s9 =	sadd.s32 $0xFFFFFEF7, lr;
	s5 =	simm.s32 $0xFFFFFFFF;
	p2 =	slt.u32 s8, $0xFFFFF086  }
0x1c: {  	p1 =	slt.u32 s9, $0xF7A;
	s5 =	simm.s32 @!p2 $0x0  }
0x1d: {  	s5 =	simm.s32 @p1 $0x1;
	p0 =	seq.s32 s7, s2  }
0x1e: {  	s7 =	smul.u32 @!p0 $0xF7A, s2;
	p2 =	seq.s32 @!p0 s5, $0x0  }
0x1f: {  	s9 =	smul.u32 $0xF7A, s1;
	s8 =	simm.s32 @!p0 $0x1BF5;
	p2 =	por !p2, p0  }
0x20: {  	[sflag:s8] =	ssyncset.s32 @!p0 $0xFFFFF086;
	s6 =	sadd.s32 @!p0 s3, s7;
	s7 =	simm.s32 @!p0 $0x108  }
0x21: {  	s3 =	sadd.s32 s3, s9;
	s6 =	sadd.s32 @!p0 $0x88, s6;
	s7 =	simm.s32 @p2 $0x1082  }
0x22: {  	[simem:s7], [sflag:s8] =	dma.local @!p0 [hbm:s6], $0xF7A  }
0x23: {  	s9 =	sor.u32 $0xD0000000, s2;
	s6 =	simm.s32 $0x108;
	_ =	swait.ge @!p0 [sflag:s8], $0x0  }
0x24: {  	s3 =	sadd.s32 $0x88, s3;
	s6 =	simm.s32 @!p1 $0x1082;
	[sflag:s4] =	ssyncset.s32 $0xFFFFF086  }
0x25: {  	[simem:s6], [sflag:s4] =	dma.local [hbm:s3], $0xF7A  }
0x26: {  	[smem:$0x3F9F] =	sst s1;
	(tag) =	ssettag s2;
	_ =	strace s9  }
0x27: {  	s1 =	sld [smem:$0x3FAF]  }
0x28: {  	s2 =	sld [smem:$0x3FB0]  }
0x29: {  	s4 =	sld [smem:$0x3FB2]  }
0x2a: {  	p0 =	seq.s32 s5, $0x0;
	s5 =	sld [smem:$0x3FB3]  }
0x2b: {  	s6 =	sld [smem:$0x3FB4]  }
0x2c: {  	s7 =	sld [smem:$0x3FB5]  }
0x2d: {  	s3 =	simm.s32 $0x108;
	s8 =	sld [smem:$0x3FB6]  }
0x2e: {  	s3 =	simm.s32 @!p0 $0x1082;
	s9 =	sld [smem:$0x3FB7]  }
0x2f: {  	lr =	sadd.s32 s0, s3;
	s0 =	sld [smem:$0x3FAE]  }
0x30: {  	s3 =	sld [smem:$0x3FB1]  }
0x31: {  	[smem:$0x3FBA] =	sst s10  }
0x32: {  	s10 =	sld [smem:$0x3FB8];
	_ =	sdelay $0x3  }
0x33: {  	p0 =	seq.s32 s10, $0x1;
	s10 =	sld [smem:$0x3FBA];
	_ =	sdelay $0x3  }
0x34: {  	[smem:$0x3FBA] =	sst s10  }
0x35: {  	s10 =	sld [smem:$0x3FB9];
	_ =	sdelay $0x3  }
0x36: {  	p1 =	seq.s32 s10, $0x1;
	s10 =	sld [smem:$0x3FBA];
	_ =	sdelay $0x3  }
0x37: {  	[smem:$0x3FBA] =	sst s10  }
0x38: {  	s10 =	sld [smem:$0x3FBB]  }
0x39: {  	_ = 	snop;
	(pc) =	sbr.ind lr, $3  }
0x3a: {  	_ = 	snop  }
0x3b: {  	_ = 	snop  }
0x3c: {  	p2 =	seq.s32 s10, $0x1;
	s10 =	sld [smem:$0x3FBA]  }
0x3d: {  	_ =	shalt  }
0x3e: {  	_ =	shalt  }
0x3f: {  	_ =	shalt  }
0x40: {  	_ =	shalt  }
0x41: {  	_ =	shalt  }
0x42: {  	_ =	shalt  }
0x43: {  	_ =	shalt  }
0x44: {  	_ =	shalt  }
0x45: {  	_ =	shalt  }
0x46: {  	_ =	shalt  }
0x47: {  	_ =	shalt  }
0x48: {  	_ =	shalt  }
0x49: {  	_ =	shalt  }
0x4a: {  	_ =	shalt  }
0x4b: {  	_ =	shalt  }
0x4c: {  	_ =	shalt  }
0x4d: {  	_ =	shalt  }
0x4e: {  	_ =	shalt  }
0x4f: {  	_ =	shalt  }
0x50: {  	_ =	shalt  }
0x51: {  	_ =	shalt  }
0x52: {  	_ =	shalt  }
0x53: {  	_ =	shalt  }
0x54: {  	_ =	shalt  }
0x55: {  	_ =	shalt  }
0x56: {  	_ =	shalt  }
0x57: {  	_ =	shalt  }
0x58: {  	_ =	shalt  }
0x59: {  	_ =	shalt  }
0x5a: {  	_ =	shalt  }
0x5b: {  	_ =	shalt  }
0x5c: {  	_ =	shalt  }
0x5d: {  	_ =	shalt  }
0x5e: {  	_ =	shalt  }
0x5f: {  	_ =	shalt  }
0x60: {  	_ =	shalt  }
0x61: {  	_ =	shalt  }
0x62: {  	_ =	shalt  }
0x63: {  	_ =	shalt  }
0x64: {  	_ =	shalt  }
0x65: {  	_ =	shalt  }
0x66: {  	_ =	shalt  }
0x67: {  	_ =	shalt  }
0x68: {  	_ =	shalt  }
0x69: {  	_ =	shalt  }
0x6a: {  	_ =	shalt  }
0x6b: {  	_ =	shalt  }
0x6c: {  	_ =	shalt  }
0x6d: {  	_ =	shalt  }
0x6e: {  	_ =	shalt  }
0x6f: {  	_ =	shalt  }
0x70: {  	_ =	shalt  }
0x71: {  	_ =	shalt  }
0x72: {  	_ =	shalt  }
0x73: {  	_ =	shalt  }
0x74: {  	_ =	shalt  }
0x75: {  	_ =	shalt  }
0x76: {  	_ =	shalt  }
0x77: {  	_ =	shalt  }
0x78: {  	_ =	shalt  }
0x79: {  	_ =	shalt  }
0x7a: {  	_ =	shalt  }
0x7b: {  	_ =	shalt  }
0x7c: {  	_ =	shalt  }
0x7d: {  	_ =	shalt  }
0x7e: {  	_ =	shalt  }
0x7f: {  	_ =	shalt  }
0x80: {  	_ =	shalt  }
0x81: {  	_ =	shalt  }
0x82: {  	_ =	shalt  }
0x83: {  	_ =	shalt  }
0x84: {  	_ =	shalt  }
0x85: {  	_ =	shalt  }
0x86: {  	_ =	shalt  }
0x87: {  	_ =	shalt  }
.Lfunc_end0:
.L_simem_size_0:
called_computation_lowered:
.L_overlay_start_0:
0x88: {  	s2 =	sld [smem:$0x3FD9]  }
0x89: {  	s3 =	sld [smem:$0x3FFE];
	_ =	sdelay $0x1  }
0x8a: {  	s1 =	srdreg.scid  }
0x8b: {  	s0 =	sand.u32 $0x1, s1  }
0x8c: {  	s17 =	sshll.u32 s0, $0xA;
	s2 =	sadd.s32 s3, s2  }
0x8d: {  	s2 =	sadd.s32 s2, s17  }
0x8e: {  	[smem:$0x3FC6] =	sst s2  }
0x8f: {  	_ = 	snop  }
0x90: {  	s2 =	sld [smem:$0x3FD0];
	(tm) =	ssettm $0x1  }
0x91: {  	s18 =	sld [smem:$0x3FFB];
	_ =	sdelay $0x3  }
0x92: {  	_ =	strace s18  }
0x93: {  	s3 =	sld [smem:$0x3FFC];
	_ =	sdelay $0x3  }
0x94: {  	_ =	strace s3  }
0x95: {  	s3 =	sld [smem:$0x3FFD];
	_ =	sdelay $0x3  }
0x96: {  	_ =	strace s3  }
0x97: {  	_ =	strace $0x8FFFFFFF  }
0x98: {  	s19 =	sld [smem:$0x3FDB];
	_ =	sdelay $0x1  }
0x99: {  	s4 =	simm.s32 $_scs_section_size  }
0x9a: {  	s5 =	simm.s32 $_size__tile_overlayer_lowered;
	s6 =	simm.s32 $_tile_overlayer_lowered  }
0x9b: {  	s22 =	simm.s32 $0x1BFF;
	s21 =	sshll.u32 s6, $0x1;
	s3 =	sadd.s32 s4, s19  }
0x9c: {  	s7 =	simm.s32 $0x0;
	s20 =	sshll.u32 s5, $0x1;
	s5 =	sadd.s32 s21, s3  }
0x9d: {  	[timem:s7], [sflag:s22] =	dma.local [hbm:s5], s20  }
0x9e: {  	_ =	swait.ge [sflag:s22], s20  }
0x9f: {  	s4 =	ssub.s32 $0x0, s20;
	[sflag:s22] =	ssyncset.done $0x0  }
0xa0: {  	[sflag:s22] =	ssyncadd.s32 s4;
	_ =	sdelay $0x1  }
0xa1: {  	s23 =	simm.s32 $0x1B8B  }
0xa2: {  	_ =	swait.ge [sflag:s23], $0x1  }
0xa3: {  	[sflag:s23] =	ssyncset.done $0x0  }
0xa4: {  	s25 =	simm.s32 $0x1B8E;
	s24 =	sld [smem:$0x3FFE];
	[sflag:s23] =	ssyncadd.s32 $0xFFFFFFFF  }
0xa5: {  	s26 =	simm.s32 $execute0_lowered;
	[smem:$0x3FD2] =	sst s25  }
0xa6: {  	s5 =	sshll.u32 s26, $0x1;
	_ =	strace $0x80000046;
	[dreg:$0x1] =	wrdreg $0xFFFFFFFF  }
0xa7: {  	s28 =	simm.s32 $_size_execute0_lowered;
	s3 =	sadd.s32 s3, s5;
	[dreg:$0x0] =	wrdreg $0x0  }
0xa8: {  	s5 =	sshll.u32 s28, $0x1;
	[dreg:$0x2] =	wrdreg s3  }
0xa9: {  	[dreg:$0x3] =	wrdreg s5  }
0xaa: {  	[dreg:$0x4] =	wrdreg $0xC0  }
0xab: {  	_ =	task [dreg:s7], $0x5FFFF  }
0xac: {  	[dreg:$0x1] =	wrdreg $0xFFFFFFFF  }
0xad: {  	[dreg:$0x0] =	wrdreg $0x60  }
0xae: {  	[dreg:$0x2] =	wrdreg s24  }
0xaf: {  	[dreg:$0x3] =	wrdreg s2  }
0xb0: {  	[dreg:$0x4] =	wrdreg $0x108000  }
0xb1: {  	[dreg:$0x5] =	wrdreg $0x9  }
0xb2: {  	_ =	task.clear_ibuf [dreg:s7], $0x6FFFF;
	_ =	strace $0x90000046  }
0xb3: {  	s29 =	simm.s32 $0x9;
	_ =	strace $0x80000048  }
0xb4: {  	_ =	swait.ge [sflag:s29], $0x1  }
0xb5: {  	[sflag:s29] =	ssyncadd.s32 $0xFFFFFFFF  }
0xb6: {  	_ =	strace $0x90000048  }
0xb7: {  	_ =	sfence  }
0xb8: {  	s30 =	sld [smem:$0x0];
	_ =	sdelay $0x2  }
0xb9: {  	s31 =	sshll.u32 s1, $0xD;
	s1 =	sshrl.u32 s1, $0x2  }
0xba: {  	s3 =	sand.u32 $0x4000, s31;
	s1 =	sadd.s32 s1, s30  }
0xbb: {  	s0 =	sor.u32 s3, s0;
	s1 =	sshll.u32 s1, $0x11  }
0xbc: {  	s0 =	sor.u32 s1, s0  }
0xbd: {  	s0 =	sadd.s32 $0x8F2B, s0  }
0xbe: {  	[sflag:s0] =	ssyncadd.remote.s32 $0x1  }
0xbf: {  	_ =	sfence.sel $0xFFFF  }
0xc0: {  	[dreg:$0x0] =	wrdreg $0xFFFFFFFF;
	(pc) =	sbr.abs _section_cstart, $3  }
0xc1: {  	[dreg:$0x1] =	wrdreg $0xFFFFFFFF  }
0xc2: {  	_ =	task.clear_ibuf [dreg:s7], $0x2FFFF;
	_ =	strace $0x9FFFFFFF  }
0xc3: {  	(tm) =	ssettm $0x7FFFFFFF  }
tec
execute0_lowered:
.L_overlay_start_1:
0x0: {  	(tag) =	ssettag $0x1  }
0x1: {  	s0 =	rddreg [dreg:$0x0]  }
0x2: {  	s1 =	rddreg [dreg:$0x1]  }
0x3: {  	s4 =	rddreg [dreg:$0x2]  }
0x4: {  	s2 =	simm.s32 $0x0;
	s3 =	srdreg.scid;
	s13 =	stileid.u32  }
0x5: {  	s30 =	simm.s32 $0x280;
	s29 =	simm.s32 $0x2;
	s28 =	simm.s32 $0x500  }
0x6: {  	[smem:$0x7FF] =	sst s2;
	s6 =	sand.u32 $0x1, s3;
	s5 =	smul.u32 $0x7000, s13  }
0x7: {  	s12 =	sshll.u32 s13, $0x1;
	s31 =	sadd.s32 $0x600, s0;
	s19 =	smul.u32 $0x640, s13  }
0x8: {  	s0 =	sadd.s32 $0x64600, s0;
	s11 =	sshll.u32 s13, $0x6;
	s25 =	smul.u32 $0x6400, s13  }
0x9: {  	_ =	strace $0x80000047;
	s7 =	sor.u32 s6, s12;
	s22 =	smul.u32 $0x320, s6  }
0xa: {  	s8 =	ssub.s32 $0x2, s6;
	[dreg:$0x5] =	wrdreg s0;
	s9 =	smul.u32 $0x320, s7  }
0xb: {  	s15 =	sor.u32 $0x1C0B, s11;
	s14 =	sshrl.u32 s8, $0x1;
	s10 =	smul.u32 $0x3200, s7  }
0xc: {  	s5 =	sshrl.u32 s5, $0x2;
	s12 =	smul.u32 $0x190000, s7;
	[dreg:$0x6] =	wrdreg s15  }
0xd: {  	s15 =	smul.u32 $0x190000, s6;
	s0 =	ssub.s32 s8, s14;
	s16 =	sadd.s32 s31, s10  }
0xe: {  	s6 =	smul.u32 $0x3200, s6;
	s0 =	smax.u32 s0, $0x1;
	[dreg:$0x7] =	wrdreg s16  }
0xf: {  	s5 =	sadd.s32 s5, s4;
	s12 =	sadd.s32 s1, s12;
	[dreg:$0x16] =	wrdreg s0  }
0x10: {  	s14 =	smul.u32 $0x320000, s13;
	s17 =	sadd.s32 $0x80, s16;
	[dreg:$0x8] =	wrdreg s12  }
0x11: {  	s4 =	sadd.s32 s22, s19;
	s18 =	sadd.s32 $0x800, s12;
	[dreg:$0x9] =	wrdreg s17  }
0x12: {  	s8 =	simm.s32 $0x100;
	s20 =	sadd.s32 $0x1000, s12;
	[dreg:$0xa] =	wrdreg s18  }
0x13: {  	s13 =	simm.s32 $0x4;
	s21 =	sadd.s32 $0x1800, s12;
	[dreg:$0xb] =	wrdreg s20  }
0x14: {  	s7 =	sadd.s32 $0x318, s9;
	s23 =	sadd.s32 $0x2000, s12;
	[dreg:$0xc] =	wrdreg s21  }
0x15: {  	s10 =	simm.s32 $0x3;
	s24 =	sadd.s32 $0x2800, s12;
	[dreg:$0xd] =	wrdreg s23  }
0x16: {  	s9 =	simm.s32 $0x180;
	s26 =	sadd.s32 $0x3000, s12;
	[dreg:$0xe] =	wrdreg s24  }
0x17: {  	s3 =	sadd.s32 $0x3800, s12;
	s11 =	sadd.s32 $0x100, s16;
	[dreg:$0xf] =	wrdreg s26  }
0x18: {  	s1 =	sadd.s32 s14, s1;
	s16 =	sadd.s32 $0x4000, s12;
	[dreg:$0x10] =	wrdreg s3  }
0x19: {  	s19 =	sadd.s32 $0x5000, s12;
	s0 =	simm.s32 $0x400;
	[dreg:$0x11] =	wrdreg s11  }
0x1a: {  	s14 =	simm.s32 $0x1;
	[dreg:$0x12] =	wrdreg s16;
	s1 =	sadd.s32 s15, s1  }
0x1b: {  	s17 =	sadd.s32 $0x4800, s12;
	s18 =	sadd.s32 s25, s31;
	[dreg:$0x14] =	wrdreg s19  }
0x1c: {  	s20 =	sadd.s32 $0x5800, s12;
	s21 =	sadd.s32 $0x20, s4;
	[dreg:$0x13] =	wrdreg s17  }
0x1d: {  	s23 =	sadd.s32 $0x6000, s12;
	s24 =	sadd.s32 $0x6800, s12;
	[dreg:$0x4] =	wrdreg s1  }
0x1e: {  	s25 =	sadd.s32 $0x7000, s12;
	s26 =	sadd.s32 $0x7800, s12;
	[dreg:$0x15] =	wrdreg s20  }
0x1f: {  	s4 =	simm.s32 $0x800;
	s12 =	simm.s32 $0x8800;
	[dreg:$0x17] =	wrdreg s21  }
0x20: {  	s15 =	simm.s32 $0xC800;
	s16 =	simm.s32 $0x5;
	[dreg:$0x19] =	wrdreg s23  }
0x21: {  	s19 =	simm.s32 $0x6;
	s11 =	simm.s32 $0x380;
	[dreg:$0x1a] =	wrdreg s24  }
0x22: {  	s3 =	simm.s32 $0x480;
	s6 =	sadd.s32 s6, s18;
	[dreg:$0x1b] =	wrdreg s25  }
0x23: {  	[dreg:$0x1c] =	wrdreg s26;
	s1 =	simm.s32 $0x80;
	s17 =	simm.s32 $0x7  }
0x24: {  	s25 =	simm.s32 $0x200;
	s20 =	simm.s32 $0x8;
	s24 =	simm.s32 $0x300  }
0x25: {  	s26 =	simm.s32 $0xA;
	s21 =	simm.s32 $0x0;
	s22 =	sadd.s32 $0x180, s6  }
0x26: {  	s6 =	simm.s32 $0x4800;
	[dreg:$0x18] =	wrdreg s22;
	s22 =	simm.s32 $0x9  }
.LBB2_1:
0x27: {  	[dreg:$0x1d] =	wrdreg s21  }
0x28: {  	s21 =	rddreg [dreg:$0x5]  }
0x29: {  	s18 =	sshrl.u32 s5, $0x3;
	s23 =	rddreg [dreg:$0x6]  }
0x2a: {  	[spmem:s18], [sflag:s23] =	dma.local [hbm:s21], $0x380  }
0x2b: {  	s21 =	simm.s32 $0xB  }
0x2c: {  	_ =	swait.ge [sflag:s21], $0x380  }
0x2d: {  	[sflag:s21] =	ssyncset.done $0x0  }
0x2e: {  	s23 =	rddreg [dreg:$0x7];
	[sflag:s21] =	ssyncadd.s32 $0xFFFFFC80  }
0x2f: {  	[tilespmem:s2], [sflag:$0xB] =	stream.linear.gather [hbm4b:s23+s2], $0x400, $0x38;
	[tilespmem:$0x12400] =	vst v63  }
0x30: {  	_ =	swait.ge [sflag:s21], $0x400  }
0x31: {  	[sflag:s21] =	ssyncset.done $0x0  }
0x32: {  	s23 =	rddreg [dreg:$0x9];
	[sflag:s21] =	ssyncadd.s32 $0xFFFFFC00  }
0x33: {  	[tilespmem:s0], [sflag:$0x2] =	stream.linear.gather [hbm4b:s23+s2], $0x400, $0x38;
	[tilespmem:$0x12400] =	vst v63  }
0x34: {  	_ = 	snop  }
0x35: {  	[tilespmem:s4], [sflag:$0x3] =	stream.indirect.gather [spmem:s5], $0x80, s2, s1, $0xb8;
	[tilespmem:$0x12400] =	vst v63  }
0x36: {  	_ = 	snop  }
0x37: {  	[tilespmem:s6], [sflag:$0x4] =	stream.indirect.gather [spmem:s5], $0x80, s1, s1, $0xb8;
	[tilespmem:$0x12400] =	vst v63  }
0x38: {  	_ =	swait.ge [sflag:s10], $0x4000  }
0x39: {  	[sflag:s10] =	ssyncset.done $0x0  }
0x3a: {  	s21 =	rddreg [dreg:$0x8];
	[sflag:s10] =	ssyncadd.s32 $0xFFFFC000  }
0x3b: {  	[hbm4b:s21+s2] =	stream.linear.scatter [tilespmem:s4], [sflag:$0x7], $0x4000, $0x38;
	[tilespmem:$0x12400] =	vst v63  }
0x3c: {  	_ = 	snop  }
0x3d: {  	[tilespmem:s12], [sflag:$0x5] =	stream.indirect.gather [spmem:s5], $0x80, s8, s1, $0xb8;
	[tilespmem:$0x12400] =	vst v63  }
0x3e: {  	_ =	swait.ge [sflag:s13], $0x4000  }
0x3f: {  	[sflag:s13] =	ssyncset.done $0x0  }
0x40: {  	s23 =	rddreg [dreg:$0xa];
	[sflag:s13] =	ssyncadd.s32 $0xFFFFC000  }
0x41: {  	[hbm4b:s23+s2] =	stream.linear.scatter [tilespmem:s6], [sflag:$0x8], $0x4000, $0x38;
	[tilespmem:$0x12400] =	vst v63  }
0x42: {  	_ = 	snop  }
0x43: {  	[tilespmem:s15], [sflag:$0x6] =	stream.indirect.gather [spmem:s5], $0x80, s9, s1, $0xb8;
	[tilespmem:$0x12400] =	vst v63  }
0x44: {  	_ =	swait.ge [sflag:s16], $0x4000  }
0x45: {  	[sflag:s16] =	ssyncset.done $0x0  }
0x46: {  	s21 =	rddreg [dreg:$0xb];
	[sflag:s16] =	ssyncadd.s32 $0xFFFFC000  }
0x47: {  	[hbm4b:s21+s2] =	stream.linear.scatter [tilespmem:s12], [sflag:$0x9], $0x4000, $0x38;
	[tilespmem:$0x12400] =	vst v63  }
0x48: {  	_ =	swait.ge [sflag:s17], $0x4000  }
0x49: {  	[sflag:s17] =	ssyncset.done $0x0  }
0x4a: {  	[sflag:s17] =	ssyncadd.s32 $0xFFFFC000  }
0x4b: {  	[tilespmem:s4], [sflag:$0x3] =	stream.indirect.gather [spmem:s5], $0x80, s25, s1, $0xb8;
	[tilespmem:$0x12400] =	vst v63  }
0x4c: {  	_ =	swait.ge [sflag:s19], $0x4000  }
0x4d: {  	[sflag:s19] =	ssyncset.done $0x0  }
0x4e: {  	s23 =	rddreg [dreg:$0xc];
	[sflag:s19] =	ssyncadd.s32 $0xFFFFC000  }
0x4f: {  	[hbm4b:s23+s2] =	stream.linear.scatter [tilespmem:s15], [sflag:$0xA], $0x4000, $0x38;
	[tilespmem:$0x12400] =	vst v63  }
0x50: {  	_ =	swait.ge [sflag:s20], $0x4000  }
0x51: {  	[sflag:s20] =	ssyncset.done $0x0  }
0x52: {  	[sflag:s20] =	ssyncadd.s32 $0xFFFFC000  }
0x53: {  	[tilespmem:s6], [sflag:$0x4] =	stream.indirect.gather [spmem:s5], $0x80, s30, s1, $0xb8;
	[tilespmem:$0x12400] =	vst v63  }
0x54: {  	_ =	swait.ge [sflag:s10], $0x4000  }
0x55: {  	[sflag:s10] =	ssyncset.done $0x0  }
0x56: {  	s21 =	rddreg [dreg:$0xd];
	[sflag:s10] =	ssyncadd.s32 $0xFFFFC000  }
0x57: {  	[hbm4b:s21+s2] =	stream.linear.scatter [tilespmem:s4], [sflag:$0x7], $0x4000, $0x38;
	[tilespmem:$0x12400] =	vst v63  }
0x58: {  	_ =	swait.ge [sflag:s22], $0x4000  }
0x59: {  	[sflag:s22] =	ssyncset.done $0x0  }
0x5a: {  	[sflag:s22] =	ssyncadd.s32 $0xFFFFC000  }
0x5b: {  	[tilespmem:s12], [sflag:$0x5] =	stream.indirect.gather [spmem:s5], $0x80, s24, s1, $0xb8;
	[tilespmem:$0x12400] =	vst v63  }
0x5c: {  	_ =	swait.ge [sflag:s13], $0x4000  }
0x5d: {  	[sflag:s13] =	ssyncset.done $0x0  }
0x5e: {  	s23 =	rddreg [dreg:$0xe];
	[sflag:s13] =	ssyncadd.s32 $0xFFFFC000  }
0x5f: {  	[hbm4b:s23+s2] =	stream.linear.scatter [tilespmem:s6], [sflag:$0x8], $0x4000, $0x38;
	[tilespmem:$0x12400] =	vst v63  }
0x60: {  	_ =	swait.ge [sflag:s26], $0x4000  }
0x61: {  	[sflag:s26] =	ssyncset.done $0x0  }
0x62: {  	[sflag:s26] =	ssyncadd.s32 $0xFFFFC000  }
0x63: {  	[tilespmem:s15], [sflag:$0x6] =	stream.indirect.gather [spmem:s5], $0x80, s11, s1, $0xb8;
	[tilespmem:$0x12400] =	vst v63  }
0x64: {  	_ =	swait.ge [sflag:s16], $0x4000  }
0x65: {  	[sflag:s16] =	ssyncset.done $0x0  }
0x66: {  	s21 =	rddreg [dreg:$0xf];
	[sflag:s16] =	ssyncadd.s32 $0xFFFFC000  }
0x67: {  	[hbm4b:s21+s2] =	stream.linear.scatter [tilespmem:s12], [sflag:$0x9], $0x4000, $0x38;
	[tilespmem:$0x12400] =	vst v63  }
0x68: {  	_ =	swait.ge [sflag:s19], $0x4000  }
0x69: {  	[sflag:s19] =	ssyncset.done $0x0  }
0x6a: {  	s23 =	rddreg [dreg:$0x10];
	[sflag:s19] =	ssyncadd.s32 $0xFFFFC000  }
0x6b: {  	[hbm4b:s23+s2] =	stream.linear.scatter [tilespmem:s15], [sflag:$0xA], $0x4000, $0x38;
	[tilespmem:$0x12400] =	vst v63  }
0x6c: {  	_ =	swait.ge [sflag:s29], $0x400  }
0x6d: {  	[sflag:s29] =	ssyncset.done $0x0  }
0x6e: {  	s21 =	rddreg [dreg:$0x11];
	[sflag:s29] =	ssyncadd.s32 $0xFFFFFC00  }
0x6f: {  	[tilespmem:s2], [sflag:$0x1] =	stream.linear.gather [hbm4b:s21+s2], $0x400, $0x38;
	[tilespmem:$0x12400] =	vst v63  }
0x70: {  	_ =	swait.ge [sflag:s17], $0x4000  }
0x71: {  	[sflag:s17] =	ssyncset.done $0x0  }
0x72: {  	[sflag:s17] =	ssyncadd.s32 $0xFFFFC000  }
0x73: {  	[tilespmem:s4], [sflag:$0x3] =	stream.indirect.gather [spmem:s5], $0x80, s0, s1, $0xb8;
	[tilespmem:$0x12400] =	vst v63  }
0x74: {  	_ =	swait.ge [sflag:s20], $0x4000  }
0x75: {  	[sflag:s20] =	ssyncset.done $0x0  }
0x76: {  	[sflag:s20] =	ssyncadd.s32 $0xFFFFC000  }
0x77: {  	[tilespmem:s6], [sflag:$0x4] =	stream.indirect.gather [spmem:s5], $0x80, s3, s1, $0xb8;
	[tilespmem:$0x12400] =	vst v63  }
0x78: {  	_ =	swait.ge [sflag:s10], $0x4000  }
0x79: {  	[sflag:s10] =	ssyncset.done $0x0  }
0x7a: {  	s23 =	rddreg [dreg:$0x12];
	[sflag:s10] =	ssyncadd.s32 $0xFFFFC000  }
0x7b: {  	[hbm4b:s23+s2] =	stream.linear.scatter [tilespmem:s4], [sflag:$0x7], $0x4000, $0x38;
	[tilespmem:$0x12400] =	vst v63  }
0x7c: {  	_ =	swait.ge [sflag:s22], $0x4000  }
0x7d: {  	[sflag:s22] =	ssyncset.done $0x0  }
0x7e: {  	[sflag:s22] =	ssyncadd.s32 $0xFFFFC000  }
0x7f: {  	[tilespmem:s12], [sflag:$0x5] =	stream.indirect.gather [spmem:s5], $0x80, s28, s1, $0xb8;
	[tilespmem:$0x12400] =	vst v63  }
0x80: {  	_ =	swait.ge [sflag:s13], $0x4000  }
0x81: {  	[sflag:s13] =	ssyncset.done $0x0  }
0x82: {  	s21 =	rddreg [dreg:$0x13];
	[sflag:s13] =	ssyncadd.s32 $0xFFFFC000  }
0x83: {  	[hbm4b:s21+s2] =	stream.linear.scatter [tilespmem:s6], [sflag:$0x8], $0x4000, $0x38;
	[tilespmem:$0x12400] =	vst v63  }
0x84: {  	_ =	swait.ge [sflag:s26], $0x4000  }
0x85: {  	[sflag:s26] =	ssyncset.done $0x0  }
0x86: {  	s23 =	simm.s32 $0x580;
	[sflag:s26] =	ssyncadd.s32 $0xFFFFC000  }
0x87: {  	[tilespmem:s15], [sflag:$0x6] =	stream.indirect.gather [spmem:s5], $0x80, s23, s1, $0xb8;
	[tilespmem:$0x12400] =	vst v63  }
0x88: {  	_ =	swait.ge [sflag:s16], $0x4000  }
0x89: {  	[sflag:s16] =	ssyncset.done $0x0  }
0x8a: {  	s28 =	rddreg [dreg:$0x14];
	[sflag:s16] =	ssyncadd.s32 $0xFFFFC000  }
0x8b: {  	[hbm4b:s28+s2] =	stream.linear.scatter [tilespmem:s12], [sflag:$0x9], $0x4000, $0x38;
	[tilespmem:$0x12400] =	vst v63  }
0x8c: {  	_ =	swait.ge [sflag:s17], $0x4000  }
0x8d: {  	[sflag:s17] =	ssyncset.done $0x0  }
0x8e: {  	s21 =	simm.s32 $0x600;
	[sflag:s17] =	ssyncadd.s32 $0xFFFFC000  }
0x8f: {  	[tilespmem:s4], [sflag:$0x3] =	stream.indirect.gather [spmem:s5], $0x80, s21, s1, $0xb8;
	[tilespmem:$0x12400] =	vst v63  }
0x90: {  	_ =	swait.ge [sflag:s19], $0x4000  }
0x91: {  	[sflag:s19] =	ssyncset.done $0x0  }
0x92: {  	s23 =	rddreg [dreg:$0x15];
	[sflag:s19] =	ssyncadd.s32 $0xFFFFC000  }
0x93: {  	[hbm4b:s23+s2] =	stream.linear.scatter [tilespmem:s15], [sflag:$0xA], $0x4000, $0x38;
	[tilespmem:$0x12400] =	vst v63  }
0x94: {  	_ =	swait.ge [sflag:s20], $0x4000  }
0x95: {  	[sflag:s20] =	ssyncset.done $0x0  }
0x96: {  	s28 =	simm.s32 $0x680;
	[sflag:s20] =	ssyncadd.s32 $0xFFFFC000  }
0x97: {  	[tilespmem:s6], [sflag:$0x4] =	stream.indirect.gather [spmem:s5], $0x80, s28, s1, $0xb8;
	[tilespmem:$0x12400] =	vst v63  }
0x98: {  	_ =	swait.ge [sflag:s10], $0x4000  }
0x99: {  	[sflag:s10] =	ssyncset.done $0x0  }
0x9a: {  	s21 =	rddreg [dreg:$0x19];
	[sflag:s10] =	ssyncadd.s32 $0xFFFFC000  }
0x9b: {  	[hbm4b:s21+s2] =	stream.linear.scatter [tilespmem:s4], [sflag:$0x7], $0x4000, $0x38;
	[tilespmem:$0x12400] =	vst v63  }
0x9c: {  	_ =	swait.ge [sflag:s22], $0x4000  }
0x9d: {  	[sflag:s22] =	ssyncset.done $0x0  }
0x9e: {  	s23 =	simm.s32 $0x700;
	[sflag:s22] =	ssyncadd.s32 $0xFFFFC000  }
0x9f: {  	[tilespmem:s12], [sflag:$0x5] =	stream.indirect.gather [spmem:s5], $0x80, s23, s1, $0xb8;
	[tilespmem:$0x12400] =	vst v63  }
0xa0: {  	_ =	swait.ge [sflag:s13], $0x4000  }
0xa1: {  	[sflag:s13] =	ssyncset.done $0x0  }
0xa2: {  	s28 =	rddreg [dreg:$0x1a];
	[sflag:s13] =	ssyncadd.s32 $0xFFFFC000  }
0xa3: {  	[hbm4b:s28+s2] =	stream.linear.scatter [tilespmem:s6], [sflag:$0x8], $0x4000, $0x38;
	[tilespmem:$0x12400] =	vst v63  }
0xa4: {  	_ =	swait.ge [sflag:s26], $0x4000  }
0xa5: {  	[sflag:s26] =	ssyncset.done $0x0  }
0xa6: {  	s21 =	simm.s32 $0x780;
	[sflag:s26] =	ssyncadd.s32 $0xFFFFC000  }
0xa7: {  	[tilespmem:s15], [sflag:$0x6] =	stream.indirect.gather [spmem:s5], $0x80, s21, s1, $0xb8;
	[tilespmem:$0x12400] =	vst v63  }
0xa8: {  	_ =	swait.ge [sflag:s16], $0x4000  }
0xa9: {  	[sflag:s16] =	ssyncset.done $0x0  }
0xaa: {  	s23 =	rddreg [dreg:$0x1b];
	[sflag:s16] =	ssyncadd.s32 $0xFFFFC000  }
0xab: {  	[hbm4b:s23+s2] =	stream.linear.scatter [tilespmem:s12], [sflag:$0x9], $0x4000, $0x38;
	[tilespmem:$0x12400] =	vst v63  }
0xac: {  	_ =	swait.ge [sflag:s19], $0x4000  }
0xad: {  	[sflag:s19] =	ssyncset.done $0x0  }
0xae: {  	s28 =	rddreg [dreg:$0x1c];
	[sflag:s19] =	ssyncadd.s32 $0xFFFFC000  }
0xaf: {  	[hbm4b:s28+s2] =	stream.linear.scatter [tilespmem:s15], [sflag:$0xA], $0x4000, $0x38;
	[tilespmem:$0x12400] =	vst v63  }
0xb0: {  	_ =	swait.ge [sflag:s14], $0x400  }
0xb1: {  	[sflag:s14] =	ssyncset.done $0x0  }
0xb2: {  	s28 =	rddreg [dreg:$0x18];
	[sflag:s14] =	ssyncadd.s32 $0xFFFFFC00  }
0xb3: {  	[tilespmem:s0], [sflag:$0x2] =	stream.linear.gather [hbm4b:s28+s2], $0x400, $0x38;
	[tilespmem:$0x12400] =	vst v63  }
0xb4: {  	_ =	swait.ge [sflag:s17], $0x4000  }
0xb5: {  	[sflag:s17] =	ssyncset.done $0x0  }
0xb6: {  	[sflag:s17] =	ssyncadd.s32 $0xFFFFC000  }
0xb7: {  	[tilespmem:s4], [sflag:$0x3] =	stream.indirect.gather [spmem:s5], $0x80, s2, s1, $0xb8;
	[tilespmem:$0x12400] =	vst v63  }
0xb8: {  	_ =	swait.ge [sflag:s20], $0x4000  }
0xb9: {  	[sflag:s20] =	ssyncset.done $0x0  }
0xba: {  	[sflag:s20] =	ssyncadd.s32 $0xFFFFC000  }
0xbb: {  	[tilespmem:s6], [sflag:$0x4] =	stream.indirect.gather [spmem:s5], $0x80, s1, s1, $0xb8;
	[tilespmem:$0x12400] =	vst v63  }
0xbc: {  	_ =	swait.ge [sflag:s10], $0x4000  }
0xbd: {  	s21 =	rddreg [dreg:$0x4]  }
0xbe: {  	[sflag:s10] =	ssyncset.done $0x0;
	s18 =	sadd.s32 $0x0, s21  }
0xbf: {  	[sflag:s10] =	ssyncadd.s32 $0xFFFFC000;
	s23 =	sadd.s32 $0x8000, s18  }
0xc0: {  	[hbm4b:s23+s2] =	stream.linear.scatter [tilespmem:s4], [sflag:$0x7], $0x4000, $0x38;
	[tilespmem:$0x12400] =	vst v63  }
0xc1: {  	_ =	swait.ge [sflag:s22], $0x4000  }
0xc2: {  	[sflag:s22] =	ssyncset.done $0x0  }
0xc3: {  	[sflag:s22] =	ssyncadd.s32 $0xFFFFC000  }
0xc4: {  	[tilespmem:s12], [sflag:$0x5] =	stream.indirect.gather [spmem:s5], $0x80, s8, s1, $0xb8;
	[tilespmem:$0x12400] =	vst v63  }
0xc5: {  	_ =	swait.ge [sflag:s13], $0x4000  }
0xc6: {  	[sflag:s13] =	ssyncset.done $0x0  }
0xc7: {  	s8 =	sadd.s32 $0x8800, s18;
	[sflag:s13] =	ssyncadd.s32 $0xFFFFC000  }
0xc8: {  	[hbm4b:s8+s2] =	stream.linear.scatter [tilespmem:s6], [sflag:$0x8], $0x4000, $0x38;
	[tilespmem:$0x12400] =	vst v63  }
0xc9: {  	_ =	swait.ge [sflag:s26], $0x4000  }
0xca: {  	[sflag:s26] =	ssyncset.done $0x0  }
0xcb: {  	[sflag:s26] =	ssyncadd.s32 $0xFFFFC000  }
0xcc: {  	[tilespmem:s15], [sflag:$0x6] =	stream.indirect.gather [spmem:s5], $0x80, s9, s1, $0xb8;
	[tilespmem:$0x12400] =	vst v63  }
0xcd: {  	_ =	swait.ge [sflag:s16], $0x4000  }
0xce: {  	[sflag:s16] =	ssyncset.done $0x0  }
0xcf: {  	s9 =	sadd.s32 $0x9000, s18;
	[sflag:s16] =	ssyncadd.s32 $0xFFFFC000  }
0xd0: {  	[hbm4b:s9+s2] =	stream.linear.scatter [tilespmem:s12], [sflag:$0x9], $0x4000, $0x38;
	[tilespmem:$0x12400] =	vst v63  }
0xd1: {  	_ =	swait.ge [sflag:s17], $0x4000  }
0xd2: {  	[sflag:s17] =	ssyncset.done $0x0  }
0xd3: {  	[sflag:s17] =	ssyncadd.s32 $0xFFFFC000  }
0xd4: {  	[tilespmem:s4], [sflag:$0x3] =	stream.indirect.gather [spmem:s5], $0x80, s25, s1, $0xb8;
	[tilespmem:$0x12400] =	vst v63  }
0xd5: {  	_ =	swait.ge [sflag:s19], $0x4000  }
0xd6: {  	[sflag:s19] =	ssyncset.done $0x0  }
0xd7: {  	s23 =	sadd.s32 $0x9800, s18;
	[sflag:s19] =	ssyncadd.s32 $0xFFFFC000  }
0xd8: {  	[hbm4b:s23+s2] =	stream.linear.scatter [tilespmem:s15], [sflag:$0xA], $0x4000, $0x38;
	[tilespmem:$0x12400] =	vst v63  }
0xd9: {  	_ =	swait.ge [sflag:s20], $0x4000  }
0xda: {  	[sflag:s20] =	ssyncset.done $0x0  }
0xdb: {  	[sflag:s20] =	ssyncadd.s32 $0xFFFFC000  }
0xdc: {  	[tilespmem:s6], [sflag:$0x4] =	stream.indirect.gather [spmem:s5], $0x80, s30, s1, $0xb8;
	[tilespmem:$0x12400] =	vst v63  }
0xdd: {  	_ =	swait.ge [sflag:s10], $0x4000  }
0xde: {  	[sflag:s10] =	ssyncset.done $0x0  }
0xdf: {  	s25 =	sadd.s32 $0xA000, s18;
	[sflag:s10] =	ssyncadd.s32 $0xFFFFC000  }
0xe0: {  	[hbm4b:s25+s2] =	stream.linear.scatter [tilespmem:s4], [sflag:$0x7], $0x4000, $0x38;
	[tilespmem:$0x12400] =	vst v63  }
0xe1: {  	_ =	swait.ge [sflag:s22], $0x4000  }
0xe2: {  	[sflag:s22] =	ssyncset.done $0x0  }
0xe3: {  	[sflag:s22] =	ssyncadd.s32 $0xFFFFC000  }
0xe4: {  	[tilespmem:s12], [sflag:$0x5] =	stream.indirect.gather [spmem:s5], $0x80, s24, s1, $0xb8;
	[tilespmem:$0x12400] =	vst v63  }
0xe5: {  	_ =	swait.ge [sflag:s13], $0x4000  }
0xe6: {  	[sflag:s13] =	ssyncset.done $0x0  }
0xe7: {  	s30 =	sadd.s32 $0xA800, s18;
	[sflag:s13] =	ssyncadd.s32 $0xFFFFC000  }
0xe8: {  	[hbm4b:s30+s2] =	stream.linear.scatter [tilespmem:s6], [sflag:$0x8], $0x4000, $0x38;
	[tilespmem:$0x12400] =	vst v63  }
0xe9: {  	_ =	swait.ge [sflag:s26], $0x4000  }
0xea: {  	[sflag:s26] =	ssyncset.done $0x0  }
0xeb: {  	[sflag:s26] =	ssyncadd.s32 $0xFFFFC000  }
0xec: {  	[tilespmem:s15], [sflag:$0x6] =	stream.indirect.gather [spmem:s5], $0x80, s11, s1, $0xb8;
	[tilespmem:$0x12400] =	vst v63  }
0xed: {  	_ =	swait.ge [sflag:s16], $0x4000  }
0xee: {  	[sflag:s16] =	ssyncset.done $0x0  }
0xef: {  	s8 =	sadd.s32 $0xB000, s18;
	[sflag:s16] =	ssyncadd.s32 $0xFFFFC000  }
0xf0: {  	[hbm4b:s8+s2] =	stream.linear.scatter [tilespmem:s12], [sflag:$0x9], $0x4000, $0x38;
	[tilespmem:$0x12400] =	vst v63  }
0xf1: {  	_ =	swait.ge [sflag:s19], $0x4000  }
0xf2: {  	s21 =	smov.u32 s7;
	[sflag:s19] =	ssyncset.done $0x0;
	s23 =	rddreg [dreg:$0x17]  }
0xf3: {  	s9 =	sadd.s32 $0xB800, s18;
	[sflag:s19] =	ssyncadd.s32 $0xFFFFC000;
	p0 =	slt.s32 s23, s7  }
0xf4: {  	[hbm4b:s9+s2] =	stream.linear.scatter [tilespmem:s15], [sflag:$0xA], $0x4000, $0x38;
	[tilespmem:$0x12400] =	vst v63  }
0xf5: {  	s21 =	smov.u32 @p0 s23;
	_ =	swait.ge [sflag:s29], $0x400  }
0xf6: {  	s21 =	sshll.u32 s21, $0x4;
	[sflag:s29] =	ssyncset.done $0x0  }
0xf7: {  	s21 =	sadd.s32 s31, s21;
	[sflag:s29] =	ssyncadd.s32 $0xFFFFFC00  }
0xf8: {  	[tilespmem:s2], [sflag:$0x1] =	stream.linear.gather [hbm4b:s21+s2], $0x400, $0x38;
	[tilespmem:$0x12400] =	vst v63  }
0xf9: {  	_ =	swait.ge [sflag:s17], $0x4000  }
0xfa: {  	[sflag:s17] =	ssyncset.done $0x0  }
0xfb: {  	[sflag:s17] =	ssyncadd.s32 $0xFFFFC000  }
0xfc: {  	[tilespmem:s4], [sflag:$0x3] =	stream.indirect.gather [spmem:s5], $0x80, s0, s1, $0xb8;
	[tilespmem:$0x12400] =	vst v63  }
0xfd: {  	_ =	swait.ge [sflag:s20], $0x4000  }
0xfe: {  	[sflag:s20] =	ssyncset.done $0x0  }
0xff: {  	[sflag:s20] =	ssyncadd.s32 $0xFFFFC000  }
0x100: {  	[tilespmem:s6], [sflag:$0x4] =	stream.indirect.gather [spmem:s5], $0x80, s3, s1, $0xb8;
	[tilespmem:$0x12400] =	vst v63  }
0x101: {  	_ =	swait.ge [sflag:s10], $0x4000  }
0x102: {  	[sflag:s10] =	ssyncset.done $0x0  }
0x103: {  	s11 =	sadd.s32 $0xC000, s18;
	[sflag:s10] =	ssyncadd.s32 $0xFFFFC000  }
0x104: {  	[hbm4b:s11+s2] =	stream.linear.scatter [tilespmem:s4], [sflag:$0x7], $0x4000, $0x38;
	[tilespmem:$0x12400] =	vst v63  }
0x105: {  	_ =	swait.ge [sflag:s22], $0x4000  }
0x106: {  	[sflag:s22] =	ssyncset.done $0x0  }
0x107: {  	s24 =	simm.s32 $0x500;
	[sflag:s22] =	ssyncadd.s32 $0xFFFFC000  }
0x108: {  	[tilespmem:s12], [sflag:$0x5] =	stream.indirect.gather [spmem:s5], $0x80, s24, s1, $0xb8;
	[tilespmem:$0x12400] =	vst v63  }
0x109: {  	_ =	swait.ge [sflag:s13], $0x4000  }
0x10a: {  	[sflag:s13] =	ssyncset.done $0x0  }
0x10b: {  	s25 =	sadd.s32 $0xC800, s18;
	[sflag:s13] =	ssyncadd.s32 $0xFFFFC000  }
0x10c: {  	[hbm4b:s25+s2] =	stream.linear.scatter [tilespmem:s6], [sflag:$0x8], $0x4000, $0x38;
	[tilespmem:$0x12400] =	vst v63  }
0x10d: {  	_ =	swait.ge [sflag:s26], $0x4000  }
0x10e: {  	[sflag:s26] =	ssyncset.done $0x0  }
0x10f: {  	s30 =	simm.s32 $0x580;
	[sflag:s26] =	ssyncadd.s32 $0xFFFFC000  }
0x110: {  	[tilespmem:s15], [sflag:$0x6] =	stream.indirect.gather [spmem:s5], $0x80, s30, s1, $0xb8;
	[tilespmem:$0x12400] =	vst v63  }
0x111: {  	_ =	swait.ge [sflag:s16], $0x4000  }
0x112: {  	[sflag:s16] =	ssyncset.done $0x0  }
0x113: {  	s0 =	sadd.s32 $0xD000, s18;
	[sflag:s16] =	ssyncadd.s32 $0xFFFFC000  }
0x114: {  	[hbm4b:s0+s2] =	stream.linear.scatter [tilespmem:s12], [sflag:$0x9], $0x4000, $0x38;
	[tilespmem:$0x12400] =	vst v63  }
0x115: {  	_ =	swait.ge [sflag:s17], $0x4000  }
0x116: {  	[sflag:s17] =	ssyncset.done $0x0  }
0x117: {  	s3 =	simm.s32 $0x600;
	[sflag:s17] =	ssyncadd.s32 $0xFFFFC000  }
0x118: {  	[tilespmem:s4], [sflag:$0x3] =	stream.indirect.gather [spmem:s5], $0x80, s3, s1, $0xb8;
	[tilespmem:$0x12400] =	vst v63  }
0x119: {  	_ =	swait.ge [sflag:s19], $0x4000  }
0x11a: {  	[sflag:s19] =	ssyncset.done $0x0  }
0x11b: {  	s8 =	sadd.s32 $0xD800, s18;
	[sflag:s19] =	ssyncadd.s32 $0xFFFFC000  }
0x11c: {  	[hbm4b:s8+s2] =	stream.linear.scatter [tilespmem:s15], [sflag:$0xA], $0x4000, $0x38;
	[tilespmem:$0x12400] =	vst v63  }
0x11d: {  	_ =	swait.ge [sflag:s20], $0x4000  }
0x11e: {  	[sflag:s20] =	ssyncset.done $0x0  }
0x11f: {  	s9 =	simm.s32 $0x680;
	[sflag:s20] =	ssyncadd.s32 $0xFFFFC000  }
0x120: {  	[tilespmem:s6], [sflag:$0x4] =	stream.indirect.gather [spmem:s5], $0x80, s9, s1, $0xb8;
	[tilespmem:$0x12400] =	vst v63  }
0x121: {  	_ =	swait.ge [sflag:s10], $0x4000  }
0x122: {  	[sflag:s10] =	ssyncset.done $0x0  }
0x123: {  	s11 =	sadd.s32 $0xE000, s18;
	[sflag:s10] =	ssyncadd.s32 $0xFFFFC000  }
0x124: {  	[hbm4b:s11+s2] =	stream.linear.scatter [tilespmem:s4], [sflag:$0x7], $0x4000, $0x38;
	[tilespmem:$0x12400] =	vst v63  }
0x125: {  	_ =	swait.ge [sflag:s22], $0x4000  }
0x126: {  	[sflag:s22] =	ssyncset.done $0x0  }
0x127: {  	s21 =	simm.s32 $0x700;
	[sflag:s22] =	ssyncadd.s32 $0xFFFFC000  }
0x128: {  	[tilespmem:s12], [sflag:$0x5] =	stream.indirect.gather [spmem:s5], $0x80, s21, s1, $0xb8;
	[tilespmem:$0x12400] =	vst v63  }
0x129: {  	_ =	swait.ge [sflag:s13], $0x4000  }
0x12a: {  	[sflag:s13] =	ssyncset.done $0x0  }
0x12b: {  	s24 =	sadd.s32 $0xE800, s18;
	[sflag:s13] =	ssyncadd.s32 $0xFFFFC000  }
0x12c: {  	[hbm4b:s24+s2] =	stream.linear.scatter [tilespmem:s6], [sflag:$0x8], $0x4000, $0x38;
	[tilespmem:$0x12400] =	vst v63  }
0x12d: {  	_ =	swait.ge [sflag:s26], $0x4000  }
0x12e: {  	[sflag:s26] =	ssyncset.done $0x0  }
0x12f: {  	s25 =	simm.s32 $0x780;
	[sflag:s26] =	ssyncadd.s32 $0xFFFFC000  }
0x130: {  	[tilespmem:s15], [sflag:$0x6] =	stream.indirect.gather [spmem:s5], $0x80, s25, s1, $0xb8;
	[tilespmem:$0x12400] =	vst v63  }
0x131: {  	_ =	swait.ge [sflag:s16], $0x4000  }
0x132: {  	[sflag:s16] =	ssyncset.done $0x0  }
0x133: {  	s30 =	sadd.s32 $0xF000, s18;
	s18 =	sadd.s32 $0xF800, s18;
	[sflag:s16] =	ssyncadd.s32 $0xFFFFC000  }
0x134: {  	[hbm4b:s30+s2] =	stream.linear.scatter [tilespmem:s12], [sflag:$0x9], $0x4000, $0x38;
	[tilespmem:$0x12400] =	vst v63  }
0x135: {  	s0 =	simm.s32 $0x280;
	s3 =	simm.s32 $0x480;
	_ =	swait.ge [sflag:s19], $0x4000  }
0x136: {  	s8 =	simm.s32 $0x400;
	s9 =	simm.s32 $0x180;
	[sflag:s19] =	ssyncset.done $0x0  }
0x137: {  	s11 =	simm.s32 $0x380;
	s21 =	smov.u32 s23;
	[sflag:s19] =	ssyncadd.s32 $0xFFFFC000  }
0x138: {  	[hbm4b:s18+s2] =	stream.linear.scatter [tilespmem:s15], [sflag:$0xA], $0x4000, $0x38;
	[tilespmem:$0x12400] =	vst v63  }
0x139: {  	s23 =	smov.u32 s28;
	s24 =	simm.s32 $0x300;
	_ =	swait.ge [sflag:s14], $0x400  }
0x13a: {  	s25 =	simm.s32 $0x200;
	s18 =	simm.s32 $0x8000;
	[sflag:s14] =	ssyncset.done $0x0  }
.LBB2_2:
0x13b: {  	[sflag:s14] =	ssyncadd.s32 $0xFFFFFC00;
	s23 =	sadd.s32 $0x100, s23  }
0x13c: {  	[tilespmem:s8], [sflag:$0x2] =	stream.linear.gather [hbm4b:s23+s2], $0x400, $0x38;
	[tilespmem:$0x12400] =	vst v63  }
0x13d: {  	_ =	swait.ge [sflag:s17], $0x4000  }
0x13e: {  	[sflag:s17] =	ssyncset.done $0x0  }
0x13f: {  	[sflag:s17] =	ssyncadd.s32 $0xFFFFC000  }
0x140: {  	[tilespmem:s4], [sflag:$0x3] =	stream.indirect.gather [spmem:s5], $0x80, s2, s1, $0xb8;
	[tilespmem:$0x12400] =	vst v63  }
0x141: {  	_ =	swait.ge [sflag:s20], $0x4000  }
0x142: {  	[sflag:s20] =	ssyncset.done $0x0  }
0x143: {  	[sflag:s20] =	ssyncadd.s32 $0xFFFFC000  }
0x144: {  	[tilespmem:s6], [sflag:$0x4] =	stream.indirect.gather [spmem:s5], $0x80, s1, s1, $0xb8;
	[tilespmem:$0x12400] =	vst v63  }
0x145: {  	_ =	swait.ge [sflag:s10], $0x4000  }
0x146: {  	s28 =	smov.u32 s18;
	s30 =	rddreg [dreg:$0x4]  }
0x147: {  	[sflag:s10] =	ssyncset.done $0x0;
	s28 =	sadd.s32 s28, s30  }
0x148: {  	[sflag:s10] =	ssyncadd.s32 $0xFFFFC000;
	s30 =	sadd.s32 $0x8000, s28  }
0x149: {  	[hbm4b:s30+s2] =	stream.linear.scatter [tilespmem:s4], [sflag:$0x7], $0x4000, $0x38;
	[tilespmem:$0x12400] =	vst v63  }
0x14a: {  	_ =	swait.ge [sflag:s22], $0x4000  }
0x14b: {  	[sflag:s22] =	ssyncset.done $0x0  }
0x14c: {  	s30 =	simm.s32 $0x100;
	[sflag:s22] =	ssyncadd.s32 $0xFFFFC000  }
0x14d: {  	[tilespmem:s12], [sflag:$0x5] =	stream.indirect.gather [spmem:s5], $0x80, s30, s1, $0xb8;
	[tilespmem:$0x12400] =	vst v63  }
0x14e: {  	_ =	swait.ge [sflag:s13], $0x4000  }
0x14f: {  	[sflag:s13] =	ssyncset.done $0x0  }
0x150: {  	s30 =	sadd.s32 $0x8800, s28;
	[sflag:s13] =	ssyncadd.s32 $0xFFFFC000  }
0x151: {  	[hbm4b:s30+s2] =	stream.linear.scatter [tilespmem:s6], [sflag:$0x8], $0x4000, $0x38;
	[tilespmem:$0x12400] =	vst v63  }
0x152: {  	_ =	swait.ge [sflag:s26], $0x4000  }
0x153: {  	[sflag:s26] =	ssyncset.done $0x0  }
0x154: {  	[sflag:s26] =	ssyncadd.s32 $0xFFFFC000  }
0x155: {  	[tilespmem:s15], [sflag:$0x6] =	stream.indirect.gather [spmem:s5], $0x80, s9, s1, $0xb8;
	[tilespmem:$0x12400] =	vst v63  }
0x156: {  	_ =	swait.ge [sflag:s16], $0x4000  }
0x157: {  	[sflag:s16] =	ssyncset.done $0x0  }
0x158: {  	s30 =	sadd.s32 $0x9000, s28;
	[sflag:s16] =	ssyncadd.s32 $0xFFFFC000  }
0x159: {  	[hbm4b:s30+s2] =	stream.linear.scatter [tilespmem:s12], [sflag:$0x9], $0x4000, $0x38;
	[tilespmem:$0x12400] =	vst v63  }
0x15a: {  	_ =	swait.ge [sflag:s17], $0x4000  }
0x15b: {  	[sflag:s17] =	ssyncset.done $0x0  }
0x15c: {  	[sflag:s17] =	ssyncadd.s32 $0xFFFFC000  }
0x15d: {  	[tilespmem:s4], [sflag:$0x3] =	stream.indirect.gather [spmem:s5], $0x80, s25, s1, $0xb8;
	[tilespmem:$0x12400] =	vst v63  }
0x15e: {  	_ =	swait.ge [sflag:s19], $0x4000  }
0x15f: {  	[sflag:s19] =	ssyncset.done $0x0  }
0x160: {  	s30 =	sadd.s32 $0x9800, s28;
	[sflag:s19] =	ssyncadd.s32 $0xFFFFC000  }
0x161: {  	[hbm4b:s30+s2] =	stream.linear.scatter [tilespmem:s15], [sflag:$0xA], $0x4000, $0x38;
	[tilespmem:$0x12400] =	vst v63  }
0x162: {  	_ =	swait.ge [sflag:s20], $0x4000  }
0x163: {  	[sflag:s20] =	ssyncset.done $0x0  }
0x164: {  	[sflag:s20] =	ssyncadd.s32 $0xFFFFC000  }
0x165: {  	[tilespmem:s6], [sflag:$0x4] =	stream.indirect.gather [spmem:s5], $0x80, s0, s1, $0xb8;
	[tilespmem:$0x12400] =	vst v63  }
0x166: {  	_ =	swait.ge [sflag:s10], $0x4000  }
0x167: {  	[sflag:s10] =	ssyncset.done $0x0  }
0x168: {  	s30 =	sadd.s32 $0xA000, s28;
	[sflag:s10] =	ssyncadd.s32 $0xFFFFC000  }
0x169: {  	[hbm4b:s30+s2] =	stream.linear.scatter [tilespmem:s4], [sflag:$0x7], $0x4000, $0x38;
	[tilespmem:$0x12400] =	vst v63  }
0x16a: {  	_ =	swait.ge [sflag:s22], $0x4000  }
0x16b: {  	[sflag:s22] =	ssyncset.done $0x0  }
0x16c: {  	[sflag:s22] =	ssyncadd.s32 $0xFFFFC000  }
0x16d: {  	[tilespmem:s12], [sflag:$0x5] =	stream.indirect.gather [spmem:s5], $0x80, s24, s1, $0xb8;
	[tilespmem:$0x12400] =	vst v63  }
0x16e: {  	_ =	swait.ge [sflag:s13], $0x4000  }
0x16f: {  	[sflag:s13] =	ssyncset.done $0x0  }
0x170: {  	s30 =	sadd.s32 $0xA800, s28;
	[sflag:s13] =	ssyncadd.s32 $0xFFFFC000  }
0x171: {  	[hbm4b:s30+s2] =	stream.linear.scatter [tilespmem:s6], [sflag:$0x8], $0x4000, $0x38;
	[tilespmem:$0x12400] =	vst v63  }
0x172: {  	_ =	swait.ge [sflag:s26], $0x4000  }
0x173: {  	[sflag:s26] =	ssyncset.done $0x0  }
0x174: {  	[sflag:s26] =	ssyncadd.s32 $0xFFFFC000  }
0x175: {  	[tilespmem:s15], [sflag:$0x6] =	stream.indirect.gather [spmem:s5], $0x80, s11, s1, $0xb8;
	[tilespmem:$0x12400] =	vst v63  }
0x176: {  	_ =	swait.ge [sflag:s16], $0x4000  }
0x177: {  	[sflag:s16] =	ssyncset.done $0x0  }
0x178: {  	s30 =	sadd.s32 $0xB000, s28;
	[sflag:s16] =	ssyncadd.s32 $0xFFFFC000  }
0x179: {  	[hbm4b:s30+s2] =	stream.linear.scatter [tilespmem:s12], [sflag:$0x9], $0x4000, $0x38;
	[tilespmem:$0x12400] =	vst v63  }
0x17a: {  	_ =	swait.ge [sflag:s19], $0x4000  }
0x17b: {  	[sflag:s19] =	ssyncset.done $0x0  }
0x17c: {  	s21 =	sadd.s32 $0x10, s21;
	s30 =	sadd.s32 $0xB800, s28;
	[sflag:s19] =	ssyncadd.s32 $0xFFFFC000  }
0x17d: {  	[hbm4b:s30+s2] =	stream.linear.scatter [tilespmem:s15], [sflag:$0xA], $0x4000, $0x38;
	[tilespmem:$0x12400] =	vst v63  }
0x17e: {  	p1 =	slt.s32 s21, s7;
	s30 =	smov.u32 s7  }
0x17f: {  	_ =	swait.ge [sflag:s29], $0x400;
	s30 =	smov.u32 @p1 s21  }
0x180: {  	[sflag:s29] =	ssyncset.done $0x0;
	s30 =	sshll.u32 s30, $0x4  }
0x181: {  	[sflag:s29] =	ssyncadd.s32 $0xFFFFFC00;
	s30 =	sadd.s32 s31, s30  }
0x182: {  	[tilespmem:s2], [sflag:$0x1] =	stream.linear.gather [hbm4b:s30+s2], $0x400, $0x38;
	[tilespmem:$0x12400] =	vst v63  }
0x183: {  	_ =	swait.ge [sflag:s17], $0x4000  }
0x184: {  	[sflag:s17] =	ssyncset.done $0x0  }
0x185: {  	[sflag:s17] =	ssyncadd.s32 $0xFFFFC000  }
0x186: {  	[tilespmem:s4], [sflag:$0x3] =	stream.indirect.gather [spmem:s5], $0x80, s8, s1, $0xb8;
	[tilespmem:$0x12400] =	vst v63  }
0x187: {  	_ =	swait.ge [sflag:s20], $0x4000  }
0x188: {  	[sflag:s20] =	ssyncset.done $0x0  }
0x189: {  	[sflag:s20] =	ssyncadd.s32 $0xFFFFC000  }
0x18a: {  	[tilespmem:s6], [sflag:$0x4] =	stream.indirect.gather [spmem:s5], $0x80, s3, s1, $0xb8;
	[tilespmem:$0x12400] =	vst v63  }
0x18b: {  	_ =	swait.ge [sflag:s10], $0x4000  }
0x18c: {  	[sflag:s10] =	ssyncset.done $0x0  }
0x18d: {  	s30 =	sadd.s32 $0xC000, s28;
	[sflag:s10] =	ssyncadd.s32 $0xFFFFC000  }
0x18e: {  	[hbm4b:s30+s2] =	stream.linear.scatter [tilespmem:s4], [sflag:$0x7], $0x4000, $0x38;
	[tilespmem:$0x12400] =	vst v63  }
0x18f: {  	_ =	swait.ge [sflag:s22], $0x4000  }
0x190: {  	[sflag:s22] =	ssyncset.done $0x0  }
0x191: {  	s30 =	simm.s32 $0x500;
	[sflag:s22] =	ssyncadd.s32 $0xFFFFC000  }
0x192: {  	[tilespmem:s12], [sflag:$0x5] =	stream.indirect.gather [spmem:s5], $0x80, s30, s1, $0xb8;
	[tilespmem:$0x12400] =	vst v63  }
0x193: {  	_ =	swait.ge [sflag:s13], $0x4000  }
0x194: {  	[sflag:s13] =	ssyncset.done $0x0  }
0x195: {  	s30 =	sadd.s32 $0xC800, s28;
	[sflag:s13] =	ssyncadd.s32 $0xFFFFC000  }
0x196: {  	[hbm4b:s30+s2] =	stream.linear.scatter [tilespmem:s6], [sflag:$0x8], $0x4000, $0x38;
	[tilespmem:$0x12400] =	vst v63  }
0x197: {  	_ =	swait.ge [sflag:s26], $0x4000  }
0x198: {  	[sflag:s26] =	ssyncset.done $0x0  }
0x199: {  	s30 =	simm.s32 $0x580;
	[sflag:s26] =	ssyncadd.s32 $0xFFFFC000  }
0x19a: {  	[tilespmem:s15], [sflag:$0x6] =	stream.indirect.gather [spmem:s5], $0x80, s30, s1, $0xb8;
	[tilespmem:$0x12400] =	vst v63  }
0x19b: {  	_ =	swait.ge [sflag:s16], $0x4000  }
0x19c: {  	[sflag:s16] =	ssyncset.done $0x0  }
0x19d: {  	s30 =	sadd.s32 $0xD000, s28;
	[sflag:s16] =	ssyncadd.s32 $0xFFFFC000  }
0x19e: {  	[hbm4b:s30+s2] =	stream.linear.scatter [tilespmem:s12], [sflag:$0x9], $0x4000, $0x38;
	[tilespmem:$0x12400] =	vst v63  }
0x19f: {  	_ =	swait.ge [sflag:s17], $0x4000  }
0x1a0: {  	[sflag:s17] =	ssyncset.done $0x0  }
0x1a1: {  	s30 =	simm.s32 $0x600;
	[sflag:s17] =	ssyncadd.s32 $0xFFFFC000  }
0x1a2: {  	[tilespmem:s4], [sflag:$0x3] =	stream.indirect.gather [spmem:s5], $0x80, s30, s1, $0xb8;
	[tilespmem:$0x12400] =	vst v63  }
0x1a3: {  	_ =	swait.ge [sflag:s19], $0x4000  }
0x1a4: {  	[sflag:s19] =	ssyncset.done $0x0  }
0x1a5: {  	s30 =	sadd.s32 $0xD800, s28;
	[sflag:s19] =	ssyncadd.s32 $0xFFFFC000  }
0x1a6: {  	[hbm4b:s30+s2] =	stream.linear.scatter [tilespmem:s15], [sflag:$0xA], $0x4000, $0x38;
	[tilespmem:$0x12400] =	vst v63  }
0x1a7: {  	_ =	swait.ge [sflag:s20], $0x4000  }
0x1a8: {  	[sflag:s20] =	ssyncset.done $0x0  }
0x1a9: {  	s30 =	simm.s32 $0x680;
	[sflag:s20] =	ssyncadd.s32 $0xFFFFC000  }
0x1aa: {  	[tilespmem:s6], [sflag:$0x4] =	stream.indirect.gather [spmem:s5], $0x80, s30, s1, $0xb8;
	[tilespmem:$0x12400] =	vst v63  }
0x1ab: {  	_ =	swait.ge [sflag:s10], $0x4000  }
0x1ac: {  	[sflag:s10] =	ssyncset.done $0x0  }
0x1ad: {  	s30 =	sadd.s32 $0xE000, s28;
	[sflag:s10] =	ssyncadd.s32 $0xFFFFC000  }
0x1ae: {  	[hbm4b:s30+s2] =	stream.linear.scatter [tilespmem:s4], [sflag:$0x7], $0x4000, $0x38;
	[tilespmem:$0x12400] =	vst v63  }
0x1af: {  	_ =	swait.ge [sflag:s22], $0x4000  }
0x1b0: {  	[sflag:s22] =	ssyncset.done $0x0  }
0x1b1: {  	s30 =	simm.s32 $0x700;
	[sflag:s22] =	ssyncadd.s32 $0xFFFFC000  }
0x1b2: {  	[tilespmem:s12], [sflag:$0x5] =	stream.indirect.gather [spmem:s5], $0x80, s30, s1, $0xb8;
	[tilespmem:$0x12400] =	vst v63  }
0x1b3: {  	_ =	swait.ge [sflag:s13], $0x4000  }
0x1b4: {  	[sflag:s13] =	ssyncset.done $0x0  }
0x1b5: {  	s30 =	sadd.s32 $0xE800, s28;
	[sflag:s13] =	ssyncadd.s32 $0xFFFFC000  }
0x1b6: {  	[hbm4b:s30+s2] =	stream.linear.scatter [tilespmem:s6], [sflag:$0x8], $0x4000, $0x38;
	[tilespmem:$0x12400] =	vst v63  }
0x1b7: {  	_ =	swait.ge [sflag:s26], $0x4000  }
0x1b8: {  	[sflag:s26] =	ssyncset.done $0x0  }
0x1b9: {  	s30 =	simm.s32 $0x780;
	[sflag:s26] =	ssyncadd.s32 $0xFFFFC000  }
0x1ba: {  	[tilespmem:s15], [sflag:$0x6] =	stream.indirect.gather [spmem:s5], $0x80, s30, s1, $0xb8;
	[tilespmem:$0x12400] =	vst v63  }
0x1bb: {  	_ =	swait.ge [sflag:s16], $0x4000  }
0x1bc: {  	[sflag:s16] =	ssyncset.done $0x0  }
0x1bd: {  	s30 =	sadd.s32 $0xF000, s28;
	[sflag:s16] =	ssyncadd.s32 $0xFFFFC000  }
0x1be: {  	[hbm4b:s30+s2] =	stream.linear.scatter [tilespmem:s12], [sflag:$0x9], $0x4000, $0x38;
	[tilespmem:$0x12400] =	vst v63  }
0x1bf: {  	p0 =	sne.s32 s18, $0x180000;
	_ =	swait.ge [sflag:s19], $0x4000  }
.Ltmp0:
0x1c0: {  	[sflag:s19] =	ssyncset.done $0x0;
	(pc) =	sbr.rel @p0 .LBB2_2-.Ltmp0, $4  }
0x1c1: {  	s28 =	sadd.s32 $0xF800, s28;
	[sflag:s19] =	ssyncadd.s32 $0xFFFFC000  }
0x1c2: {  	[hbm4b:s28+s2] =	stream.linear.scatter [tilespmem:s15], [sflag:$0xA], $0x4000, $0x38;
	[tilespmem:$0x12400] =	vst v63  }
0x1c3: {  	_ =	swait.ge [sflag:s14], $0x400  }
0x1c4: {  	s18 =	sadd.s32 $0x8000, s18;
	[sflag:s14] =	ssyncset.done $0x0  }
0x1c5: {  	[sflag:s14] =	ssyncadd.s32 $0xFFFFFC00  }
0x1c6: {  	_ =	swait.ge [sflag:s17], $0x4000  }
0x1c7: {  	[sflag:s17] =	ssyncset.done $0x0  }
0x1c8: {  	[sflag:s17] =	ssyncadd.s32 $0xFFFFC000  }
0x1c9: {  	_ =	swait.ge [sflag:s20], $0x4000  }
0x1ca: {  	[sflag:s20] =	ssyncset.done $0x0  }
0x1cb: {  	[sflag:s20] =	ssyncadd.s32 $0xFFFFC000  }
0x1cc: {  	_ =	swait.ge [sflag:s22], $0x4000  }
0x1cd: {  	[sflag:s22] =	ssyncset.done $0x0  }
0x1ce: {  	[sflag:s22] =	ssyncadd.s32 $0xFFFFC000  }
0x1cf: {  	_ =	swait.ge [sflag:s26], $0x4000  }
0x1d0: {  	s21 =	rddreg [dreg:$0x1d]  }
0x1d1: {  	s18 =	rddreg [dreg:$0x16];
	s21 =	sadd.s32 $0x1, s21  }
0x1d2: {  	p0 =	sne.s32 s21, s18  }
.Ltmp1:
0x1d3: {  	_ = 	snop;
	(pc) =	sbr.rel @p0 .LBB2_1-.Ltmp1, $4  }
0x1d4: {  	s8 =	simm.s32 $0x100;
	s9 =	simm.s32 $0x180  }
0x1d5: {  	s25 =	simm.s32 $0x200;
	s30 =	simm.s32 $0x280;
	s24 =	simm.s32 $0x300  }
0x1d6: {  	s11 =	simm.s32 $0x380;
	s3 =	simm.s32 $0x480;
	[sflag:s26] =	ssyncset.done $0x0  }
0x1d7: {  	s0 =	simm.s32 $0x400;
	s28 =	simm.s32 $0x500;
	[sflag:s26] =	ssyncadd.s32 $0xFFFFC000  }
0x1d8: {  	_ =	sfence.sel $0x180000  }
0x1d9: {  	[bflag:$0x0] =	sbarrier.arrive $0xFFFF  }
0x1da: {  	_ =	strace $0x90000047  }
0x1db: {  	s0 =	stileid.u32;
	[bflag:$0x2] =	sbarrier.arrive $0xFFFF  }
0x1dc: {  	p0 =	sne.s32 s0, $0x0;
	s0 =	rddreg [dreg:$0x3]  }
0x1dd: {  	s0 =	sadd.s32 @!p0 $0x100000, s0  }
0x1de: {  	[sflag:s0] =	ssyncadd.tile.s32 @!p0 $0x1;
	_ =	shalt  }
.Lfunc_end2:
_tile_overlayer_lowered:
.L_overlay_start_2:
0x1df: {  	(tag) =	ssettag $0x2  }
0x1e0: {  	s0 =	rddreg [dreg:$0x0];
	s2 =	stileid.u32  }
0x1e1: {  	s1 =	rddreg [dreg:$0x1];
	p0 =	sne.s32 s2, $0x0  }
0x1e2: {  	s3 =	rddreg [dreg:$0x2];
	[bflag:$0x3] =	sbarrier.arrive $0xFFFF;
	s2 =	simm.s32 @!p0 $0x1C0B  }
0x1e3: {  	[timem:s3], [sflag:s2] =	dma.local @!p0 [hbm:s0], s1  }
0x1e4: {  	s0 =	simm.s32 @!p0 $0xB  }
0x1e5: {  	_ =	swait.ge @!p0 [sflag:s0], s1  }
0x1e6: {  	s1 =	ssub.s32 @!p0 $0x0, s1;
	[sflag:s0] =	ssyncset.done @!p0 $0x0  }
0x1e7: {  	[sflag:s0] =	ssyncadd.s32 @!p0 s1  }
0x1e8: {  	[bflag:$0x3] =	sbarrier.arrive $0xFFFF  }
0x1e9: {  	_ =	shalt  }

</sc_bundles>
